<compile_context>
chip_gen: v7x
topology: tpu7x:2x2x1
jax: 0.10.2.dev20260603
libtpu: 0.0.44.dev20260713+nightly
codegen_flags: <defaults>
</compile_context>

<pallas_src>
import functools
import jax
import jax.numpy as jnp
from jax.experimental import pallas as pl
from jax.experimental.pallas import tpu as pltpu
from jax.experimental.pallas import tpu_sc as plsc

N = 10000
C_IN = 32
C_OUT = 32
HID = 64
K = 64
Q_TILE = 40
GRID = N // Q_TILE

SC_NC = 2
SC_NS = 16
SC_NW = SC_NC * SC_NS
GCH = 128
PACK = 128


def _ln(x, g, b, eps=1e-5):
    m = jnp.mean(x, axis=-1, keepdims=True)
    v = jnp.mean((x - m) * (x - m), axis=-1, keepdims=True)
    return (x - m) * jax.lax.rsqrt(v + eps) * g + b


def _gelu(x):
    return x * 0.5 * (1.0 + jax.lax.erf(x * 0.7071067811865476))


def _edge_body(feats_ref, verts_ref, nbr_ref,
               w1a_ref, w1b_ref, w1c_ref, b1_ref, g1_ref, bt1_ref,
               w2_ref, b2_ref,
               wsa_ref, wsb_ref, wsc_ref, bs_ref, g2_ref, bt2_ref,
               ow1_ref, ob1_ref, og1_ref, obt1_ref,
               ow2_ref, ob2_ref, og2_ref, obt2_ref,
               out_ref):
    E = Q_TILE * K
    self_f = feats_ref[...]
    qv = verts_ref[...]
    nbr = nbr_ref[...]
    nbrF = nbr[:, :C_IN]
    nbrV = nbr[:, C_IN:C_IN + 3]

    selfe = jnp.broadcast_to(self_f[:, None, :], (Q_TILE, K, C_IN)).reshape(E, C_IN)
    rel = (nbrV.reshape(Q_TILE, K, 3) - qv[:, None, :]).reshape(E, 3)

    h = (jnp.dot(selfe, w1a_ref[...], preferred_element_type=jnp.float32)
         + jnp.dot(nbrF, w1b_ref[...], preferred_element_type=jnp.float32)
         + jnp.dot(rel, w1c_ref[...], preferred_element_type=jnp.float32)
         + b1_ref[...])
    h = _gelu(_ln(h, g1_ref[...], bt1_ref[...]))
    h2 = jnp.dot(h, w2_ref[...], preferred_element_type=jnp.float32) + b2_ref[...]
    sc = (jnp.dot(selfe, wsa_ref[...], preferred_element_type=jnp.float32)
          + jnp.dot(nbrF, wsb_ref[...], preferred_element_type=jnp.float32)
          + jnp.dot(rel, wsc_ref[...], preferred_element_type=jnp.float32)
          + bs_ref[...])
    e = _gelu(_ln(h2 + sc, g2_ref[...], bt2_ref[...]))

    red = jnp.mean(e.reshape(Q_TILE, K, C_OUT), axis=1)

    oh = jnp.dot(red, ow1_ref[...], preferred_element_type=jnp.float32) + ob1_ref[...]
    oh = _gelu(_ln(oh, og1_ref[...], obt1_ref[...]))
    oh2 = jnp.dot(oh, ow2_ref[...], preferred_element_type=jnp.float32) + ob2_ref[...]
    out_ref[...] = _gelu(_ln(oh2 + red, og2_ref[...], obt2_ref[...]))


def _rep(shape):
    return pl.BlockSpec(shape, lambda i: (0,) * len(shape))


def _edge_pallas(feats, verts, nbr_packed, weights):
    E = Q_TILE * K
    in_specs = [
        pl.BlockSpec((Q_TILE, C_IN), lambda i: (i, 0)),
        pl.BlockSpec((Q_TILE, 3), lambda i: (i, 0)),
        pl.BlockSpec((E, PACK), lambda i: (i, 0)),
    ] + [_rep(w.shape) for w in weights]
    return pl.pallas_call(
        _edge_body,
        grid=(GRID,),
        in_specs=in_specs,
        out_specs=pl.BlockSpec((Q_TILE, C_OUT), lambda i: (i, 0)),
        out_shape=jax.ShapeDtypeStruct((N, C_OUT), jnp.float32),
    )(feats, verts, nbr_packed, *weights)


def _sc_gather(table, idx):
    B = idx.shape[0]
    nch = B // GCH
    base = nch // SC_NW
    extra = nch - base * SC_NW
    mesh = plsc.VectorSubcoreMesh(core_axis_name="c", subcore_axis_name="s")

    @functools.partial(
        pl.kernel, mesh=mesh,
        out_type=jax.ShapeDtypeStruct((B, PACK), jnp.float32),
        scratch_types=[
            pltpu.VMEM((GCH,), jnp.int32),
            pltpu.VMEM((GCH, PACK), jnp.float32),
            pltpu.SemaphoreType.DMA,
        ],
    )
    def k(table_hbm, idx_hbm, out_hbm, idx_v, rows_v, sem):
        wid = jax.lax.axis_index("s") * SC_NC + jax.lax.axis_index("c")
        trips = base + jnp.where(wid < extra, 1, 0)

        def body(i, carry):
            off = (wid + i * SC_NW) * GCH
            pltpu.sync_copy(idx_hbm.at[pl.ds(off, GCH)], idx_v)
            pltpu.async_copy(table_hbm.at[idx_v], rows_v, sem).wait()
            pltpu.sync_copy(rows_v, out_hbm.at[pl.ds(off, GCH)])
            return carry

        jax.lax.fori_loop(0, trips, body, 0)

    return k(table, idx)


def _knn_idx(in_v, k, chunk=5000, grp=1024, sub=10):
    vn = jnp.sum(in_v * in_v, axis=1)
    npad = grp * sub
    qs = in_v.reshape(N // chunk, chunk, 3)

    sup = 4

    def body(q):
        s = 2.0 * jnp.dot(q, in_v.T, precision=jax.lax.Precision.HIGHEST) - vn[None, :]
        sp = jnp.pad(s, ((0, 0), (0, npad - N)), constant_values=-jnp.inf)
        sg = sp.reshape(chunk, grp, sub)
        m = jnp.max(sg, axis=-1)
        m2 = jnp.max(m.reshape(chunk, grp // sup, sup), axis=-1)
        _, s_idx = jax.lax.top_k(m2, k)
        mcand = jnp.take_along_axis(
            m.reshape(chunk, grp // sup, sup), s_idx[..., None], axis=1)
        _, msel = jax.lax.top_k(mcand.reshape(chunk, k * sup), k)
        gidx = (jnp.take_along_axis(s_idx, msel // sup, axis=1) * sup
                + (msel % sup))
        cand = jnp.take_along_axis(sg, gidx[..., None], axis=1)
        _, sel = jax.lax.top_k(cand.reshape(chunk, k * sub), k)
        g = jnp.take_along_axis(gidx, sel // sub, axis=1)
        return g * sub + (sel % sub)

    idx = jax.lax.map(body, qs)
    return idx.reshape(N * k)


def kernel(vertices, features, e_w1, e_b1, e_g1, e_bt1, e_w2, e_b2, e_ws,
           e_bs, e_g2, e_bt2, o_w1, o_b1, o_g1, o_bt1, o_w2, o_b2, o_g2,
           o_bt2):
    B = vertices.shape[0]
    in_v = vertices.reshape(N, 3)
    feats = features.reshape(N, C_IN)

    idx = _knn_idx(in_v, K)
    table = jnp.concatenate(
        [feats, in_v, jnp.zeros((N, PACK - C_IN - 3), jnp.float32)], axis=1)
    nbr_packed = _sc_gather(table, idx)

    weights = (
        e_w1[:C_IN], e_w1[C_IN:2 * C_IN], e_w1[2 * C_IN:], e_b1, e_g1, e_bt1,
        e_w2, e_b2,
        e_ws[:C_IN], e_ws[C_IN:2 * C_IN], e_ws[2 * C_IN:], e_bs, e_g2, e_bt2,
        o_w1, o_b1, o_g1, o_bt1, o_w2, o_b2, o_g2, o_bt2,
    )
    out = _edge_pallas(feats, in_v, nbr_packed, weights)
    return out.reshape(B, N, C_OUT)

# --- scband reference (transcript-rebuilt; emitter-appended) ---
"""Pipeline reference for scband-point-feature-conv-62801011802167 (READ-ONLY COPY).

The authoritative reference and input builder live on the scoring server;
editing this copy changes nothing except your own understanding.
"""

import jax, jax.numpy as jnp
import numpy as np

N = 10000
C_IN = 32
C_OUT = 32
HID = 64
K = 64
EDGE_IN = C_IN + C_IN + 3


def _layernorm(x, g, b, eps=1e-5):
    m = jnp.mean(x, axis=-1, keepdims=True)
    v = jnp.var(x, axis=-1, keepdims=True)
    return (x - m) * jax.lax.rsqrt(v + eps) * g + b


def _mlp_block(x, w1, b1, g1, bt1, w2, b2, g2, bt2, ws=None, bs=None):
    h = x @ w1 + b1
    h = _layernorm(h, g1, bt1)
    h = jax.nn.gelu(h, approximate=False)
    h = h @ w2 + b2
    sc = x if ws is None else x @ ws + bs
    out = _layernorm(h + sc, g2, bt2)
    return jax.nn.gelu(out, approximate=False)


def _knn(in_v, out_v, k, chunk=2000):
    M = out_v.shape[0]
    qs = out_v.reshape(M // chunk, chunk, 3)
    def body(q):
        d = jnp.sum((q[:, None, :] - in_v[None, :, :]) ** 2, axis=-1)
        _, idx = jax.lax.top_k(-d, k)
        return idx
    idx = jax.lax.map(body, qs)
    return idx.reshape(M * k)


def setup_inputs(seed: int = 0):
    key = jax.random.key(seed)
    ks = jax.random.split(key, 8)
    def lin(k, fi, fo):
        bound = 1.0 / np.sqrt(fi)
        kw, kb = jax.random.split(k)
        w = jax.random.uniform(kw, (fi, fo), minval=-bound, maxval=bound, dtype=jnp.float32)
        b = jax.random.uniform(kb, (fo,), minval=-bound, maxval=bound, dtype=jnp.float32)
        return w, b
    vertices = jax.random.uniform(ks[0], (1, N, 3), dtype=jnp.float32)
    features = jax.random.normal(ks[1], (1, N, C_IN), dtype=jnp.float32)
    e_w1, e_b1 = lin(ks[2], EDGE_IN, HID)
    e_w2, e_b2 = lin(ks[3], HID, C_OUT)
    e_ws, e_bs = lin(ks[4], EDGE_IN, C_OUT)
    o_w1, o_b1 = lin(ks[5], C_OUT, HID)
    o_w2, o_b2 = lin(ks[6], HID, C_OUT)
    return {
        "vertices": vertices, "features": features,
        "e_w1": e_w1, "e_b1": e_b1,
        "e_g1": jnp.ones((HID,), jnp.float32), "e_bt1": jnp.zeros((HID,), jnp.float32),
        "e_w2": e_w2, "e_b2": e_b2, "e_ws": e_ws, "e_bs": e_bs,
        "e_g2": jnp.ones((C_OUT,), jnp.float32), "e_bt2": jnp.zeros((C_OUT,), jnp.float32),
        "o_w1": o_w1, "o_b1": o_b1,
        "o_g1": jnp.ones((HID,), jnp.float32), "o_bt1": jnp.zeros((HID,), jnp.float32),
        "o_w2": o_w2, "o_b2": o_b2,
        "o_g2": jnp.ones((C_OUT,), jnp.float32), "o_bt2": jnp.zeros((C_OUT,), jnp.float32),
    }


def reference(vertices, features, e_w1, e_b1, e_g1, e_bt1, e_w2, e_b2, e_ws, e_bs, e_g2, e_bt2, o_w1, o_b1, o_g1, o_bt1, o_w2, o_b2, o_g2, o_bt2):
    B, n, _ = vertices.shape
    in_v = vertices.reshape(-1, 3)
    feats = features.reshape(-1, C_IN)
    # out_point_feature_type == "same": queries are the input points themselves
    idx = _knn(in_v, in_v, K)
    rep_in = feats[idx]
    self_feat = jnp.repeat(feats, K, axis=0)
    rel = in_v[idx] - jnp.repeat(in_v, K, axis=0)
    edge = jnp.concatenate([self_feat, rep_in, rel], axis=1)
    edge = _mlp_block(edge, e_w1, e_b1, e_g1, e_bt1, e_w2, e_b2, e_g2, e_bt2, e_ws, e_bs)
    red = jnp.mean(edge.reshape(-1, K, C_OUT), axis=1)
    out = _mlp_block(red, o_w1, o_b1, o_g1, o_bt1, o_w2, o_b2, o_g2, o_bt2)
    return out.reshape(B, n, C_OUT)

if __name__ == "__main__":
    import jax
    _d = setup_inputs()
    print(jax.jit(kernel)(*tuple(_d.values())))

</pallas_src>

<mosaic_0001>
#map = affine_map<(d0, d1) -> (0, 0)>
#map1 = affine_map<(d0, d1) -> (0)>
module attributes {stable_mosaic.version = 14 : i64} {
  func.func @k(%arg0: i32, %arg1: i32, %arg2: memref<10000x128xf32, #tpu.memory_space<hbm>>, %arg3: memref<640000xi32, #tpu.memory_space<hbm>>, %arg4: memref<640000x128xf32, #tpu.memory_space<hbm>>, %arg5: memref<128xi32, #tpu.memory_space<vmem>>, %arg6: memref<128x128xf32, #tpu.memory_space<vmem>>, %arg7: memref<!tpu.dma_semaphore, #tpu.memory_space<semaphore_mem>>) attributes {dimension_semantics = [#tpu.dimension_semantics<core_parallel>, #tpu.dimension_semantics<subcore_parallel>], iteration_bounds = array<i64: 2, 16>, scalar_prefetch = 0 : i64, scratch_operands = 3 : i64, tpu.core_type = #tpu.core_type<sc_vector_subcore>, window_params = [{transform_indices = #map}, {transform_indices = #map1}, {transform_indices = #map}]} {
    %mul3A = arith.constant 2 : i32
    %mul3A_0 = arith.muli %arg1, %mul3A : i32
    %add3A = arith.addi %mul3A_0, %arg0 : i32
    %lt3A = arith.constant 8 : i32
    %lt3A_1 = arith.cmpi slt, %add3A, %lt3A : i32
    %jit3A = arith.constant 1 : i32
    %jit3A_2 = arith.constant 0 : i32
    %select_n3A = arith.select %lt3A_1, %jit3A, %jit3A_2 : i32
    %add3A_3 = arith.constant 156 : i32
    %add3A_4 = arith.addi %add3A_3, %select_n3A : i32
    %while3A = arith.constant 0 : i32
    %while3A_5 = arith.constant 0 : i32
    %while3A_6 = arith.subi %add3A_4, %while3A_5 : i32
    %while3A_7 = arith.addi %while3A_5, %while3A_6 : i32
    %while3A_8 = arith.constant 1 : i32
    %while3A_9 = arith.divsi %while3A_6, %while3A_8 : i32
    %while3A_10 = arith.muli %while3A_9, %while3A_8 : i32
    %while3A_11 = arith.addi %while3A_5, %while3A_10 : i32
    %while3A_12 = arith.constant 1 : i32
    scf.for %while3A_14 = %while3A_5 to %while3A_11 step %while3A_12  : i32 {
      %mul3A_15 = arith.constant 32 : i32
      %mul3A_16 = arith.muli %while3A_14, %mul3A_15 : i32
      %add3A_17 = arith.addi %add3A, %mul3A_16 : i32
      %mul3A_18 = arith.constant 128 : i32
      %mul3A_19 = arith.muli %add3A_17, %mul3A_18 : i32
      "tpu.region"() ({
        %run_scoped3A = tpu.sem_alloc : memref<!tpu.dma_semaphore, #tpu.memory_space<semaphore_mem>>
        %dma_start3A_24 = tpu.memref_slice %arg3[%mul3A_19] : memref<640000xi32, #tpu.memory_space<hbm>> -> memref<128xi32, #tpu.memory_space<hbm>>
        %dma_start3A_25 = tpu.memref_slice %arg3[%mul3A_19] : memref<640000xi32, #tpu.memory_space<hbm>> -> memref<128xi32, #tpu.memory_space<hbm>>
        tpu.enqueue_dma source(%dma_start3A_25 : memref<128xi32, #tpu.memory_space<hbm>>) target(%arg5 : memref<128xi32, #tpu.memory_space<vmem>>) target_semaphore(%run_scoped3A : memref<!tpu.dma_semaphore, #tpu.memory_space<semaphore_mem>>)
        %dma_wait3A_26 = tpu.memref_slice %arg3[%mul3A_19] : memref<640000xi32, #tpu.memory_space<hbm>> -> memref<128xi32, #tpu.memory_space<hbm>>
        %dma_wait3A_27 = tpu.memref_slice %arg3[%mul3A_19] : memref<640000xi32, #tpu.memory_space<hbm>> -> memref<128xi32, #tpu.memory_space<hbm>>
        tpu.wait_dma2 semaphore(%run_scoped3A : memref<!tpu.dma_semaphore, #tpu.memory_space<semaphore_mem>>) src(%dma_wait3A_27 : memref<128xi32, #tpu.memory_space<hbm>>) dst(%arg5 : memref<128xi32, #tpu.memory_space<vmem>>)
        tpu.yield
      }) : () -> ()
      %dma_start3A = arith.constant 0 : i32
      %dma_start3A_20 = arith.constant 0 : i32
      %dma_start3A_21 = tpu.memref_slice %arg2[%dma_start3A, %dma_start3A_20] : memref<10000x128xf32, #tpu.memory_space<hbm>> -> memref<10000x128xf32, #tpu.memory_space<hbm>>
      tpu.enqueue_indirect_dma source(%dma_start3A_21 : memref<10000x128xf32, #tpu.memory_space<hbm>>) target(%arg6 : memref<128x128xf32, #tpu.memory_space<vmem>>) offsets(%arg5 : memref<128xi32, #tpu.memory_space<vmem>>) semaphore(%arg7 : memref<!tpu.dma_semaphore, #tpu.memory_space<semaphore_mem>>)
      %dma_wait3A = arith.constant 0 : i32
      %dma_wait3A_22 = arith.constant 0 : i32
      %dma_wait3A_23 = tpu.memref_slice %arg2[%dma_wait3A, %dma_wait3A_22] : memref<10000x128xf32, #tpu.memory_space<hbm>> -> memref<10000x128xf32, #tpu.memory_space<hbm>>
      tpu.wait_indirect_dma semaphore(%arg7 : memref<!tpu.dma_semaphore, #tpu.memory_space<semaphore_mem>>) src(%dma_wait3A_23 : memref<10000x128xf32, #tpu.memory_space<hbm>>) dst(%arg6 : memref<128x128xf32, #tpu.memory_space<vmem>>)
      "tpu.region"() ({
        %run_scoped3A = tpu.sem_alloc : memref<!tpu.dma_semaphore, #tpu.memory_space<semaphore_mem>>
        %dma_start3A_24 = arith.constant 0 : i32
        %dma_start3A_25 = tpu.memref_slice %arg4[%mul3A_19, %dma_start3A_24] : memref<640000x128xf32, #tpu.memory_space<hbm>> -> memref<128x128xf32, #tpu.memory_space<hbm>>
        %dma_start3A_26 = arith.constant 0 : i32
        %dma_start3A_27 = tpu.memref_slice %arg4[%mul3A_19, %dma_start3A_26] : memref<640000x128xf32, #tpu.memory_space<hbm>> -> memref<128x128xf32, #tpu.memory_space<hbm>>
        tpu.enqueue_dma source(%arg6 : memref<128x128xf32, #tpu.memory_space<vmem>>) target(%dma_start3A_27 : memref<128x128xf32, #tpu.memory_space<hbm>>) target_semaphore(%run_scoped3A : memref<!tpu.dma_semaphore, #tpu.memory_space<semaphore_mem>>)
        %dma_wait3A_28 = arith.constant 0 : i32
        %dma_wait3A_29 = tpu.memref_slice %arg4[%mul3A_19, %dma_wait3A_28] : memref<640000x128xf32, #tpu.memory_space<hbm>> -> memref<128x128xf32, #tpu.memory_space<hbm>>
        %dma_wait3A_30 = arith.constant 0 : i32
        %dma_wait3A_31 = tpu.memref_slice %arg4[%mul3A_19, %dma_wait3A_30] : memref<640000x128xf32, #tpu.memory_space<hbm>> -> memref<128x128xf32, #tpu.memory_space<hbm>>
        tpu.wait_dma2 semaphore(%run_scoped3A : memref<!tpu.dma_semaphore, #tpu.memory_space<semaphore_mem>>) src(%arg6 : memref<128x128xf32, #tpu.memory_space<vmem>>) dst(%dma_wait3A_31 : memref<128x128xf32, #tpu.memory_space<hbm>>)
        tpu.yield
      }) : () -> ()
    }
    %while3A_13 = arith.constant 1 : i32
    scf.for %while3A_14 = %while3A_11 to %while3A_7 step %while3A_13  : i32 {
      %mul3A_15 = arith.constant 32 : i32
      %mul3A_16 = arith.muli %while3A_14, %mul3A_15 : i32
      %add3A_17 = arith.addi %add3A, %mul3A_16 : i32
      %mul3A_18 = arith.constant 128 : i32
      %mul3A_19 = arith.muli %add3A_17, %mul3A_18 : i32
      "tpu.region"() ({
        %run_scoped3A = tpu.sem_alloc : memref<!tpu.dma_semaphore, #tpu.memory_space<semaphore_mem>>
        %dma_start3A_24 = tpu.memref_slice %arg3[%mul3A_19] : memref<640000xi32, #tpu.memory_space<hbm>> -> memref<128xi32, #tpu.memory_space<hbm>>
        %dma_start3A_25 = tpu.memref_slice %arg3[%mul3A_19] : memref<640000xi32, #tpu.memory_space<hbm>> -> memref<128xi32, #tpu.memory_space<hbm>>
        tpu.enqueue_dma source(%dma_start3A_25 : memref<128xi32, #tpu.memory_space<hbm>>) target(%arg5 : memref<128xi32, #tpu.memory_space<vmem>>) target_semaphore(%run_scoped3A : memref<!tpu.dma_semaphore, #tpu.memory_space<semaphore_mem>>)
        %dma_wait3A_26 = tpu.memref_slice %arg3[%mul3A_19] : memref<640000xi32, #tpu.memory_space<hbm>> -> memref<128xi32, #tpu.memory_space<hbm>>
        %dma_wait3A_27 = tpu.memref_slice %arg3[%mul3A_19] : memref<640000xi32, #tpu.memory_space<hbm>> -> memref<128xi32, #tpu.memory_space<hbm>>
        tpu.wait_dma2 semaphore(%run_scoped3A : memref<!tpu.dma_semaphore, #tpu.memory_space<semaphore_mem>>) src(%dma_wait3A_27 : memref<128xi32, #tpu.memory_space<hbm>>) dst(%arg5 : memref<128xi32, #tpu.memory_space<vmem>>)
        tpu.yield
      }) : () -> ()
      %dma_start3A = arith.constant 0 : i32
      %dma_start3A_20 = arith.constant 0 : i32
      %dma_start3A_21 = tpu.memref_slice %arg2[%dma_start3A, %dma_start3A_20] : memref<10000x128xf32, #tpu.memory_space<hbm>> -> memref<10000x128xf32, #tpu.memory_space<hbm>>
      tpu.enqueue_indirect_dma source(%dma_start3A_21 : memref<10000x128xf32, #tpu.memory_space<hbm>>) target(%arg6 : memref<128x128xf32, #tpu.memory_space<vmem>>) offsets(%arg5 : memref<128xi32, #tpu.memory_space<vmem>>) semaphore(%arg7 : memref<!tpu.dma_semaphore, #tpu.memory_space<semaphore_mem>>)
      %dma_wait3A = arith.constant 0 : i32
      %dma_wait3A_22 = arith.constant 0 : i32
      %dma_wait3A_23 = tpu.memref_slice %arg2[%dma_wait3A, %dma_wait3A_22] : memref<10000x128xf32, #tpu.memory_space<hbm>> -> memref<10000x128xf32, #tpu.memory_space<hbm>>
      tpu.wait_indirect_dma semaphore(%arg7 : memref<!tpu.dma_semaphore, #tpu.memory_space<semaphore_mem>>) src(%dma_wait3A_23 : memref<10000x128xf32, #tpu.memory_space<hbm>>) dst(%arg6 : memref<128x128xf32, #tpu.memory_space<vmem>>)
      "tpu.region"() ({
        %run_scoped3A = tpu.sem_alloc : memref<!tpu.dma_semaphore, #tpu.memory_space<semaphore_mem>>
        %dma_start3A_24 = arith.constant 0 : i32
        %dma_start3A_25 = tpu.memref_slice %arg4[%mul3A_19, %dma_start3A_24] : memref<640000x128xf32, #tpu.memory_space<hbm>> -> memref<128x128xf32, #tpu.memory_space<hbm>>
        %dma_start3A_26 = arith.constant 0 : i32
        %dma_start3A_27 = tpu.memref_slice %arg4[%mul3A_19, %dma_start3A_26] : memref<640000x128xf32, #tpu.memory_space<hbm>> -> memref<128x128xf32, #tpu.memory_space<hbm>>
        tpu.enqueue_dma source(%arg6 : memref<128x128xf32, #tpu.memory_space<vmem>>) target(%dma_start3A_27 : memref<128x128xf32, #tpu.memory_space<hbm>>) target_semaphore(%run_scoped3A : memref<!tpu.dma_semaphore, #tpu.memory_space<semaphore_mem>>)
        %dma_wait3A_28 = arith.constant 0 : i32
        %dma_wait3A_29 = tpu.memref_slice %arg4[%mul3A_19, %dma_wait3A_28] : memref<640000x128xf32, #tpu.memory_space<hbm>> -> memref<128x128xf32, #tpu.memory_space<hbm>>
        %dma_wait3A_30 = arith.constant 0 : i32
        %dma_wait3A_31 = tpu.memref_slice %arg4[%mul3A_19, %dma_wait3A_30] : memref<640000x128xf32, #tpu.memory_space<hbm>> -> memref<128x128xf32, #tpu.memory_space<hbm>>
        tpu.wait_dma2 semaphore(%run_scoped3A : memref<!tpu.dma_semaphore, #tpu.memory_space<semaphore_mem>>) src(%arg6 : memref<128x128xf32, #tpu.memory_space<vmem>>) dst(%dma_wait3A_31 : memref<128x128xf32, #tpu.memory_space<hbm>>)
        tpu.yield
      }) : () -> ()
    }
    return
  }
}

module attributes {stable_mosaic.version = 14 : i64} {
  func.func @_edge_body(%arg0: i32, %arg1: memref<40x32xf32, #tpu.memory_space<vmem>>, %arg2: memref<40x3xf32, #tpu.memory_space<vmem>>, %arg3: memref<2560x128xf32, #tpu.memory_space<vmem>>, %arg4: memref<32x64xf32, #tpu.memory_space<vmem>>, %arg5: memref<32x64xf32, #tpu.memory_space<vmem>>, %arg6: memref<3x64xf32, #tpu.memory_space<vmem>>, %arg7: memref<64xf32, #tpu.memory_space<vmem>>, %arg8: memref<64xf32, #tpu.memory_space<vmem>>, %arg9: memref<64xf32, #tpu.memory_space<vmem>>, %arg10: memref<64x32xf32, #tpu.memory_space<vmem>>, %arg11: memref<32xf32, #tpu.memory_space<vmem>>, %arg12: memref<32x32xf32, #tpu.memory_space<vmem>>, %arg13: memref<32x32xf32, #tpu.memory_space<vmem>>, %arg14: memref<3x32xf32, #tpu.memory_space<vmem>>, %arg15: memref<32xf32, #tpu.memory_space<vmem>>, %arg16: memref<32xf32, #tpu.memory_space<vmem>>, %arg17: memref<32xf32, #tpu.memory_space<vmem>>, %arg18: memref<32x64xf32, #tpu.memory_space<vmem>>, %arg19: memref<64xf32, #tpu.memory_space<vmem>>, %arg20: memref<64xf32, #tpu.memory_space<vmem>>, %arg21: memref<64xf32, #tpu.memory_space<vmem>>, %arg22: memref<64x32xf32, #tpu.memory_space<vmem>>, %arg23: memref<32xf32, #tpu.memory_space<vmem>>, %arg24: memref<32xf32, #tpu.memory_space<vmem>>, %arg25: memref<32xf32, #tpu.memory_space<vmem>>, %arg26: memref<40x32xf32, #tpu.memory_space<vmem>>) attributes {dimension_semantics = [#tpu.dimension_semantics<arbitrary>], iteration_bounds = array<i64: 250>, scalar_prefetch = 0 : i64, scratch_operands = 0 : i64, tpu.core_type = #tpu.core_type<tc>, window_params = [{transform_indices = @transform_0, window_bounds = array<i64: 40, 32>}, {transform_indices = @transform_1, window_bounds = array<i64: 40, 3>}, {transform_indices = @transform_2, window_bounds = array<i64: 2560, 128>}, {pipeline_mode = #tpu.pipeline_mode<synchronous>, transform_indices = @transform_3, window_bounds = array<i64: 32, 64>}, {pipeline_mode = #tpu.pipeline_mode<synchronous>, transform_indices = @transform_4, window_bounds = array<i64: 32, 64>}, {pipeline_mode = #tpu.pipeline_mode<synchronous>, transform_indices = @transform_5, window_bounds = array<i64: 3, 64>}, {pipeline_mode = #tpu.pipeline_mode<synchronous>, transform_indices = @transform_6, window_bounds = array<i64: 64>}, {pipeline_mode = #tpu.pipeline_mode<synchronous>, transform_indices = @transform_7, window_bounds = array<i64: 64>}, {pipeline_mode = #tpu.pipeline_mode<synchronous>, transform_indices = @transform_8, window_bounds = array<i64: 64>}, {pipeline_mode = #tpu.pipeline_mode<synchronous>, transform_indices = @transform_9, window_bounds = array<i64: 64, 32>}, {pipeline_mode = #tpu.pipeline_mode<synchronous>, transform_indices = @transform_10, window_bounds = array<i64: 32>}, {pipeline_mode = #tpu.pipeline_mode<synchronous>, transform_indices = @transform_11, window_bounds = array<i64: 32, 32>}, {pipeline_mode = #tpu.pipeline_mode<synchronous>, transform_indices = @transform_12, window_bounds = array<i64: 32, 32>}, {pipeline_mode = #tpu.pipeline_mode<synchronous>, transform_indices = @transform_13, window_bounds = array<i64: 3, 32>}, {pipeline_mode = #tpu.pipeline_mode<synchronous>, transform_indices = @transform_14, window_bounds = array<i64: 32>}, {pipeline_mode = #tpu.pipeline_mode<synchronous>, transform_indices = @transform_15, window_bounds = array<i64: 32>}, {pipeline_mode = #tpu.pipeline_mode<synchronous>, transform_indices = @transform_16, window_bounds = array<i64: 32>}, {pipeline_mode = #tpu.pipeline_mode<synchronous>, transform_indices = @transform_17, window_bounds = array<i64: 32, 64>}, {pipeline_mode = #tpu.pipeline_mode<synchronous>, transform_indices = @transform_18, window_bounds = array<i64: 64>}, {pipeline_mode = #tpu.pipeline_mode<synchronous>, transform_indices = @transform_19, window_bounds = array<i64: 64>}, {pipeline_mode = #tpu.pipeline_mode<synchronous>, transform_indices = @transform_20, window_bounds = array<i64: 64>}, {pipeline_mode = #tpu.pipeline_mode<synchronous>, transform_indices = @transform_21, window_bounds = array<i64: 64, 32>}, {pipeline_mode = #tpu.pipeline_mode<synchronous>, transform_indices = @transform_22, window_bounds = array<i64: 32>}, {pipeline_mode = #tpu.pipeline_mode<synchronous>, transform_indices = @transform_23, window_bounds = array<i64: 32>}, {pipeline_mode = #tpu.pipeline_mode<synchronous>, transform_indices = @transform_24, window_bounds = array<i64: 32>}, {transform_indices = @transform_25, window_bounds = array<i64: 40, 32>}]} {
    %get3A = arith.constant 0 : index
    %get3A_0 = arith.constant 0 : index
    %get3A_1 = vector.load %arg1[%get3A, %get3A_0] : memref<40x32xf32, #tpu.memory_space<vmem>>, vector<40x32xf32>
    %get3A_2 = arith.constant 0 : index
    %get3A_3 = arith.constant 0 : index
    %get3A_4 = vector.load %arg2[%get3A_2, %get3A_3] : memref<40x3xf32, #tpu.memory_space<vmem>>, vector<40x3xf32>
    %get3A_5 = arith.constant 0 : index
    %get3A_6 = arith.constant 0 : index
    %get3A_7 = vector.load %arg3[%get3A_5, %get3A_6] : memref<2560x128xf32, #tpu.memory_space<vmem>>, vector<2560x128xf32>
    %slice3A = vector.extract_strided_slice %get3A_7 {offsets = [0, 0], sizes = [2560, 32], strides = [1, 1]} : vector<2560x128xf32> to vector<2560x32xf32>
    %slice3A_8 = vector.extract_strided_slice %get3A_7 {offsets = [0, 32], sizes = [2560, 3], strides = [1, 1]} : vector<2560x128xf32> to vector<2560x3xf32>
    %broadcast_in_dim3A = vector.shape_cast %get3A_1 : vector<40x32xf32> to vector<40x1x32xf32>
    %broadcast_in_dim3A_9 = vector.shape_cast %broadcast_in_dim3A : vector<40x1x32xf32> to vector<40x1x32xf32>
    %broadcast_in_dim3A_10 = vector.broadcast %broadcast_in_dim3A_9 : vector<40x1x32xf32> to vector<40x64x32xf32>
    %reshape3A = vector.shape_cast %broadcast_in_dim3A_10 : vector<40x64x32xf32> to vector<2560x32xf32>
    %reshape3A_11 = vector.shape_cast %slice3A_8 : vector<2560x3xf32> to vector<40x64x3xf32>
    %broadcast_in_dim3A_12 = vector.shape_cast %get3A_4 : vector<40x3xf32> to vector<40x1x3xf32>
    %sub3A = vector.broadcast %broadcast_in_dim3A_12 : vector<40x1x3xf32> to vector<40x64x3xf32>
    %sub3A_13 = arith.subf %reshape3A_11, %sub3A : vector<40x64x3xf32>
    %reshape3A_14 = vector.shape_cast %sub3A_13 : vector<40x64x3xf32> to vector<2560x3xf32>
    %get3A_15 = arith.constant 0 : index
    %get3A_16 = arith.constant 0 : index
    %get3A_17 = vector.load %arg4[%get3A_15, %get3A_16] : memref<32x64xf32, #tpu.memory_space<vmem>>, vector<32x64xf32>
    %dot_general3A = arith.constant dense<0.000000e+00> : vector<2560x64xf32>
    %dot_general3A_18 = tpu.matmul %reshape3A, %get3A_17, %dot_general3A {dimension_numbers = #tpu.dot_dimension_numbers<[1], [0], [0], [1], [0, 0, 1, 1], [], []>, transpose_lhs_hint = false} : vector<2560x32xf32>, vector<32x64xf32>, vector<2560x64xf32> -> vector<2560x64xf32>
    %get3A_19 = arith.constant 0 : index
    %get3A_20 = arith.constant 0 : index
    %get3A_21 = vector.load %arg5[%get3A_19, %get3A_20] : memref<32x64xf32, #tpu.memory_space<vmem>>, vector<32x64xf32>
    %dot_general3A_22 = arith.constant dense<0.000000e+00> : vector<2560x64xf32>
    %dot_general3A_23 = tpu.matmul %slice3A, %get3A_21, %dot_general3A_22 {dimension_numbers = #tpu.dot_dimension_numbers<[1], [0], [0], [1], [0, 0, 1, 1], [], []>, transpose_lhs_hint = false} : vector<2560x32xf32>, vector<32x64xf32>, vector<2560x64xf32> -> vector<2560x64xf32>
    %add3A = arith.addf %dot_general3A_18, %dot_general3A_23 : vector<2560x64xf32>
    %get3A_24 = arith.constant 0 : index
    %get3A_25 = arith.constant 0 : index
    %get3A_26 = vector.load %arg6[%get3A_24, %get3A_25] : memref<3x64xf32, #tpu.memory_space<vmem>>, vector<3x64xf32>
    %dot_general3A_27 = arith.constant dense<0.000000e+00> : vector<2560x64xf32>
    %dot_general3A_28 = tpu.matmul %reshape3A_14, %get3A_26, %dot_general3A_27 {dimension_numbers = #tpu.dot_dimension_numbers<[1], [0], [0], [1], [0, 0, 1, 1], [], []>, transpose_lhs_hint = false} : vector<2560x3xf32>, vector<3x64xf32>, vector<2560x64xf32> -> vector<2560x64xf32>
    %add3A_29 = arith.addf %add3A, %dot_general3A_28 : vector<2560x64xf32>
    %get3A_30 = arith.constant 0 : index
    %get3A_31 = vector.load %arg7[%get3A_30] : memref<64xf32, #tpu.memory_space<vmem>>, vector<64xf32>
    %broadcast_in_dim3A_32 = vector.shape_cast %get3A_31 : vector<64xf32> to vector<1x64xf32>
    %add3A_33 = vector.broadcast %broadcast_in_dim3A_32 : vector<1x64xf32> to vector<2560x64xf32>
    %add3A_34 = arith.addf %add3A_29, %add3A_33 : vector<2560x64xf32>
    %get3A_35 = arith.constant 0 : index
    %get3A_36 = vector.load %arg8[%get3A_35] : memref<64xf32, #tpu.memory_space<vmem>>, vector<64xf32>
    %get3A_37 = arith.constant 0 : index
    %get3A_38 = vector.load %arg9[%get3A_37] : memref<64xf32, #tpu.memory_space<vmem>>, vector<64xf32>
    %reduce_sum3A = arith.constant dense<0.000000e+00> : vector<2560xf32>
    %reduce_sum3A_39 = vector.multi_reduction <add>, %add3A_34, %reduce_sum3A [1] : vector<2560x64xf32> to vector<2560xf32>
    %broadcast_in_dim3A_40 = vector.shape_cast %reduce_sum3A_39 : vector<2560xf32> to vector<2560x1xf32>
    %div3A = arith.constant 6.400000e+01 : f32
    %div3A_41 = vector.broadcast %div3A : f32 to vector<2560x1xf32>
    %div3A_42 = arith.divf %broadcast_in_dim3A_40, %div3A_41 : vector<2560x1xf32>
    %sub3A_43 = vector.broadcast %div3A_42 : vector<2560x1xf32> to vector<2560x64xf32>
    %sub3A_44 = arith.subf %add3A_34, %sub3A_43 : vector<2560x64xf32>
    %sub3A_45 = vector.broadcast %div3A_42 : vector<2560x1xf32> to vector<2560x64xf32>
    %sub3A_46 = arith.subf %add3A_34, %sub3A_45 : vector<2560x64xf32>
    %mul3A = arith.mulf %sub3A_44, %sub3A_46 : vector<2560x64xf32>
    %reduce_sum3A_47 = arith.constant dense<0.000000e+00> : vector<2560xf32>
    %reduce_sum3A_48 = vector.multi_reduction <add>, %mul3A, %reduce_sum3A_47 [1] : vector<2560x64xf32> to vector<2560xf32>
    %broadcast_in_dim3A_49 = vector.shape_cast %reduce_sum3A_48 : vector<2560xf32> to vector<2560x1xf32>
    %div3A_50 = arith.constant 6.400000e+01 : f32
    %div3A_51 = vector.broadcast %div3A_50 : f32 to vector<2560x1xf32>
    %div3A_52 = arith.divf %broadcast_in_dim3A_49, %div3A_51 : vector<2560x1xf32>
    %sub3A_53 = vector.broadcast %div3A_42 : vector<2560x1xf32> to vector<2560x64xf32>
    %sub3A_54 = arith.subf %add3A_34, %sub3A_53 : vector<2560x64xf32>
    %add3A_55 = arith.constant 9.99999974E-6 : f32
    %add3A_56 = vector.broadcast %add3A_55 : f32 to vector<2560x1xf32>
    %add3A_57 = arith.addf %div3A_52, %add3A_56 : vector<2560x1xf32>
    %rsqrt3A = math.rsqrt %add3A_57 : vector<2560x1xf32>
    %mul3A_58 = vector.broadcast %rsqrt3A : vector<2560x1xf32> to vector<2560x64xf32>
    %mul3A_59 = arith.mulf %sub3A_54, %mul3A_58 : vector<2560x64xf32>
    %broadcast_in_dim3A_60 = vector.shape_cast %get3A_36 : vector<64xf32> to vector<1x64xf32>
    %mul3A_61 = vector.broadcast %broadcast_in_dim3A_60 : vector<1x64xf32> to vector<2560x64xf32>
    %mul3A_62 = arith.mulf %mul3A_59, %mul3A_61 : vector<2560x64xf32>
    %broadcast_in_dim3A_63 = vector.shape_cast %get3A_38 : vector<64xf32> to vector<1x64xf32>
    %add3A_64 = vector.broadcast %broadcast_in_dim3A_63 : vector<1x64xf32> to vector<2560x64xf32>
    %add3A_65 = arith.addf %mul3A_62, %add3A_64 : vector<2560x64xf32>
    %mul3A_66 = arith.constant 5.000000e-01 : f32
    %mul3A_67 = vector.broadcast %mul3A_66 : f32 to vector<2560x64xf32>
    %mul3A_68 = arith.mulf %add3A_65, %mul3A_67 : vector<2560x64xf32>
    %mul3A_69 = arith.constant 0.707106769 : f32
    %mul3A_70 = vector.broadcast %mul3A_69 : f32 to vector<2560x64xf32>
    %mul3A_71 = arith.mulf %add3A_65, %mul3A_70 : vector<2560x64xf32>
    %erf3A = math.erf %mul3A_71 : vector<2560x64xf32>
    %add3A_72 = arith.constant 1.000000e+00 : f32
    %add3A_73 = vector.broadcast %add3A_72 : f32 to vector<2560x64xf32>
    %add3A_74 = arith.addf %add3A_73, %erf3A : vector<2560x64xf32>
    %mul3A_75 = arith.mulf %mul3A_68, %add3A_74 : vector<2560x64xf32>
    %get3A_76 = arith.constant 0 : index
    %get3A_77 = arith.constant 0 : index
    %get3A_78 = vector.load %arg10[%get3A_76, %get3A_77] : memref<64x32xf32, #tpu.memory_space<vmem>>, vector<64x32xf32>
    %dot_general3A_79 = arith.constant dense<0.000000e+00> : vector<2560x32xf32>
    %dot_general3A_80 = tpu.matmul %mul3A_75, %get3A_78, %dot_general3A_79 {dimension_numbers = #tpu.dot_dimension_numbers<[1], [0], [0], [1], [0, 0, 1, 1], [], []>, transpose_lhs_hint = false} : vector<2560x64xf32>, vector<64x32xf32>, vector<2560x32xf32> -> vector<2560x32xf32>
    %get3A_81 = arith.constant 0 : index
    %get3A_82 = vector.load %arg11[%get3A_81] : memref<32xf32, #tpu.memory_space<vmem>>, vector<32xf32>
    %broadcast_in_dim3A_83 = vector.shape_cast %get3A_82 : vector<32xf32> to vector<1x32xf32>
    %add3A_84 = vector.broadcast %broadcast_in_dim3A_83 : vector<1x32xf32> to vector<2560x32xf32>
    %add3A_85 = arith.addf %dot_general3A_80, %add3A_84 : vector<2560x32xf32>
    %get3A_86 = arith.constant 0 : index
    %get3A_87 = arith.constant 0 : index
    %get3A_88 = vector.load %arg12[%get3A_86, %get3A_87] : memref<32x32xf32, #tpu.memory_space<vmem>>, vector<32x32xf32>
    %dot_general3A_89 = arith.constant dense<0.000000e+00> : vector<2560x32xf32>
    %dot_general3A_90 = tpu.matmul %reshape3A, %get3A_88, %dot_general3A_89 {dimension_numbers = #tpu.dot_dimension_numbers<[1], [0], [0], [1], [0, 0, 1, 1], [], []>, transpose_lhs_hint = false} : vector<2560x32xf32>, vector<32x32xf32>, vector<2560x32xf32> -> vector<2560x32xf32>
    %get3A_91 = arith.constant 0 : index
    %get3A_92 = arith.constant 0 : index
    %get3A_93 = vector.load %arg13[%get3A_91, %get3A_92] : memref<32x32xf32, #tpu.memory_space<vmem>>, vector<32x32xf32>
    %dot_general3A_94 = arith.constant dense<0.000000e+00> : vector<2560x32xf32>
    %dot_general3A_95 = tpu.matmul %slice3A, %get3A_93, %dot_general3A_94 {dimension_numbers = #tpu.dot_dimension_numbers<[1], [0], [0], [1], [0, 0, 1, 1], [], []>, transpose_lhs_hint = false} : vector<2560x32xf32>, vector<32x32xf32>, vector<2560x32xf32> -> vector<2560x32xf32>
    %add3A_96 = arith.addf %dot_general3A_90, %dot_general3A_95 : vector<2560x32xf32>
    %get3A_97 = arith.constant 0 : index
    %get3A_98 = arith.constant 0 : index
    %get3A_99 = vector.load %arg14[%get3A_97, %get3A_98] : memref<3x32xf32, #tpu.memory_space<vmem>>, vector<3x32xf32>
    %dot_general3A_100 = arith.constant dense<0.000000e+00> : vector<2560x32xf32>
    %dot_general3A_101 = tpu.matmul %reshape3A_14, %get3A_99, %dot_general3A_100 {dimension_numbers = #tpu.dot_dimension_numbers<[1], [0], [0], [1], [0, 0, 1, 1], [], []>, transpose_lhs_hint = false} : vector<2560x3xf32>, vector<3x32xf32>, vector<2560x32xf32> -> vector<2560x32xf32>
    %add3A_102 = arith.addf %add3A_96, %dot_general3A_101 : vector<2560x32xf32>
    %get3A_103 = arith.constant 0 : index
    %get3A_104 = vector.load %arg15[%get3A_103] : memref<32xf32, #tpu.memory_space<vmem>>, vector<32xf32>
    %broadcast_in_dim3A_105 = vector.shape_cast %get3A_104 : vector<32xf32> to vector<1x32xf32>
    %add3A_106 = vector.broadcast %broadcast_in_dim3A_105 : vector<1x32xf32> to vector<2560x32xf32>
    %add3A_107 = arith.addf %add3A_102, %add3A_106 : vector<2560x32xf32>
    %add3A_108 = arith.addf %add3A_85, %add3A_107 : vector<2560x32xf32>
    %get3A_109 = arith.constant 0 : index
    %get3A_110 = vector.load %arg16[%get3A_109] : memref<32xf32, #tpu.memory_space<vmem>>, vector<32xf32>
    %get3A_111 = arith.constant 0 : index
    %get3A_112 = vector.load %arg17[%get3A_111] : memref<32xf32, #tpu.memory_space<vmem>>, vector<32xf32>
    %reduce_sum3A_113 = arith.constant dense<0.000000e+00> : vector<2560xf32>
    %reduce_sum3A_114 = vector.multi_reduction <add>, %add3A_108, %reduce_sum3A_113 [1] : vector<2560x32xf32> to vector<2560xf32>
    %broadcast_in_dim3A_115 = vector.shape_cast %reduce_sum3A_114 : vector<2560xf32> to vector<2560x1xf32>
    %div3A_116 = arith.constant 3.200000e+01 : f32
    %div3A_117 = vector.broadcast %div3A_116 : f32 to vector<2560x1xf32>
    %div3A_118 = arith.divf %broadcast_in_dim3A_115, %div3A_117 : vector<2560x1xf32>
    %sub3A_119 = vector.broadcast %div3A_118 : vector<2560x1xf32> to vector<2560x32xf32>
    %sub3A_120 = arith.subf %add3A_108, %sub3A_119 : vector<2560x32xf32>
    %sub3A_121 = vector.broadcast %div3A_118 : vector<2560x1xf32> to vector<2560x32xf32>
    %sub3A_122 = arith.subf %add3A_108, %sub3A_121 : vector<2560x32xf32>
    %mul3A_123 = arith.mulf %sub3A_120, %sub3A_122 : vector<2560x32xf32>
    %reduce_sum3A_124 = arith.constant dense<0.000000e+00> : vector<2560xf32>
    %reduce_sum3A_125 = vector.multi_reduction <add>, %mul3A_123, %reduce_sum3A_124 [1] : vector<2560x32xf32> to vector<2560xf32>
    %broadcast_in_dim3A_126 = vector.shape_cast %reduce_sum3A_125 : vector<2560xf32> to vector<2560x1xf32>
    %div3A_127 = arith.constant 3.200000e+01 : f32
    %div3A_128 = vector.broadcast %div3A_127 : f32 to vector<2560x1xf32>
    %div3A_129 = arith.divf %broadcast_in_dim3A_126, %div3A_128 : vector<2560x1xf32>
    %sub3A_130 = vector.broadcast %div3A_118 : vector<2560x1xf32> to vector<2560x32xf32>
    %sub3A_131 = arith.subf %add3A_108, %sub3A_130 : vector<2560x32xf32>
    %add3A_132 = arith.constant 9.99999974E-6 : f32
    %add3A_133 = vector.broadcast %add3A_132 : f32 to vector<2560x1xf32>
    %add3A_134 = arith.addf %div3A_129, %add3A_133 : vector<2560x1xf32>
    %rsqrt3A_135 = math.rsqrt %add3A_134 : vector<2560x1xf32>
    %mul3A_136 = vector.broadcast %rsqrt3A_135 : vector<2560x1xf32> to vector<2560x32xf32>
    %mul3A_137 = arith.mulf %sub3A_131, %mul3A_136 : vector<2560x32xf32>
    %broadcast_in_dim3A_138 = vector.shape_cast %get3A_110 : vector<32xf32> to vector<1x32xf32>
    %mul3A_139 = vector.broadcast %broadcast_in_dim3A_138 : vector<1x32xf32> to vector<2560x32xf32>
    %mul3A_140 = arith.mulf %mul3A_137, %mul3A_139 : vector<2560x32xf32>
    %broadcast_in_dim3A_141 = vector.shape_cast %get3A_112 : vector<32xf32> to vector<1x32xf32>
    %add3A_142 = vector.broadcast %broadcast_in_dim3A_141 : vector<1x32xf32> to vector<2560x32xf32>
    %add3A_143 = arith.addf %mul3A_140, %add3A_142 : vector<2560x32xf32>
    %mul3A_144 = arith.constant 5.000000e-01 : f32
    %mul3A_145 = vector.broadcast %mul3A_144 : f32 to vector<2560x32xf32>
    %mul3A_146 = arith.mulf %add3A_143, %mul3A_145 : vector<2560x32xf32>
    %mul3A_147 = arith.constant 0.707106769 : f32
    %mul3A_148 = vector.broadcast %mul3A_147 : f32 to vector<2560x32xf32>
    %mul3A_149 = arith.mulf %add3A_143, %mul3A_148 : vector<2560x32xf32>
    %erf3A_150 = math.erf %mul3A_149 : vector<2560x32xf32>
    %add3A_151 = arith.constant 1.000000e+00 : f32
    %add3A_152 = vector.broadcast %add3A_151 : f32 to vector<2560x32xf32>
    %add3A_153 = arith.addf %add3A_152, %erf3A_150 : vector<2560x32xf32>
    %mul3A_154 = arith.mulf %mul3A_146, %add3A_153 : vector<2560x32xf32>
    %reshape3A_155 = vector.shape_cast %mul3A_154 : vector<2560x32xf32> to vector<40x64x32xf32>
    %reduce_sum3A_156 = arith.constant dense<0.000000e+00> : vector<40x32xf32>
    %reduce_sum3A_157 = vector.multi_reduction <add>, %reshape3A_155, %reduce_sum3A_156 [1] : vector<40x64x32xf32> to vector<40x32xf32>
    %div3A_158 = arith.constant 6.400000e+01 : f32
    %div3A_159 = vector.broadcast %div3A_158 : f32 to vector<40x32xf32>
    %div3A_160 = arith.divf %reduce_sum3A_157, %div3A_159 : vector<40x32xf32>
    %get3A_161 = arith.constant 0 : index
    %get3A_162 = arith.constant 0 : index
    %get3A_163 = vector.load %arg18[%get3A_161, %get3A_162] : memref<32x64xf32, #tpu.memory_space<vmem>>, vector<32x64xf32>
    %dot_general3A_164 = arith.constant dense<0.000000e+00> : vector<40x64xf32>
    %dot_general3A_165 = tpu.matmul %div3A_160, %get3A_163, %dot_general3A_164 {dimension_numbers = #tpu.dot_dimension_numbers<[1], [0], [0], [1], [0, 0, 1, 1], [], []>, transpose_lhs_hint = false} : vector<40x32xf32>, vector<32x64xf32>, vector<40x64xf32> -> vector<40x64xf32>
    %get3A_166 = arith.constant 0 : index
    %get3A_167 = vector.load %arg19[%get3A_166] : memref<64xf32, #tpu.memory_space<vmem>>, vector<64xf32>
    %broadcast_in_dim3A_168 = vector.shape_cast %get3A_167 : vector<64xf32> to vector<1x64xf32>
    %add3A_169 = vector.broadcast %broadcast_in_dim3A_168 : vector<1x64xf32> to vector<40x64xf32>
    %add3A_170 = arith.addf %dot_general3A_165, %add3A_169 : vector<40x64xf32>
    %get3A_171 = arith.constant 0 : index
    %get3A_172 = vector.load %arg20[%get3A_171] : memref<64xf32, #tpu.memory_space<vmem>>, vector<64xf32>
    %get3A_173 = arith.constant 0 : index
    %get3A_174 = vector.load %arg21[%get3A_173] : memref<64xf32, #tpu.memory_space<vmem>>, vector<64xf32>
    %reduce_sum3A_175 = arith.constant dense<0.000000e+00> : vector<40xf32>
    %reduce_sum3A_176 = vector.multi_reduction <add>, %add3A_170, %reduce_sum3A_175 [1] : vector<40x64xf32> to vector<40xf32>
    %broadcast_in_dim3A_177 = vector.shape_cast %reduce_sum3A_176 : vector<40xf32> to vector<40x1xf32>
    %div3A_178 = arith.constant 6.400000e+01 : f32
    %div3A_179 = vector.broadcast %div3A_178 : f32 to vector<40x1xf32>
    %div3A_180 = arith.divf %broadcast_in_dim3A_177, %div3A_179 : vector<40x1xf32>
    %sub3A_181 = vector.broadcast %div3A_180 : vector<40x1xf32> to vector<40x64xf32>
    %sub3A_182 = arith.subf %add3A_170, %sub3A_181 : vector<40x64xf32>
    %sub3A_183 = vector.broadcast %div3A_180 : vector<40x1xf32> to vector<40x64xf32>
    %sub3A_184 = arith.subf %add3A_170, %sub3A_183 : vector<40x64xf32>
    %mul3A_185 = arith.mulf %sub3A_182, %sub3A_184 : vector<40x64xf32>
    %reduce_sum3A_186 = arith.constant dense<0.000000e+00> : vector<40xf32>
    %reduce_sum3A_187 = vector.multi_reduction <add>, %mul3A_185, %reduce_sum3A_186 [1] : vector<40x64xf32> to vector<40xf32>
    %broadcast_in_dim3A_188 = vector.shape_cast %reduce_sum3A_187 : vector<40xf32> to vector<40x1xf32>
    %div3A_189 = arith.constant 6.400000e+01 : f32
    %div3A_190 = vector.broadcast %div3A_189 : f32 to vector<40x1xf32>
    %div3A_191 = arith.divf %broadcast_in_dim3A_188, %div3A_190 : vector<40x1xf32>
    %sub3A_192 = vector.broadcast %div3A_180 : vector<40x1xf32> to vector<40x64xf32>
    %sub3A_193 = arith.subf %add3A_170, %sub3A_192 : vector<40x64xf32>
    %add3A_194 = arith.constant 9.99999974E-6 : f32
    %add3A_195 = vector.broadcast %add3A_194 : f32 to vector<40x1xf32>
    %add3A_196 = arith.addf %div3A_191, %add3A_195 : vector<40x1xf32>
    %rsqrt3A_197 = math.rsqrt %add3A_196 : vector<40x1xf32>
    %mul3A_198 = vector.broadcast %rsqrt3A_197 : vector<40x1xf32> to vector<40x64xf32>
    %mul3A_199 = arith.mulf %sub3A_193, %mul3A_198 : vector<40x64xf32>
    %broadcast_in_dim3A_200 = vector.shape_cast %get3A_172 : vector<64xf32> to vector<1x64xf32>
    %mul3A_201 = vector.broadcast %broadcast_in_dim3A_200 : vector<1x64xf32> to vector<40x64xf32>
    %mul3A_202 = arith.mulf %mul3A_199, %mul3A_201 : vector<40x64xf32>
    %broadcast_in_dim3A_203 = vector.shape_cast %get3A_174 : vector<64xf32> to vector<1x64xf32>
    %add3A_204 = vector.broadcast %broadcast_in_dim3A_203 : vector<1x64xf32> to vector<40x64xf32>
    %add3A_205 = arith.addf %mul3A_202, %add3A_204 : vector<40x64xf32>
    %mul3A_206 = arith.constant 5.000000e-01 : f32
    %mul3A_207 = vector.broadcast %mul3A_206 : f32 to vector<40x64xf32>
    %mul3A_208 = arith.mulf %add3A_205, %mul3A_207 : vector<40x64xf32>
    %mul3A_209 = arith.constant 0.707106769 : f32
    %mul3A_210 = vector.broadcast %mul3A_209 : f32 to vector<40x64xf32>
    %mul3A_211 = arith.mulf %add3A_205, %mul3A_210 : vector<40x64xf32>
    %erf3A_212 = math.erf %mul3A_211 : vector<40x64xf32>
    %add3A_213 = arith.constant 1.000000e+00 : f32
    %add3A_214 = vector.broadcast %add3A_213 : f32 to vector<40x64xf32>
    %add3A_215 = arith.addf %add3A_214, %erf3A_212 : vector<40x64xf32>
    %mul3A_216 = arith.mulf %mul3A_208, %add3A_215 : vector<40x64xf32>
    %get3A_217 = arith.constant 0 : index
    %get3A_218 = arith.constant 0 : index
    %get3A_219 = vector.load %arg22[%get3A_217, %get3A_218] : memref<64x32xf32, #tpu.memory_space<vmem>>, vector<64x32xf32>
    %dot_general3A_220 = arith.constant dense<0.000000e+00> : vector<40x32xf32>
    %dot_general3A_221 = tpu.matmul %mul3A_216, %get3A_219, %dot_general3A_220 {dimension_numbers = #tpu.dot_dimension_numbers<[1], [0], [0], [1], [0, 0, 1, 1], [], []>, transpose_lhs_hint = false} : vector<40x64xf32>, vector<64x32xf32>, vector<40x32xf32> -> vector<40x32xf32>
    %get3A_222 = arith.constant 0 : index
    %get3A_223 = vector.load %arg23[%get3A_222] : memref<32xf32, #tpu.memory_space<vmem>>, vector<32xf32>
    %broadcast_in_dim3A_224 = vector.shape_cast %get3A_223 : vector<32xf32> to vector<1x32xf32>
    %add3A_225 = vector.broadcast %broadcast_in_dim3A_224 : vector<1x32xf32> to vector<40x32xf32>
    %add3A_226 = arith.addf %dot_general3A_221, %add3A_225 : vector<40x32xf32>
    %add3A_227 = arith.addf %add3A_226, %div3A_160 : vector<40x32xf32>
    %get3A_228 = arith.constant 0 : index
    %get3A_229 = vector.load %arg24[%get3A_228] : memref<32xf32, #tpu.memory_space<vmem>>, vector<32xf32>
    %get3A_230 = arith.constant 0 : index
    %get3A_231 = vector.load %arg25[%get3A_230] : memref<32xf32, #tpu.memory_space<vmem>>, vector<32xf32>
    %reduce_sum3A_232 = arith.constant dense<0.000000e+00> : vector<40xf32>
    %reduce_sum3A_233 = vector.multi_reduction <add>, %add3A_227, %reduce_sum3A_232 [1] : vector<40x32xf32> to vector<40xf32>
    %broadcast_in_dim3A_234 = vector.shape_cast %reduce_sum3A_233 : vector<40xf32> to vector<40x1xf32>
    %div3A_235 = arith.constant 3.200000e+01 : f32
    %div3A_236 = vector.broadcast %div3A_235 : f32 to vector<40x1xf32>
    %div3A_237 = arith.divf %broadcast_in_dim3A_234, %div3A_236 : vector<40x1xf32>
    %sub3A_238 = vector.broadcast %div3A_237 : vector<40x1xf32> to vector<40x32xf32>
    %sub3A_239 = arith.subf %add3A_227, %sub3A_238 : vector<40x32xf32>
    %sub3A_240 = vector.broadcast %div3A_237 : vector<40x1xf32> to vector<40x32xf32>
    %sub3A_241 = arith.subf %add3A_227, %sub3A_240 : vector<40x32xf32>
    %mul3A_242 = arith.mulf %sub3A_239, %sub3A_241 : vector<40x32xf32>
    %reduce_sum3A_243 = arith.constant dense<0.000000e+00> : vector<40xf32>
    %reduce_sum3A_244 = vector.multi_reduction <add>, %mul3A_242, %reduce_sum3A_243 [1] : vector<40x32xf32> to vector<40xf32>
    %broadcast_in_dim3A_245 = vector.shape_cast %reduce_sum3A_244 : vector<40xf32> to vector<40x1xf32>
    %div3A_246 = arith.constant 3.200000e+01 : f32
    %div3A_247 = vector.broadcast %div3A_246 : f32 to vector<40x1xf32>
    %div3A_248 = arith.divf %broadcast_in_dim3A_245, %div3A_247 : vector<40x1xf32>
    %sub3A_249 = vector.broadcast %div3A_237 : vector<40x1xf32> to vector<40x32xf32>
    %sub3A_250 = arith.subf %add3A_227, %sub3A_249 : vector<40x32xf32>
    %add3A_251 = arith.constant 9.99999974E-6 : f32
    %add3A_252 = vector.broadcast %add3A_251 : f32 to vector<40x1xf32>
    %add3A_253 = arith.addf %div3A_248, %add3A_252 : vector<40x1xf32>
    %rsqrt3A_254 = math.rsqrt %add3A_253 : vector<40x1xf32>
    %mul3A_255 = vector.broadcast %rsqrt3A_254 : vector<40x1xf32> to vector<40x32xf32>
    %mul3A_256 = arith.mulf %sub3A_250, %mul3A_255 : vector<40x32xf32>
    %broadcast_in_dim3A_257 = vector.shape_cast %get3A_229 : vector<32xf32> to vector<1x32xf32>
    %mul3A_258 = vector.broadcast %broadcast_in_dim3A_257 : vector<1x32xf32> to vector<40x32xf32>
    %mul3A_259 = arith.mulf %mul3A_256, %mul3A_258 : vector<40x32xf32>
    %broadcast_in_dim3A_260 = vector.shape_cast %get3A_231 : vector<32xf32> to vector<1x32xf32>
    %add3A_261 = vector.broadcast %broadcast_in_dim3A_260 : vector<1x32xf32> to vector<40x32xf32>
    %add3A_262 = arith.addf %mul3A_259, %add3A_261 : vector<40x32xf32>
    %mul3A_263 = arith.constant 5.000000e-01 : f32
    %mul3A_264 = vector.broadcast %mul3A_263 : f32 to vector<40x32xf32>
    %mul3A_265 = arith.mulf %add3A_262, %mul3A_264 : vector<40x32xf32>
    %mul3A_266 = arith.constant 0.707106769 : f32
    %mul3A_267 = vector.broadcast %mul3A_266 : f32 to vector<40x32xf32>
    %mul3A_268 = arith.mulf %add3A_262, %mul3A_267 : vector<40x32xf32>
    %erf3A_269 = math.erf %mul3A_268 : vector<40x32xf32>
    %add3A_270 = arith.constant 1.000000e+00 : f32
    %add3A_271 = vector.broadcast %add3A_270 : f32 to vector<40x32xf32>
    %add3A_272 = arith.addf %add3A_271, %erf3A_269 : vector<40x32xf32>
    %mul3A_273 = arith.mulf %mul3A_265, %add3A_272 : vector<40x32xf32>
    %swap3A = arith.constant 0 : index
    %swap3A_274 = arith.constant 0 : index
    %swap3A_275 = vector.load %arg26[%swap3A, %swap3A_274] : memref<40x32xf32, #tpu.memory_space<vmem>>, vector<40x32xf32>
    tpu.vector_store %arg26[%swap3A, %swap3A_274], %mul3A_273 {strides = array<i32>} : memref<40x32xf32, #tpu.memory_space<vmem>>, vector<40x32xf32>,
    return
  }
  func.func @transform_0(%arg0: i32) -> (i32, i32) {
    %c0_i32 = arith.constant 0 : i32
    %c0_i32_0 = arith.constant 0 : i32
    return %arg0, %c0_i32 : i32, i32
  }
  func.func @transform_1(%arg0: i32) -> (i32, i32) {
    %c0_i32 = arith.constant 0 : i32
    %c0_i32_0 = arith.constant 0 : i32
    return %arg0, %c0_i32 : i32, i32
  }
  func.func @transform_2(%arg0: i32) -> (i32, i32) {
    %c0_i32 = arith.constant 0 : i32
    %c0_i32_0 = arith.constant 0 : i32
    return %arg0, %c0_i32 : i32, i32
  }
  func.func @transform_3(%arg0: i32) -> (i32, i32) {
    %c0_i32 = arith.constant 0 : i32
    %c0_i32_0 = arith.constant 0 : i32
    %c0_i32_1 = arith.constant 0 : i32
    return %c0_i32, %c0_i32_0 : i32, i32
  }
  func.func @transform_4(%arg0: i32) -> (i32, i32) {
    %c0_i32 = arith.constant 0 : i32
    %c0_i32_0 = arith.constant 0 : i32
    %c0_i32_1 = arith.constant 0 : i32
    return %c0_i32, %c0_i32_0 : i32, i32
  }
  func.func @transform_5(%arg0: i32) -> (i32, i32) {
    %c0_i32 = arith.constant 0 : i32
    %c0_i32_0 = arith.constant 0 : i32
    %c0_i32_1 = arith.constant 0 : i32
    return %c0_i32, %c0_i32_0 : i32, i32
  }
  func.func @transform_6(%arg0: i32) -> i32 {
    %c0_i32 = arith.constant 0 : i32
    %c0_i32_0 = arith.constant 0 : i32
    return %c0_i32 : i32
  }
  func.func @transform_7(%arg0: i32) -> i32 {
    %c0_i32 = arith.constant 0 : i32
    %c0_i32_0 = arith.constant 0 : i32
    return %c0_i32 : i32
  }
  func.func @transform_8(%arg0: i32) -> i32 {
    %c0_i32 = arith.constant 0 : i32
    %c0_i32_0 = arith.constant 0 : i32
    return %c0_i32 : i32
  }
  func.func @transform_9(%arg0: i32) -> (i32, i32) {
    %c0_i32 = arith.constant 0 : i32
    %c0_i32_0 = arith.constant 0 : i32
    %c0_i32_1 = arith.constant 0 : i32
    return %c0_i32, %c0_i32_0 : i32, i32
  }
  func.func @transform_10(%arg0: i32) -> i32 {
    %c0_i32 = arith.constant 0 : i32
    %c0_i32_0 = arith.constant 0 : i32
    return %c0_i32 : i32
  }
  func.func @transform_11(%arg0: i32) -> (i32, i32) {
    %c0_i32 = arith.constant 0 : i32
    %c0_i32_0 = arith.constant 0 : i32
    %c0_i32_1 = arith.constant 0 : i32
    return %c0_i32, %c0_i32_0 : i32, i32
  }
  func.func @transform_12(%arg0: i32) -> (i32, i32) {
    %c0_i32 = arith.constant 0 : i32
    %c0_i32_0 = arith.constant 0 : i32
    %c0_i32_1 = arith.constant 0 : i32
    return %c0_i32, %c0_i32_0 : i32, i32
  }
  func.func @transform_13(%arg0: i32) -> (i32, i32) {
    %c0_i32 = arith.constant 0 : i32
    %c0_i32_0 = arith.constant 0 : i32
    %c0_i32_1 = arith.constant 0 : i32
    return %c0_i32, %c0_i32_0 : i32, i32
  }
  func.func @transform_14(%arg0: i32) -> i32 {
    %c0_i32 = arith.constant 0 : i32
    %c0_i32_0 = arith.constant 0 : i32
    return %c0_i32 : i32
  }
  func.func @transform_15(%arg0: i32) -> i32 {
    %c0_i32 = arith.constant 0 : i32
    %c0_i32_0 = arith.constant 0 : i32
    return %c0_i32 : i32
  }
  func.func @transform_16(%arg0: i32) -> i32 {
    %c0_i32 = arith.constant 0 : i32
    %c0_i32_0 = arith.constant 0 : i32
    return %c0_i32 : i32
  }
  func.func @transform_17(%arg0: i32) -> (i32, i32) {
    %c0_i32 = arith.constant 0 : i32
    %c0_i32_0 = arith.constant 0 : i32
    %c0_i32_1 = arith.constant 0 : i32
    return %c0_i32, %c0_i32_0 : i32, i32
  }
  func.func @transform_18(%arg0: i32) -> i32 {
    %c0_i32 = arith.constant 0 : i32
    %c0_i32_0 = arith.constant 0 : i32
    return %c0_i32 : i32
  }
  func.func @transform_19(%arg0: i32) -> i32 {
    %c0_i32 = arith.constant 0 : i32
    %c0_i32_0 = arith.constant 0 : i32
    return %c0_i32 : i32
  }
  func.func @transform_20(%arg0: i32) -> i32 {
    %c0_i32 = arith.constant 0 : i32
    %c0_i32_0 = arith.constant 0 : i32
    return %c0_i32 : i32
  }
  func.func @transform_21(%arg0: i32) -> (i32, i32) {
    %c0_i32 = arith.constant 0 : i32
    %c0_i32_0 = arith.constant 0 : i32
    %c0_i32_1 = arith.constant 0 : i32
    return %c0_i32, %c0_i32_0 : i32, i32
  }
  func.func @transform_22(%arg0: i32) -> i32 {
    %c0_i32 = arith.constant 0 : i32
    %c0_i32_0 = arith.constant 0 : i32
    return %c0_i32 : i32
  }
  func.func @transform_23(%arg0: i32) -> i32 {
    %c0_i32 = arith.constant 0 : i32
    %c0_i32_0 = arith.constant 0 : i32
    return %c0_i32 : i32
  }
  func.func @transform_24(%arg0: i32) -> i32 {
    %c0_i32 = arith.constant 0 : i32
    %c0_i32_0 = arith.constant 0 : i32
    return %c0_i32 : i32
  }
  func.func @transform_25(%arg0: i32) -> (i32, i32) {
    %c0_i32 = arith.constant 0 : i32
    %c0_i32_0 = arith.constant 0 : i32
    return %arg0, %c0_i32 : i32, i32
  }
}

</mosaic_0001>

<sc_bundles>
// kernel: gather_offload_async_start.1
scs
__scs_entry_jumppad:
0x0: {  	(pc) =	sbr.rel $0x88, $3  }
0x1: {  	(tag) =	ssettag $0x0;
	lr =	simm.s32 $0x1  }
0x2: {  	[smem:$0x3F8D] =	sst lr;
	_ =	strace $0xD0000000  }
0x3: {  	_ = 	snop  }
0x4: {  	_ = 	snop  }
0x5: {  	_ = 	snop  }
0x6: {  	_ = 	snop  }
0x7: {  	_ = 	snop  }
__scs_overlays_trampoline_lowered:
0x8: {  	[smem:$0x3F9C] =	sst s0  }
0x9: {  	[smem:$0x3F9D] =	sst s1  }
0xa: {  	[smem:$0x3F9E] =	sst s2  }
0xb: {  	[smem:$0x3F9F] =	sst s3  }
0xc: {  	[smem:$0x3FA0] =	sst s4  }
0xd: {  	[smem:$0x3FA1] =	sst s5  }
0xe: {  	[smem:$0x3FA2] =	sst s6  }
0xf: {  	[smem:$0x3FA3] =	sst s7  }
0x10: {  	[smem:$0x3FA4] =	sst s8  }
0x11: {  	[smem:$0x3FA5] =	sst s9;
	s0 =	simm.s32 @!p0 $0x0  }
0x12: {  	s1 =	sld [smem:$0x3F8B];
	s0 =	simm.s32 @p0 $0x1  }
0x13: {  	[smem:$0x3FA6] =	sst s0;
	s0 =	simm.s32 @!p1 $0x0  }
0x14: {  	s2 =	sld [smem:$0x3F8A];
	s0 =	simm.s32 @p1 $0x1  }
0x15: {  	[smem:$0x3FA7] =	sst s0;
	s0 =	simm.s32 @!p2 $0x0  }
0x16: {  	s3 =	sld [smem:$0x3FDB];
	s0 =	simm.s32 @p2 $0x1  }
0x17: {  	s4 =	simm.s32 $0x1BF5;
	[smem:$0x3FA9] =	sst s0  }
0x18: {  	s0 =	sld [smem:$0x3F8C];
	_ =	swait.ge [sflag:s4], $0x0  }
0x19: {  	s7 =	sld [smem:$0x3F8D]  }
0x1a: {  	s8 =	sadd.s32 $0xFFFFE003, lr  }
0x1b: {  	s9 =	sadd.s32 $0xFFFFFEF7, lr;
	s5 =	simm.s32 $0xFFFFFFFF;
	p2 =	slt.u32 s8, $0xFFFFF086  }
0x1c: {  	p1 =	slt.u32 s9, $0xF7A;
	s5 =	simm.s32 @!p2 $0x0  }
0x1d: {  	s5 =	simm.s32 @p1 $0x1;
	p0 =	seq.s32 s7, s2  }
0x1e: {  	s7 =	smul.u32 @!p0 $0xF7A, s2;
	p2 =	seq.s32 @!p0 s5, $0x0  }
0x1f: {  	s9 =	smul.u32 $0xF7A, s1;
	s8 =	simm.s32 @!p0 $0x1BF5;
	p2 =	por !p2, p0  }
0x20: {  	[sflag:s8] =	ssyncset.s32 @!p0 $0xFFFFF086;
	s6 =	sadd.s32 @!p0 s3, s7;
	s7 =	simm.s32 @!p0 $0x108  }
0x21: {  	s3 =	sadd.s32 s3, s9;
	s6 =	sadd.s32 @!p0 $0x88, s6;
	s7 =	simm.s32 @p2 $0x1082  }
0x22: {  	[simem:s7], [sflag:s8] =	dma.local @!p0 [hbm:s6], $0xF7A  }
0x23: {  	s9 =	sor.u32 $0xD0000000, s2;
	s6 =	simm.s32 $0x108;
	_ =	swait.ge @!p0 [sflag:s8], $0x0  }
0x24: {  	s3 =	sadd.s32 $0x88, s3;
	s6 =	simm.s32 @!p1 $0x1082;
	[sflag:s4] =	ssyncset.s32 $0xFFFFF086  }
0x25: {  	[simem:s6], [sflag:s4] =	dma.local [hbm:s3], $0xF7A  }
0x26: {  	[smem:$0x3F8D] =	sst s1;
	(tag) =	ssettag s2;
	_ =	strace s9  }
0x27: {  	s1 =	sld [smem:$0x3F9D]  }
0x28: {  	s2 =	sld [smem:$0x3F9E]  }
0x29: {  	s4 =	sld [smem:$0x3FA0]  }
0x2a: {  	p0 =	seq.s32 s5, $0x0;
	s5 =	sld [smem:$0x3FA1]  }
0x2b: {  	s6 =	sld [smem:$0x3FA2]  }
0x2c: {  	s7 =	sld [smem:$0x3FA3]  }
0x2d: {  	s3 =	simm.s32 $0x108;
	s8 =	sld [smem:$0x3FA4]  }
0x2e: {  	s3 =	simm.s32 @!p0 $0x1082;
	s9 =	sld [smem:$0x3FA5]  }
0x2f: {  	lr =	sadd.s32 s0, s3;
	s0 =	sld [smem:$0x3F9C]  }
0x30: {  	s3 =	sld [smem:$0x3F9F]  }
0x31: {  	[smem:$0x3FA8] =	sst s10  }
0x32: {  	s10 =	sld [smem:$0x3FA6];
	_ =	sdelay $0x3  }
0x33: {  	p0 =	seq.s32 s10, $0x1;
	s10 =	sld [smem:$0x3FA8];
	_ =	sdelay $0x3  }
0x34: {  	[smem:$0x3FA8] =	sst s10  }
0x35: {  	s10 =	sld [smem:$0x3FA7];
	_ =	sdelay $0x3  }
0x36: {  	p1 =	seq.s32 s10, $0x1;
	s10 =	sld [smem:$0x3FA8];
	_ =	sdelay $0x3  }
0x37: {  	[smem:$0x3FA8] =	sst s10  }
0x38: {  	s10 =	sld [smem:$0x3FA9]  }
0x39: {  	_ = 	snop;
	(pc) =	sbr.ind lr, $3  }
0x3a: {  	_ = 	snop  }
0x3b: {  	_ = 	snop  }
0x3c: {  	p2 =	seq.s32 s10, $0x1;
	s10 =	sld [smem:$0x3FA8]  }
0x3d: {  	_ =	shalt  }
0x3e: {  	_ =	shalt  }
0x3f: {  	_ =	shalt  }
0x40: {  	_ =	shalt  }
0x41: {  	_ =	shalt  }
0x42: {  	_ =	shalt  }
0x43: {  	_ =	shalt  }
0x44: {  	_ =	shalt  }
0x45: {  	_ =	shalt  }
0x46: {  	_ =	shalt  }
0x47: {  	_ =	shalt  }
0x48: {  	_ =	shalt  }
0x49: {  	_ =	shalt  }
0x4a: {  	_ =	shalt  }
0x4b: {  	_ =	shalt  }
0x4c: {  	_ =	shalt  }
0x4d: {  	_ =	shalt  }
0x4e: {  	_ =	shalt  }
0x4f: {  	_ =	shalt  }
0x50: {  	_ =	shalt  }
0x51: {  	_ =	shalt  }
0x52: {  	_ =	shalt  }
0x53: {  	_ =	shalt  }
0x54: {  	_ =	shalt  }
0x55: {  	_ =	shalt  }
0x56: {  	_ =	shalt  }
0x57: {  	_ =	shalt  }
0x58: {  	_ =	shalt  }
0x59: {  	_ =	shalt  }
0x5a: {  	_ =	shalt  }
0x5b: {  	_ =	shalt  }
0x5c: {  	_ =	shalt  }
0x5d: {  	_ =	shalt  }
0x5e: {  	_ =	shalt  }
0x5f: {  	_ =	shalt  }
0x60: {  	_ =	shalt  }
0x61: {  	_ =	shalt  }
0x62: {  	_ =	shalt  }
0x63: {  	_ =	shalt  }
0x64: {  	_ =	shalt  }
0x65: {  	_ =	shalt  }
0x66: {  	_ =	shalt  }
0x67: {  	_ =	shalt  }
0x68: {  	_ =	shalt  }
0x69: {  	_ =	shalt  }
0x6a: {  	_ =	shalt  }
0x6b: {  	_ =	shalt  }
0x6c: {  	_ =	shalt  }
0x6d: {  	_ =	shalt  }
0x6e: {  	_ =	shalt  }
0x6f: {  	_ =	shalt  }
0x70: {  	_ =	shalt  }
0x71: {  	_ =	shalt  }
0x72: {  	_ =	shalt  }
0x73: {  	_ =	shalt  }
0x74: {  	_ =	shalt  }
0x75: {  	_ =	shalt  }
0x76: {  	_ =	shalt  }
0x77: {  	_ =	shalt  }
0x78: {  	_ =	shalt  }
0x79: {  	_ =	shalt  }
0x7a: {  	_ =	shalt  }
0x7b: {  	_ =	shalt  }
0x7c: {  	_ =	shalt  }
0x7d: {  	_ =	shalt  }
0x7e: {  	_ =	shalt  }
0x7f: {  	_ =	shalt  }
0x80: {  	_ =	shalt  }
0x81: {  	_ =	shalt  }
0x82: {  	_ =	shalt  }
0x83: {  	_ =	shalt  }
0x84: {  	_ =	shalt  }
0x85: {  	_ =	shalt  }
0x86: {  	_ =	shalt  }
0x87: {  	_ =	shalt  }
.Lfunc_end0:
.L_simem_size_0:
called_computation.3_lowered:
.L_overlay_start_0:
0x88: {  	s2 =	sld [smem:$0x3FD9]  }
0x89: {  	s3 =	sld [smem:$0x3FFE];
	_ =	sdelay $0x1  }
0x8a: {  	s1 =	srdreg.scid  }
0x8b: {  	s0 =	sand.u32 $0x1, s1  }
0x8c: {  	s17 =	sshll.u32 s0, $0xA;
	s2 =	sadd.s32 s3, s2  }
0x8d: {  	s2 =	sadd.s32 s2, s17  }
0x8e: {  	[smem:$0x3FB4] =	sst s2  }
0x8f: {  	_ = 	snop  }
0x90: {  	s2 =	sld [smem:$0x3FD0];
	(tm) =	ssettm $0x1  }
0x91: {  	s18 =	sld [smem:$0x3FFB];
	_ =	sdelay $0x3  }
0x92: {  	_ =	strace s18  }
0x93: {  	s3 =	sld [smem:$0x3FFC];
	_ =	sdelay $0x3  }
0x94: {  	_ =	strace s3  }
0x95: {  	s3 =	sld [smem:$0x3FFD];
	_ =	sdelay $0x3  }
0x96: {  	_ =	strace s3  }
0x97: {  	_ =	strace $0x8FFFFFFF  }
0x98: {  	s19 =	sld [smem:$0x3FDB];
	_ =	sdelay $0x1  }
0x99: {  	s4 =	simm.s32 $_scs_section_size  }
0x9a: {  	s5 =	simm.s32 $_size__tile_overlayer_lowered;
	s6 =	simm.s32 $_tile_overlayer_lowered  }
0x9b: {  	s22 =	simm.s32 $0x1BFF;
	s21 =	sshll.u32 s6, $0x1;
	s3 =	sadd.s32 s4, s19  }
0x9c: {  	s7 =	simm.s32 $0x0;
	s20 =	sshll.u32 s5, $0x1;
	s5 =	sadd.s32 s21, s3  }
0x9d: {  	[timem:s7], [sflag:s22] =	dma.local [hbm:s5], s20  }
0x9e: {  	_ =	swait.ge [sflag:s22], s20  }
0x9f: {  	s4 =	ssub.s32 $0x0, s20;
	[sflag:s22] =	ssyncset.done $0x0  }
0xa0: {  	[sflag:s22] =	ssyncadd.s32 s4;
	_ =	sdelay $0x1  }
0xa1: {  	s23 =	simm.s32 $0x1B8B  }
0xa2: {  	_ =	swait.ge [sflag:s23], $0x1  }
0xa3: {  	[sflag:s23] =	ssyncset.done $0x0  }
0xa4: {  	s25 =	simm.s32 $0x1B8E;
	s24 =	sld [smem:$0x3FFE];
	[sflag:s23] =	ssyncadd.s32 $0xFFFFFFFF  }
0xa5: {  	s26 =	simm.s32 $execute0_lowered;
	[smem:$0x3FD2] =	sst s25  }
0xa6: {  	s5 =	sshll.u32 s26, $0x1;
	_ =	strace $0x8000004F;
	[dreg:$0x1] =	wrdreg $0xFFFFFFFF  }
0xa7: {  	s28 =	simm.s32 $_size_execute0_lowered;
	s3 =	sadd.s32 s3, s5;
	[dreg:$0x0] =	wrdreg $0x0  }
0xa8: {  	s5 =	sshll.u32 s28, $0x1;
	[dreg:$0x2] =	wrdreg s3  }
0xa9: {  	[dreg:$0x3] =	wrdreg s5  }
0xaa: {  	[dreg:$0x4] =	wrdreg $0xC0  }
0xab: {  	_ =	task [dreg:s7], $0x5FFFF  }
0xac: {  	[dreg:$0x1] =	wrdreg $0xFFFFFFFF  }
0xad: {  	[dreg:$0x0] =	wrdreg $0x60  }
0xae: {  	[dreg:$0x2] =	wrdreg s24  }
0xaf: {  	[dreg:$0x3] =	wrdreg s2  }
0xb0: {  	[dreg:$0x4] =	wrdreg $0xA  }
0xb1: {  	_ =	task.clear_ibuf [dreg:s7], $0x5FFFF;
	_ =	strace $0x9000004F  }
0xb2: {  	s29 =	simm.s32 $0xA;
	_ =	strace $0x80000051  }
0xb3: {  	_ =	swait.ge [sflag:s29], $0x1  }
0xb4: {  	[sflag:s29] =	ssyncadd.s32 $0xFFFFFFFF  }
0xb5: {  	_ =	strace $0x90000051  }
0xb6: {  	_ =	sfence  }
0xb7: {  	s30 =	sld [smem:$0x0];
	_ =	sdelay $0x2  }
0xb8: {  	s31 =	sshll.u32 s1, $0xD;
	s1 =	sshrl.u32 s1, $0x2  }
0xb9: {  	s3 =	sand.u32 $0x4000, s31;
	s1 =	sadd.s32 s1, s30  }
0xba: {  	s0 =	sor.u32 s3, s0;
	s1 =	sshll.u32 s1, $0x11  }
0xbb: {  	s0 =	sor.u32 s1, s0  }
0xbc: {  	s0 =	sadd.s32 $0x8F2B, s0  }
0xbd: {  	[sflag:s0] =	ssyncadd.remote.s32 $0x1  }
0xbe: {  	_ =	sfence.sel $0xFFFF  }
0xbf: {  	[dreg:$0x0] =	wrdreg $0xFFFFFFFF;
	(pc) =	sbr.abs _section_cstart, $3  }
0xc0: {  	[dreg:$0x1] =	wrdreg $0xFFFFFFFF  }
0xc1: {  	_ =	task.clear_ibuf [dreg:s7], $0x2FFFF;
	_ =	strace $0x9FFFFFFF  }
0xc2: {  	(tm) =	ssettm $0x7FFFFFFF  }
0xc3: {  	_ =	shalt  }
tec
execute0_lowered:
.L_overlay_start_1:
0x0: {  	(tag) =	ssettag $0x1  }
0x1: {  	s8 =	rddreg [dreg:$0x0]  }
0x2: {  	s2 =	rddreg [dreg:$0x1]  }
0x3: {  	s0 =	rddreg [dreg:$0x2];
	s1 =	stileid.u32  }
0x4: {  	s3 =	srdreg.scid;
	_ =	strace $0x80000050;
	s4 =	simm.s32 $0x1  }
0x5: {  	s7 =	simm.s32 $0x1;
	s9 =	simm.s32 $0x1;
	s10 =	simm.s32 $0x3  }
0x6: {  	s13 =	simm.s32 $0x0;
	s5 =	sand.u32 $0x1, s3;
	s6 =	sshll.u32 s1, $0x1  }
0x7: {  	s12 =	simm.s32 $0x0;
	s3 =	sadd.s32 $0xAED400, s8;
	s5 =	sor.u32 s6, s5  }
.Ltmp0:
0x8: {  	[sflag:s4] =	ssyncpa.u1 $0x0;
	p0 =	slt.u32 s5, $0x9;
	(pc) =	sbr.rel .LBB2_1-.Ltmp0, $4  }
0x9: {  	s6 =	simm.s32 $0x2;
	s7 =	simm.s32 @!p0 $0x0;
	p0 =	sne.s32 s5, $0x8  }
0xa: {  	[sflag:s6] =	ssyncpa.u1 $0x0;
	s5 =	smul.u32 $0x1F40, s5;
	s9 =	simm.s32 @!p0 $0x0  }
0xb: {  	s8 =	sadd.s32 $0xA7D200, s8;
	[sflag:s10] =	ssyncpa.u1 $0x0;
	s7 =	sadd.s32 s9, s7  }
0xc: {  	vm0 =	vmmov $0xffff;
	s10 =	simm.s32 $0x0;
	s11 =	smov.u32 s5;
	s9 =	sadd.s32 $0x1, s7  }
.LBB2_4:
0xd: {  	v5 =	vshrl.u32 v1, $0xD;
	v6 =	vshll.u32 v1, $0x7  }
0xe: {  	vm1 =	veq.s32 v1, $0x80000000;
	v58 =	vand.u32 $0x3F, v5;
	v59 =	vand.u32 $0xFFF80, v6  }
0xf: {  	v1 =	vsel vm1, $0xFFFFFFFF, v58;
	v5 =	vsel vm1, $0xFFFFFF80, v59  }
0x10: {  	v3 =	vor.u32 v4, v3;
	v60 =	vand.u32 $0xFFFFFC00, v5;
	v61 =	vand.u32 $0xFFFFFC00, v1  }
0x11: {  	v2 =	vor.u32 v2, v3;
	v63 =	vand.u32 $0x380, v5;
	v62 =	vadd.s32 v61, v60  }
0x12: {  	v1 =	vand.u32 $0x7F, v1;
	v3 =	vor.u32 v63, v62  }
0x13: {  	v1 =	vor.u32 v1, v3  }
0x14: {  	[tilespmem:s17], [sflag:$0x1] =	stream.indirect_vreg.gather [hbm4b:s3+s10], $0x1, v0, vm0, $0x4038;
	[tilespmem:$0x7D00] =	vst v63  }
0x15: {  	(ifvalue) =	ssetifvalue $0x7FFFFFFF  }
0x16: {  	[tilespmem:s15], [sflag:$0x1] =	stream.indirect_vreg.gather [hbm4b:s3+s10], $0x1, v2, vm0, $0x4038;
	[tilespmem:$0x7D00] =	vst v63  }
0x17: {  	s29 =	sadd.s32 $0x10, s15;
	(ifvalue) =	ssetifvalue $0x7FFFFFFF  }
0x18: {  	[tilespmem:s29], [sflag:$0x1] =	stream.indirect_vreg.gather [hbm4b:s3+s10], $0x1, v1, vm0, $0x4038;
	[tilespmem:$0x7D00] =	vst v63  }
0x19: {  	_ =	swait.ge [sflag:s4], $0x1F40  }
0x1a: {  	s30 =	sshrl.u32 s13, $0x3;
	[sflag:s4] =	ssyncset.done $0x0  }
0x1b: {  	s31 =	sand.u32 $0x7, s13;
	s15 =	sadd.s32 s8, s30;
	[sflag:s4] =	ssyncadd.s32 $0xFFFFE0C0  }
0x1c: {  	[hbm4b:s15+s31] =	stream.linear.scatter [tilespmem:s14], [sflag:$0x3], $0x1F40, $0x38;
	[tilespmem:$0x7D00] =	vst v63  }
.LBB2_5:
0x1d: {  	s15 =	sadd.s32 $0x3E800, s11  }
0x1e: {  	p1 =	sgt.s32 s15, $0x4E1FF  }
0x1f: {  	s15 =	smov.u32 @p1 s5;
	p1 =	sne.s32 s12, s9  }
.Ltmp1:
0x20: {  	p0 =	slt.u32 s12, $0x2;
	(pc) =	sbr.rel @!p1 .LBB2_6-.Ltmp1, $4  }
0x21: {  	s14 =	simm.s32 @!p0 $0x3  }
0x22: {  	_ =	swait.ge @!p0 [sflag:s14], $0x1F40  }
0x23: {  	s16 =	sadd.s32 $0x1, s12;
	s13 =	smov.u32 s11;
	[sflag:s14] =	ssyncset.done @!p0 $0x0  }
0x24: {  	s12 =	smov.u32 s16;
	s11 =	smov.u32 s15;
	[sflag:s14] =	ssyncadd.s32 @!p0 $0xFFFFE0C0  }
.LBB2_1:
0x25: {  	p0 =	sge.u32 s12, s7  }
0x26: {  	s14 =	sxor.u32 @!p0 $0x1, s12  }
0x27: {  	s14 =	smul.u32 @!p0 $0x7D00, s14  }
0x28: {  	s31 =	sadd.s32 $0xFFFFFFFF, s12;
	s15 =	sshrl.u32 @!p0 s11, $0x3  }
0x29: {  	s16 =	sand.u32 @!p0 $0x7, s11;
	s15 =	sadd.s32 @!p0 s2, s15;
	s14 =	sshra.s32 @!p0 s14, $0x2  }
0x2a: {  	[tilespmem:s14], [sflag:$0x2] =	stream.linear.gather @!p0 [hbm4b:s15+s16], $0x1F40, $0x38;
	[tilespmem:$0x7D00] =	vst v63  }
0x2b: {  	p0 =	sge.u32 s31, s7  }
.Ltmp2:
0x2c: {  	_ = 	snop;
	(pc) =	sbr.rel @p0 .LBB2_5-.Ltmp2, $1  }
0x2d: {  	_ =	sdelay $0x3  }
0x2e: {  	s14 =	sand.u32 $0x1, s12  }
0x2f: {  	_ =	swait.ge [sflag:s6], $0x1F40;
	p0 =	seq.s32 s14, $0x1;
	s14 =	simm.s32 $0x1F40  }
0x30: {  	[sflag:s6] =	ssyncset.done $0x0;
	s14 =	simm.s32 @!p0 $0x0  }
0x31: {  	[sflag:s6] =	ssyncadd.s32 $0xFFFFE0C0;
	(ifvalue) =	ssetifvalue $0x7FFFFFFF;
	v0 =	vld.msk [tilespmem:s14+$0x0 ss:$0x1], $0xffff;
	_ =	sdelay $0x4  }
0x32: {  	s15 =	sadd.s32 $0x10, s14;
	v2 =	vshrl.u32 v0, $0xD;
	v3 =	vshll.u32 v0, $0x7  }
0x33: {  	v1 =	vld.msk [tilespmem:s15+$0x0 ss:$0x1], $0xffff;
	vm1 =	veq.s32 v0, $0x80000000;
	v0 =	vand.u32 $0x3F, v2;
	v2 =	vand.u32 $0xFFF80, v3  }
0x34: {  	v0 =	vsel vm1, $0xFFFFFFFF, v0;
	v2 =	vsel vm1, $0xFFFFFF80, v2  }
0x35: {  	v3 =	vand.u32 $0xFFFFFC00, v2;
	v4 =	vand.u32 $0xFFFFFC00, v0  }
0x36: {  	v2 =	vand.u32 $0x380, v2;
	v3 =	vadd.s32 v4, v3  }
0x37: {  	v0 =	vand.u32 $0x7F, v0;
	v2 =	vor.u32 v2, v3  }
0x38: {  	v5 =	vshll.u32 v1, $0x7;
	v4 =	vshrl.u32 v1, $0xD;
	v0 =	vor.u32 v0, v2  }
0x39: {  	vm1 =	veq.s32 v1, $0x80000000;
	v1 =	vand.u32 $0x3F, v4;
	v4 =	vand.u32 $0xFFF80, v5  }
0x3a: {  	s14 =	sadd.s32 $0x3E80, s14;
	s15 =	sadd.s32 $0x10, s15;
	v3 =	vsel vm1, $0xFFFFFFFF, v1;
	v4 =	vsel vm1, $0xFFFFFF80, v4  }
0x3b: {  	s16 =	simm.s32 $0x20;
	s17 =	smov.u32 s14;
	v1 =	vld.msk [tilespmem:s15+$0x0 ss:$0x1], $0xffff;
	v5 =	vand.u32 $0xFFFFFC00, v4;
	v6 =	vand.u32 $0xFFFFFC00, v3  }
0x3c: {  	s18 =	sadd.s32 $0x10, s15;
	(ifvalue) =	ssetifvalue $0x7FFFFFFF;
	s15 =	sadd.s32 $0x10, s14;
	v2 =	vand.u32 $0x7F, v3;
	v4 =	vand.u32 $0x380, v4;
	v3 =	vadd.s32 v6, v5  }
.LBB2_3:
0x3d: {  	[tilespmem:s17], [sflag:$0x1] =	stream.indirect_vreg.gather [hbm4b:s3+s10], $0x1, v0, vm0, $0x4038;
	[tilespmem:$0x7D00] =	vst v63  }
0x3e: {  	s16 =	sadd.s32 $0x10, s16  }
0x3f: {  	v3 =	vor.u32 v4, v3;
	p0 =	slt.u32 s16, $0x1F30  }
.Ltmp3:
0x40: {  	v4 =	vshrl.u32 v1, $0xD;
	v5 =	vshll.u32 v1, $0x7;
	s17 =	smov.u32 s15;
	v0 =	vor.u32 v2, v3;
	v2 =	vmovc v1;
	v1 =	vld.msk [tilespmem:s18+$0x0 ss:$0x1], $0xffff;
	(pc) =	sbr.rel @p0 .LBB2_3-.Ltmp3, $4  }
0x41: {  	v3 =	vand.u32 $0xFFF80, v5;
	vm1 =	veq.s32 v2, $0x80000000;
	v2 =	vand.u32 $0x3F, v4  }
0x42: {  	v4 =	vsel vm1, $0xFFFFFFFF, v2;
	v5 =	vsel vm1, $0xFFFFFF80, v3  }
0x43: {  	v2 =	vand.u32 $0x7F, v4;
	v3 =	vand.u32 $0xFFFFFC00, v5;
	v4 =	vand.u32 $0xFFFFFC00, v4  }
0x44: {  	s15 =	sadd.s32 $0x10, s15;
	s18 =	sadd.s32 $0x10, s18;
	v3 =	vadd.s32 v4, v3;
	v4 =	vand.u32 $0x380, v5;
	(ifvalue) =	ssetifvalue $0x7FFFFFFF  }
.Ltmp4:
0x45: {  	_ = 	snop;
	(pc) =	sbr.rel .LBB2_4-.Ltmp4, $1  }
0x46: {  	_ =	sdelay $0x3  }
.LBB2_6:
0x47: {  	_ =	sfence.sel $0x180000  }
0x48: {  	s2 =	simm.s32 $0x2;
	[bflag:$0x0] =	sbarrier.arrive $0xFFFF  }
0x49: {  	s30 =	simm.s32 $0x3;
	[sflag:s2] =	ssyncpa.u1 $0x1  }
0x4a: {  	s31 =	simm.s32 $0x1;
	[sflag:s30] =	ssyncpa.u1 $0x1  }
0x4b: {  	[sflag:s31] =	ssyncpa.u1 $0x1  }
0x4c: {  	p0 =	sne.s32 s1, $0x0;
	_ =	strace $0x90000050  }
0x4d: {  	s0 =	sadd.s32 @!p0 $0x100000, s0;
	[bflag:$0x2] =	sbarrier.arrive $0xFFFF  }
0x4e: {  	[sflag:s0] =	ssyncadd.tile.s32 @!p0 $0x1;
	_ =	shalt  }
.Lfunc_end2:
_tile_overlayer_lowered:
.L_overlay_start_2:
0x4f: {  	(tag) =	ssettag $0x2  }
0x50: {  	s0 =	rddreg [dreg:$0x0];
	s2 =	stileid.u32  }
0x51: {  	s1 =	rddreg [dreg:$0x1];
	p0 =	sne.s32 s2, $0x0  }
0x52: {  	s3 =	rddreg [dreg:$0x2];
	[bflag:$0x3] =	sbarrier.arrive $0xFFFF;
	s2 =	simm.s32 @!p0 $0x1C01  }
0x53: {  	[timem:s3], [sflag:s2] =	dma.local @!p0 [hbm:s0], s1  }
0x54: {  	s0 =	simm.s32 @!p0 $0x1  }
0x55: {  	_ =	swait.ge @!p0 [sflag:s0], s1  }
0x56: {  	s1 =	ssub.s32 @!p0 $0x0, s1;
	[sflag:s0] =	ssyncset.done @!p0 $0x0  }
0x57: {  	[sflag:s0] =	ssyncadd.s32 @!p0 s1  }
0x58: {  	[bflag:$0x3] =	sbarrier.arrive $0xFFFF  }
0x59: {  	_ =	shalt  }

// kernel: gather_offload_async_start.2
scs
__scs_entry_jumppad:
0x0: {  	(pc) =	sbr.rel $0x88, $3  }
0x1: {  	(tag) =	ssettag $0x0;
	lr =	simm.s32 $0x1  }
0x2: {  	[smem:$0x3F8D] =	sst lr;
	_ =	strace $0xD0000000  }
0x3: {  	_ = 	snop  }
0x4: {  	_ = 	snop  }
0x5: {  	_ = 	snop  }
0x6: {  	_ = 	snop  }
0x7: {  	_ = 	snop  }
__scs_overlays_trampoline_lowered:
0x8: {  	[smem:$0x3F9C] =	sst s0  }
0x9: {  	[smem:$0x3F9D] =	sst s1  }
0xa: {  	[smem:$0x3F9E] =	sst s2  }
0xb: {  	[smem:$0x3F9F] =	sst s3  }
0xc: {  	[smem:$0x3FA0] =	sst s4  }
0xd: {  	[smem:$0x3FA1] =	sst s5  }
0xe: {  	[smem:$0x3FA2] =	sst s6  }
0xf: {  	[smem:$0x3FA3] =	sst s7  }
0x10: {  	[smem:$0x3FA4] =	sst s8  }
0x11: {  	[smem:$0x3FA5] =	sst s9;
	s0 =	simm.s32 @!p0 $0x0  }
0x12: {  	s1 =	sld [smem:$0x3F8B];
	s0 =	simm.s32 @p0 $0x1  }
0x13: {  	[smem:$0x3FA6] =	sst s0;
	s0 =	simm.s32 @!p1 $0x0  }
0x14: {  	s2 =	sld [smem:$0x3F8A];
	s0 =	simm.s32 @p1 $0x1  }
0x15: {  	[smem:$0x3FA7] =	sst s0;
	s0 =	simm.s32 @!p2 $0x0  }
0x16: {  	s3 =	sld [smem:$0x3FDB];
	s0 =	simm.s32 @p2 $0x1  }
0x17: {  	s4 =	simm.s32 $0x1BF5;
	[smem:$0x3FA9] =	sst s0  }
0x18: {  	s0 =	sld [smem:$0x3F8C];
	_ =	swait.ge [sflag:s4], $0x0  }
0x19: {  	s7 =	sld [smem:$0x3F8D]  }
0x1a: {  	s8 =	sadd.s32 $0xFFFFE003, lr  }
0x1b: {  	s9 =	sadd.s32 $0xFFFFFEF7, lr;
	s5 =	simm.s32 $0xFFFFFFFF;
	p2 =	slt.u32 s8, $0xFFFFF086  }
0x1c: {  	p1 =	slt.u32 s9, $0xF7A;
	s5 =	simm.s32 @!p2 $0x0  }
0x1d: {  	s5 =	simm.s32 @p1 $0x1;
	p0 =	seq.s32 s7, s2  }
0x1e: {  	s7 =	smul.u32 @!p0 $0xF7A, s2;
	p2 =	seq.s32 @!p0 s5, $0x0  }
0x1f: {  	s9 =	smul.u32 $0xF7A, s1;
	s8 =	simm.s32 @!p0 $0x1BF5;
	p2 =	por !p2, p0  }
0x20: {  	[sflag:s8] =	ssyncset.s32 @!p0 $0xFFFFF086;
	s6 =	sadd.s32 @!p0 s3, s7;
	s7 =	simm.s32 @!p0 $0x108  }
0x21: {  	s3 =	sadd.s32 s3, s9;
	s6 =	sadd.s32 @!p0 $0x88, s6;
	s7 =	simm.s32 @p2 $0x1082  }
0x22: {  	[simem:s7], [sflag:s8] =	dma.local @!p0 [hbm:s6], $0xF7A  }
0x23: {  	s9 =	sor.u32 $0xD0000000, s2;
	s6 =	simm.s32 $0x108;
	_ =	swait.ge @!p0 [sflag:s8], $0x0  }
0x24: {  	s3 =	sadd.s32 $0x88, s3;
	s6 =	simm.s32 @!p1 $0x1082;
	[sflag:s4] =	ssyncset.s32 $0xFFFFF086  }
0x25: {  	[simem:s6], [sflag:s4] =	dma.local [hbm:s3], $0xF7A  }
0x26: {  	[smem:$0x3F8D] =	sst s1;
	(tag) =	ssettag s2;
	_ =	strace s9  }
0x27: {  	s1 =	sld [smem:$0x3F9D]  }
0x28: {  	s2 =	sld [smem:$0x3F9E]  }
0x29: {  	s4 =	sld [smem:$0x3FA0]  }
0x2a: {  	p0 =	seq.s32 s5, $0x0;
	s5 =	sld [smem:$0x3FA1]  }
0x2b: {  	s6 =	sld [smem:$0x3FA2]  }
0x2c: {  	s7 =	sld [smem:$0x3FA3]  }
0x2d: {  	s3 =	simm.s32 $0x108;
	s8 =	sld [smem:$0x3FA4]  }
0x2e: {  	s3 =	simm.s32 @!p0 $0x1082;
	s9 =	sld [smem:$0x3FA5]  }
0x2f: {  	lr =	sadd.s32 s0, s3;
	s0 =	sld [smem:$0x3F9C]  }
0x30: {  	s3 =	sld [smem:$0x3F9F]  }
0x31: {  	[smem:$0x3FA8] =	sst s10  }
0x32: {  	s10 =	sld [smem:$0x3FA6];
	_ =	sdelay $0x3  }
0x33: {  	p0 =	seq.s32 s10, $0x1;
	s10 =	sld [smem:$0x3FA8];
	_ =	sdelay $0x3  }
0x34: {  	[smem:$0x3FA8] =	sst s10  }
0x35: {  	s10 =	sld [smem:$0x3FA7];
	_ =	sdelay $0x3  }
0x36: {  	p1 =	seq.s32 s10, $0x1;
	s10 =	sld [smem:$0x3FA8];
	_ =	sdelay $0x3  }
0x37: {  	[smem:$0x3FA8] =	sst s10  }
0x38: {  	s10 =	sld [smem:$0x3FA9]  }
0x39: {  	_ = 	snop;
	(pc) =	sbr.ind lr, $3  }
0x3a: {  	_ = 	snop  }
0x3b: {  	_ = 	snop  }
0x3c: {  	p2 =	seq.s32 s10, $0x1;
	s10 =	sld [smem:$0x3FA8]  }
0x3d: {  	_ =	shalt  }
0x3e: {  	_ =	shalt  }
0x3f: {  	_ =	shalt  }
0x40: {  	_ =	shalt  }
0x41: {  	_ =	shalt  }
0x42: {  	_ =	shalt  }
0x43: {  	_ =	shalt  }
0x44: {  	_ =	shalt  }
0x45: {  	_ =	shalt  }
0x46: {  	_ =	shalt  }
0x47: {  	_ =	shalt  }
0x48: {  	_ =	shalt  }
0x49: {  	_ =	shalt  }
0x4a: {  	_ =	shalt  }
0x4b: {  	_ =	shalt  }
0x4c: {  	_ =	shalt  }
0x4d: {  	_ =	shalt  }
0x4e: {  	_ =	shalt  }
0x4f: {  	_ =	shalt  }
0x50: {  	_ =	shalt  }
0x51: {  	_ =	shalt  }
0x52: {  	_ =	shalt  }
0x53: {  	_ =	shalt  }
0x54: {  	_ =	shalt  }
0x55: {  	_ =	shalt  }
0x56: {  	_ =	shalt  }
0x57: {  	_ =	shalt  }
0x58: {  	_ =	shalt  }
0x59: {  	_ =	shalt  }
0x5a: {  	_ =	shalt  }
0x5b: {  	_ =	shalt  }
0x5c: {  	_ =	shalt  }
0x5d: {  	_ =	shalt  }
0x5e: {  	_ =	shalt  }
0x5f: {  	_ =	shalt  }
0x60: {  	_ =	shalt  }
0x61: {  	_ =	shalt  }
0x62: {  	_ =	shalt  }
0x63: {  	_ =	shalt  }
0x64: {  	_ =	shalt  }
0x65: {  	_ =	shalt  }
0x66: {  	_ =	shalt  }
0x67: {  	_ =	shalt  }
0x68: {  	_ =	shalt  }
0x69: {  	_ =	shalt  }
0x6a: {  	_ =	shalt  }
0x6b: {  	_ =	shalt  }
0x6c: {  	_ =	shalt  }
0x6d: {  	_ =	shalt  }
0x6e: {  	_ =	shalt  }
0x6f: {  	_ =	shalt  }
0x70: {  	_ =	shalt  }
0x71: {  	_ =	shalt  }
0x72: {  	_ =	shalt  }
0x73: {  	_ =	shalt  }
0x74: {  	_ =	shalt  }
0x75: {  	_ =	shalt  }
0x76: {  	_ =	shalt  }
0x77: {  	_ =	shalt  }
0x78: {  	_ =	shalt  }
0x79: {  	_ =	shalt  }
0x7a: {  	_ =	shalt  }
0x7b: {  	_ =	shalt  }
0x7c: {  	_ =	shalt  }
0x7d: {  	_ =	shalt  }
0x7e: {  	_ =	shalt  }
0x7f: {  	_ =	shalt  }
0x80: {  	_ =	shalt  }
0x81: {  	_ =	shalt  }
0x82: {  	_ =	shalt  }
0x83: {  	_ =	shalt  }
0x84: {  	_ =	shalt  }
0x85: {  	_ =	shalt  }
0x86: {  	_ =	shalt  }
0x87: {  	_ =	shalt  }
.Lfunc_end0:
.L_simem_size_0:
called_computation.4_lowered:
.L_overlay_start_0:
0x88: {  	s2 =	sld [smem:$0x3FD9]  }
0x89: {  	s3 =	sld [smem:$0x3FFE];
	_ =	sdelay $0x1  }
0x8a: {  	s1 =	srdreg.scid  }
0x8b: {  	s0 =	sand.u32 $0x1, s1  }
0x8c: {  	s17 =	sshll.u32 s0, $0xA;
	s2 =	sadd.s32 s3, s2  }
0x8d: {  	s2 =	sadd.s32 s2, s17  }
0x8e: {  	[smem:$0x3FB4] =	sst s2  }
0x8f: {  	_ = 	snop  }
0x90: {  	s2 =	sld [smem:$0x3FD0];
	(tm) =	ssettm $0x1  }
0x91: {  	s18 =	sld [smem:$0x3FFB];
	_ =	sdelay $0x3  }
0x92: {  	_ =	strace s18  }
0x93: {  	s3 =	sld [smem:$0x3FFC];
	_ =	sdelay $0x3  }
0x94: {  	_ =	strace s3  }
0x95: {  	s3 =	sld [smem:$0x3FFD];
	_ =	sdelay $0x3  }
0x96: {  	_ =	strace s3  }
0x97: {  	_ =	strace $0x8FFFFFFF  }
0x98: {  	s19 =	sld [smem:$0x3FDB];
	_ =	sdelay $0x1  }
0x99: {  	s4 =	simm.s32 $_scs_section_size  }
0x9a: {  	s5 =	simm.s32 $_size__tile_overlayer_lowered;
	s6 =	simm.s32 $_tile_overlayer_lowered  }
0x9b: {  	s22 =	simm.s32 $0x1BFF;
	s21 =	sshll.u32 s6, $0x1;
	s3 =	sadd.s32 s4, s19  }
0x9c: {  	s7 =	simm.s32 $0x0;
	s20 =	sshll.u32 s5, $0x1;
	s5 =	sadd.s32 s21, s3  }
0x9d: {  	[timem:s7], [sflag:s22] =	dma.local [hbm:s5], s20  }
0x9e: {  	_ =	swait.ge [sflag:s22], s20  }
0x9f: {  	s4 =	ssub.s32 $0x0, s20;
	[sflag:s22] =	ssyncset.done $0x0  }
0xa0: {  	[sflag:s22] =	ssyncadd.s32 s4;
	_ =	sdelay $0x1  }
0xa1: {  	s23 =	simm.s32 $0x1B8B  }
0xa2: {  	_ =	swait.ge [sflag:s23], $0x1  }
0xa3: {  	[sflag:s23] =	ssyncset.done $0x0  }
0xa4: {  	s25 =	simm.s32 $0x1B8E;
	s24 =	sld [smem:$0x3FFE];
	[sflag:s23] =	ssyncadd.s32 $0xFFFFFFFF  }
0xa5: {  	s26 =	simm.s32 $execute0_lowered;
	[smem:$0x3FD2] =	sst s25  }
0xa6: {  	s5 =	sshll.u32 s26, $0x1;
	_ =	strace $0x80000055;
	[dreg:$0x1] =	wrdreg $0xFFFFFFFF  }
0xa7: {  	s28 =	simm.s32 $_size_execute0_lowered;
	s3 =	sadd.s32 s3, s5;
	[dreg:$0x0] =	wrdreg $0x0  }
0xa8: {  	s5 =	sshll.u32 s28, $0x1;
	[dreg:$0x2] =	wrdreg s3  }
0xa9: {  	[dreg:$0x3] =	wrdreg s5  }
0xaa: {  	[dreg:$0x4] =	wrdreg $0xC0  }
0xab: {  	_ =	task [dreg:s7], $0x5FFFF  }
0xac: {  	[dreg:$0x1] =	wrdreg $0xFFFFFFFF  }
0xad: {  	[dreg:$0x0] =	wrdreg $0x60  }
0xae: {  	[dreg:$0x2] =	wrdreg s24  }
0xaf: {  	[dreg:$0x3] =	wrdreg s2  }
0xb0: {  	[dreg:$0x4] =	wrdreg $0x9  }
0xb1: {  	_ =	task.clear_ibuf [dreg:s7], $0x5FFFF;
	_ =	strace $0x90000055  }
0xb2: {  	s29 =	simm.s32 $0x9;
	_ =	strace $0x80000057  }
0xb3: {  	_ =	swait.ge [sflag:s29], $0x1  }
0xb4: {  	[sflag:s29] =	ssyncadd.s32 $0xFFFFFFFF  }
0xb5: {  	_ =	strace $0x90000057  }
0xb6: {  	_ =	sfence  }
0xb7: {  	s30 =	sld [smem:$0x0];
	_ =	sdelay $0x2  }
0xb8: {  	s31 =	sshll.u32 s1, $0xD;
	s1 =	sshrl.u32 s1, $0x2  }
0xb9: {  	s3 =	sand.u32 $0x4000, s31;
	s1 =	sadd.s32 s1, s30  }
0xba: {  	s0 =	sor.u32 s3, s0;
	s1 =	sshll.u32 s1, $0x11  }
0xbb: {  	s0 =	sor.u32 s1, s0  }
0xbc: {  	s0 =	sadd.s32 $0x8F2B, s0  }
0xbd: {  	[sflag:s0] =	ssyncadd.remote.s32 $0x1  }
0xbe: {  	_ =	sfence.sel $0xFFFF  }
0xbf: {  	[dreg:$0x0] =	wrdreg $0xFFFFFFFF;
	(pc) =	sbr.abs _section_cstart, $3  }
0xc0: {  	[dreg:$0x1] =	wrdreg $0xFFFFFFFF  }
0xc1: {  	_ =	task.clear_ibuf [dreg:s7], $0x2FFFF;
	_ =	strace $0x9FFFFFFF  }
0xc2: {  	(tm) =	ssettm $0x7FFFFFFF  }
0xc3: {  	_ =	shalt  }
tec
execute0_lowered:
.L_overlay_start_1:
0x0: {  	(tag) =	ssettag $0x1  }
0x1: {  	s0 =	stileid.u32;
	s1 =	srdreg.scid  }
0x2: {  	s1 =	sand.u32 $0x1, s1;
	s2 =	sshll.u32 s0, $0x1  }
0x3: {  	s1 =	sor.u32 s2, s1  }
0x4: {  	s2 =	smul.u32 $0xC80, s1;
	_ =	sdelay $0x1  }
0x5: {  	s9 =	rddreg [dreg:$0x0];
	s7 =	ssub.s32 $0x4E200, s2  }
0x6: {  	s3 =	rddreg [dreg:$0x1];
	s4 =	smulhi.u32 $0xA3D71, s7  }
0x7: {  	s6 =	simm.s32 $0x2;
	s11 =	simm.s32 $0x3;
	s14 =	simm.s32 $0x0  }
0x8: {  	s13 =	simm.s32 $0x0;
	s5 =	sadd.s32 $0xB00E00, s9;
	s8 =	sshrl.u32 s4, $0x4  }
0x9: {  	s1 =	rddreg [dreg:$0x2];
	_ =	strace $0x80000056;
	s10 =	smul.u32 $0x19000, s8  }
.Ltmp0:
0xa: {  	s12 =	smov.u32 s2;
	s4 =	simm.s32 $0x1;
	(pc) =	sbr.rel .LBB2_1-.Ltmp0, $4  }
0xb: {  	[sflag:s4] =	ssyncpa.u1 $0x0;
	p0 =	sne.s32 s7, s10;
	s10 =	simm.s32 $0x1  }
0xc: {  	[sflag:s6] =	ssyncpa.u1 $0x0;
	s7 =	sadd.s32 $0x51000, s9;
	s10 =	simm.s32 @!p0 $0x0  }
0xd: {  	[sflag:s11] =	ssyncpa.u1 $0x0;
	s9 =	sadd.s32 $0x9F200, s9;
	s8 =	sadd.s32 s10, s8  }
0xe: {  	vm0 =	vmmov $0xffff;
	v0 =	vlaneseq.u32;
	s11 =	simm.s32 $0x0;
	p0 =	por $0x0, $0x0;
	s10 =	sadd.s32 $0x1, s8  }
.LBB2_4:
0xf: {  	_ =	sdelay $0x1  }
0x10: {  	(ifvalue) =	ssetifvalue $0x7FFFFFFF  }
0x11: {  	s17 =	sshll.u32 s14, $0x3;
	(ifvalue) =	ssetifvalue $0x7FFFFFFF  }
0x12: {  	[tilespmem:s23], [sflag:$0x1] =	stream.indirect_vreg.gather [hbm4b:s5+s11], $0x1, v1, vm0, $0x4038;
	[tilespmem:$0x1A900] =	vst v63  }
0x13: {  	s30 =	sand.u32 $0x78, s14;
	s17 =	sand.u32 $0xFFFFFC00, s17  }
0x14: {  	_ =	swait.ge [sflag:s4], $0xC800;
	s14 =	sor.u32 s30, s17  }
0x15: {  	[sflag:s4] =	ssyncset.done $0x0;
	s14 =	sshrl.u32 s14, $0x3  }
0x16: {  	[sflag:s4] =	ssyncadd.s32 $0xFFFF3800;
	s31 =	sadd.s32 s7, s14  }
0x17: {  	[hbm:s31] =	stream.linear.scatter [tilespmem:s16], [sflag:$0x3], $0x6400, $0x38;
	[tilespmem:$0x1A900] =	vst v63  }
0x18: {  	s15 =	sadd.s32 $0x7D00, s15;
	s14 =	sadd.s32 s14, s9  }
0x19: {  	[hbm:s14] =	stream.linear.scatter [tilespmem:s15], [sflag:$0x3], $0x6400, $0x38;
	[tilespmem:$0x1A900] =	vst v63  }
.LBB2_5:
0x1a: {  	s16 =	sadd.s32 $0x19000, s12  }
0x1b: {  	p2 =	sgt.s32 s16, $0x4E1FF  }
0x1c: {  	s16 =	smov.u32 @p2 s2;
	p2 =	sne.s32 s13, s10  }
.Ltmp1:
0x1d: {  	p1 =	slt.u32 s13, $0x2;
	(pc) =	sbr.rel @!p2 .LBB2_6-.Ltmp1, $4  }
0x1e: {  	s15 =	simm.s32 @!p1 $0x3  }
0x1f: {  	s17 =	sadd.s32 $0x1, s13;
	_ =	swait.ge @!p1 [sflag:s15], $0xC800  }
0x20: {  	s14 =	smov.u32 s12;
	p0 =	por !p0, !p0;
	[sflag:s15] =	ssyncset.done @!p1 $0x0  }
0x21: {  	s13 =	smov.u32 s17;
	s12 =	smov.u32 s16;
	[sflag:s15] =	ssyncadd.s32 @!p1 $0xFFFF3800  }
.LBB2_1:
0x22: {  	p1 =	sge.u32 s13, s8  }
0x23: {  	s15 =	sxor.u32 @!p1 $0xFFFFFFFF, s13  }
0x24: {  	s15 =	sand.u32 @!p1 $0x1, s15  }
0x25: {  	s15 =	smul.u32 @!p1 $0x3200, s15  }
0x26: {  	s31 =	sadd.s32 $0xFFFFFFFF, s13;
	s16 =	sshrl.u32 @!p1 s12, $0x3  }
0x27: {  	s17 =	sand.u32 @!p1 $0x7, s12;
	s16 =	sadd.s32 @!p1 s3, s16;
	s15 =	sshrl.u32 @!p1 s15, $0x2  }
0x28: {  	[tilespmem:s15], [sflag:$0x2] =	stream.linear.gather @!p1 [hbm4b:s16+s17], $0xC80, $0x38;
	[tilespmem:$0x1A900] =	vst v63  }
0x29: {  	p1 =	sge.u32 s31, s8  }
.Ltmp2:
0x2a: {  	_ = 	snop;
	(pc) =	sbr.rel @p1 .LBB2_5-.Ltmp2, $1  }
0x2b: {  	_ =	sdelay $0x3  }
0x2c: {  	s15 =	simm.s32 $0x1  }
0x2d: {  	s15 =	simm.s32 @!p0 $0x0  }
0x2e: {  	_ =	swait.ge [sflag:s6], $0xC80;
	s15 =	smul.u32 $0x3200, s15  }
0x2f: {  	[sflag:s6] =	ssyncset.done $0x0  }
0x30: {  	[sflag:s6] =	ssyncadd.s32 $0xFFFFF380;
	s19 =	sshrl.u32 s15, $0x2  }
0x31: {  	v1 =	vld.msk [tilespmem:s19+$0x0 ss:$0x1], $0xffff;
	_ =	sdelay $0x3  }
0x32: {  	s20 =	ssub.s32 $0x4E200, s14  }
0x33: {  	p1 =	slt.s32 s20, $0xC80;
	v2 =	vshrl.u32 v1, $0xD  }
0x34: {  	s20 =	simm.s32 @!p1 $0xC80;
	vm1 =	veq.s32 v1, $0x80000000;
	v2 =	vand.u32 $0x3FF, v2  }
0x35: {  	p1 =	sgt.s32 s20, $0x0;
	s15 =	smov.u32 s20;
	v1 =	vshll.u32 v1, $0xE;
	v2 =	vsel vm1, $0xFFFFFFFF, v2  }
0x36: {  	s15 =	simm.s32 @!p1 $0x0;
	v1 =	vand.u32 $0x7FFC000, v1;
	v3 =	vshll.u32 v2, $0x3  }
0x37: {  	s15 =	smin.u32 s15, $0x10;
	v1 =	vsel vm1, $0xFFFFC000, v1;
	v3 =	vand.u32 $0xFFFFFC00, v3  }
0x38: {  	s16 =	sand.u32 $0x1, s13;
	v4 =	vmov s15;
	v2 =	vand.u32 $0x7F, v2;
	v1 =	vadd.s32 v1, v3  }
0x39: {  	s26 =	smul.u32 $0x32000, s16;
	vm1 =	vgt.u32 v4, v0;
	v1 =	vor.u32 v2, v1  }
0x3a: {  	v2 =	vnsel vm1, $0x7FFFFFFF, v1  }
0x3b: {  	s18 =	simm.s32 $0x0;
	s15 =	sshrl.u32 s26, $0x2  }
0x3c: {  	s17 =	simm.s32 $0x0;
	s18 =	sand.u32 $0x7C00, s18;
	s16 =	sadd.s32 $0x1900, s15;
	v3 =	vor.u32 $0x80, v1  }
0x3d: {  	s21 =	sand.u32 $0x70, s17;
	(ifvalue) =	ssetifvalue $0x7FFFFFFF;
	s18 =	sadd.s32 s18, s16;
	v3 =	vnsel vm1, $0x7FFFFFFF, v3  }
0x3e: {  	(ifvalue) =	ssetifvalue $0x7FFFFFFF;
	s21 =	sadd.s32 s21, s18  }
0x3f: {  	v51 =	vor.u32 $0x100, v1;
	[tilespmem:s21], [sflag:$0x1] =	stream.indirect_vreg.gather [hbm4b:s5+s11], $0x1, v2, vm0, $0x4038;
	[tilespmem:$0x1A900] =	vst v63  }
0x40: {  	v2 =	vnsel vm1, $0x7FFFFFFF, v51;
	(ifvalue) =	ssetifvalue $0x7FFFFFFF  }
0x41: {  	s18 =	sadd.s32 $0x80, s21;
	(ifvalue) =	ssetifvalue $0x7FFFFFFF  }
0x42: {  	v52 =	vor.u32 $0x180, v1;
	[tilespmem:s18], [sflag:$0x1] =	stream.indirect_vreg.gather [hbm4b:s5+s11], $0x1, v3, vm0, $0x4038;
	[tilespmem:$0x1A900] =	vst v63  }
0x43: {  	v3 =	vnsel vm1, $0x7FFFFFFF, v52;
	(ifvalue) =	ssetifvalue $0x7FFFFFFF  }
0x44: {  	s28 =	sadd.s32 $0x100, s21;
	(ifvalue) =	ssetifvalue $0x7FFFFFFF  }
0x45: {  	v53 =	vor.u32 $0x200, v1;
	[tilespmem:s28], [sflag:$0x1] =	stream.indirect_vreg.gather [hbm4b:s5+s11], $0x1, v2, vm0, $0x4038;
	[tilespmem:$0x1A900] =	vst v63  }
0x46: {  	v2 =	vnsel vm1, $0x7FFFFFFF, v53;
	(ifvalue) =	ssetifvalue $0x7FFFFFFF  }
0x47: {  	s29 =	sadd.s32 $0x180, s21;
	(ifvalue) =	ssetifvalue $0x7FFFFFFF  }
0x48: {  	v54 =	vor.u32 $0x280, v1;
	[tilespmem:s29], [sflag:$0x1] =	stream.indirect_vreg.gather [hbm4b:s5+s11], $0x1, v3, vm0, $0x4038;
	[tilespmem:$0x1A900] =	vst v63  }
0x49: {  	v3 =	vnsel vm1, $0x7FFFFFFF, v54;
	(ifvalue) =	ssetifvalue $0x7FFFFFFF  }
0x4a: {  	s30 =	sadd.s32 $0x200, s21;
	(ifvalue) =	ssetifvalue $0x7FFFFFFF  }
0x4b: {  	v55 =	vor.u32 $0x300, v1;
	[tilespmem:s30], [sflag:$0x1] =	stream.indirect_vreg.gather [hbm4b:s5+s11], $0x1, v2, vm0, $0x4038;
	[tilespmem:$0x1A900] =	vst v63  }
0x4c: {  	v2 =	vnsel vm1, $0x7FFFFFFF, v55;
	(ifvalue) =	ssetifvalue $0x7FFFFFFF  }
0x4d: {  	s31 =	sand.u32 $0x7, s17;
	s22 =	sadd.s32 $0x280, s21;
	(ifvalue) =	ssetifvalue $0x7FFFFFFF  }
0x4e: {  	v56 =	vor.u32 $0x380, v1;
	[tilespmem:s22], [sflag:$0x1] =	stream.indirect_vreg.gather [hbm4b:s5+s11], $0x1, v3, vm0, $0x4038;
	[tilespmem:$0x1A900] =	vst v63  }
0x4f: {  	s18 =	sshll.u32 s31, $0x4;
	v3 =	vnsel vm1, $0x7FFFFFFF, v56;
	(ifvalue) =	ssetifvalue $0x7FFFFFFF  }
0x50: {  	s23 =	sadd.s32 $0x300, s21;
	s18 =	sadd.s32 $0x0, s18;
	(ifvalue) =	ssetifvalue $0x7FFFFFFF  }
0x51: {  	v57 =	vadd.s32 $0x2000, v1;
	[tilespmem:s23], [sflag:$0x1] =	stream.indirect_vreg.gather [hbm4b:s5+s11], $0x1, v2, vm0, $0x4038;
	[tilespmem:$0x1A900] =	vst v63  }
0x52: {  	s18 =	sor.u32 $0x380, s18;
	v2 =	vnsel vm1, $0x7FFFFFFF, v57;
	(ifvalue) =	ssetifvalue $0x7FFFFFFF  }
0x53: {  	s18 =	sadd.s32 s18, s16;
	(ifvalue) =	ssetifvalue $0x7FFFFFFF  }
0x54: {  	v58 =	vadd.s32 $0x2080, v1;
	[tilespmem:s18], [sflag:$0x1] =	stream.indirect_vreg.gather [hbm4b:s5+s11], $0x1, v3, vm0, $0x4038;
	[tilespmem:$0x1A900] =	vst v63  }
0x55: {  	v3 =	vnsel vm1, $0x7FFFFFFF, v58;
	(ifvalue) =	ssetifvalue $0x7FFFFFFF  }
0x56: {  	s24 =	sadd.s32 $0x6400, s21;
	(ifvalue) =	ssetifvalue $0x7FFFFFFF  }
0x57: {  	v59 =	vadd.s32 $0x2100, v1;
	[tilespmem:s24], [sflag:$0x1] =	stream.indirect_vreg.gather [hbm4b:s5+s11], $0x1, v2, vm0, $0x4038;
	[tilespmem:$0x1A900] =	vst v63  }
0x58: {  	v2 =	vnsel vm1, $0x7FFFFFFF, v59;
	(ifvalue) =	ssetifvalue $0x7FFFFFFF  }
0x59: {  	s25 =	sadd.s32 $0x6480, s21;
	(ifvalue) =	ssetifvalue $0x7FFFFFFF  }
0x5a: {  	v60 =	vadd.s32 $0x2180, v1;
	[tilespmem:s25], [sflag:$0x1] =	stream.indirect_vreg.gather [hbm4b:s5+s11], $0x1, v3, vm0, $0x4038;
	[tilespmem:$0x1A900] =	vst v63  }
0x5b: {  	v3 =	vnsel vm1, $0x7FFFFFFF, v60;
	(ifvalue) =	ssetifvalue $0x7FFFFFFF  }
0x5c: {  	s26 =	sadd.s32 $0x6500, s21;
	(ifvalue) =	ssetifvalue $0x7FFFFFFF  }
0x5d: {  	v61 =	vadd.s32 $0x2200, v1;
	[tilespmem:s26], [sflag:$0x1] =	stream.indirect_vreg.gather [hbm4b:s5+s11], $0x1, v2, vm0, $0x4038;
	[tilespmem:$0x1A900] =	vst v63  }
0x5e: {  	v2 =	vnsel vm1, $0x7FFFFFFF, v61;
	(ifvalue) =	ssetifvalue $0x7FFFFFFF  }
0x5f: {  	s28 =	sadd.s32 $0x6580, s21;
	(ifvalue) =	ssetifvalue $0x7FFFFFFF  }
0x60: {  	v62 =	vadd.s32 $0x2280, v1;
	[tilespmem:s28], [sflag:$0x1] =	stream.indirect_vreg.gather [hbm4b:s5+s11], $0x1, v3, vm0, $0x4038;
	[tilespmem:$0x1A900] =	vst v63  }
0x61: {  	v3 =	vnsel vm1, $0x7FFFFFFF, v62;
	(ifvalue) =	ssetifvalue $0x7FFFFFFF  }
0x62: {  	s29 =	sadd.s32 $0x6600, s21;
	(ifvalue) =	ssetifvalue $0x7FFFFFFF  }
0x63: {  	v63 =	vadd.s32 $0x2300, v1;
	[tilespmem:s29], [sflag:$0x1] =	stream.indirect_vreg.gather [hbm4b:s5+s11], $0x1, v2, vm0, $0x4038;
	[tilespmem:$0x1A900] =	vst v63  }
0x64: {  	s20 =	sadd.s32 $0xFFFFFFF0, s20;
	s19 =	sadd.s32 $0x10, s19;
	v2 =	vnsel vm1, $0x7FFFFFFF, v63;
	(ifvalue) =	ssetifvalue $0x7FFFFFFF  }
0x65: {  	s31 =	sadd.s32 $0x6700, s21;
	s30 =	sadd.s32 $0x6680, s21;
	(ifvalue) =	ssetifvalue $0x7FFFFFFF  }
0x66: {  	[tilespmem:s30], [sflag:$0x1] =	stream.indirect_vreg.gather [hbm4b:s5+s11], $0x1, v3, vm0, $0x4038;
	[tilespmem:$0x1A900] =	vst v63  }
0x67: {  	v1 =	vadd.s32 $0x2380, v1;
	s22 =	simm.s32 $0x0;
	s23 =	sadd.s32 $0x6780, s21;
	(ifvalue) =	ssetifvalue $0x7FFFFFFF  }
0x68: {  	v1 =	vnsel vm1, $0x7FFFFFFF, v1;
	s21 =	simm.s32 $0xFFFF9C80;
	s18 =	simm.s32 $0x10;
	(ifvalue) =	ssetifvalue $0x7FFFFFFF  }
0x69: {  	[tilespmem:s31], [sflag:$0x1] =	stream.indirect_vreg.gather [hbm4b:s5+s11], $0x1, v2, vm0, $0x4038;
	[tilespmem:$0x1A900] =	vst v63  }
.LBB2_3:
0x6a: {  	(ifvalue) =	ssetifvalue $0x7FFFFFFF  }
0x6b: {  	s17 =	sadd.s32 $0x80, s17;
	s22 =	sadd.s32 $0x1, s22;
	s24 =	smov.u32 s18  }
0x6c: {  	p1 =	sne.s32 s18, $0xC70;
	s18 =	sadd.s32 $0x10, s18;
	(ifvalue) =	ssetifvalue $0x7FFFFFFF  }
0x6d: {  	[tilespmem:s23], [sflag:$0x1] =	stream.indirect_vreg.gather [hbm4b:s5+s11], $0x1, v1, vm0, $0x4038;
	[tilespmem:$0x1A900] =	vst v63  }
0x6e: {  	v1 =	vld.msk [tilespmem:s19+$0x0 ss:$0x1], $0xffff;
	_ =	sdelay $0x5  }
0x6f: {  	p2 =	sgt.s32 s20, $0x0;
	s23 =	smov.u32 s20;
	v2 =	vshrl.u32 v1, $0xD;
	v3 =	vshll.u32 v1, $0xE  }
0x70: {  	s23 =	simm.s32 @!p2 $0x0;
	vm1 =	veq.s32 v1, $0x80000000;
	v1 =	vand.u32 $0x3FF, v2;
	v2 =	vand.u32 $0x7FFC000, v3  }
0x71: {  	s23 =	smin.u32 s23, $0x10;
	v1 =	vsel vm1, $0xFFFFFFFF, v1;
	v2 =	vsel vm1, $0xFFFFC000, v2  }
0x72: {  	v4 =	vmov s23;
	v3 =	vand.u32 $0x7F, v1;
	v1 =	vshll.u32 v1, $0x3  }
0x73: {  	vm1 =	vgt.u32 v4, v0;
	v1 =	vand.u32 $0xFFFFFC00, v1  }
0x74: {  	v1 =	vadd.s32 v2, v1  }
0x75: {  	s23 =	sadd.s32 $0x6400, s21;
	v1 =	vor.u32 v3, v1  }
0x76: {  	s23 =	sand.u32 $0x7C00, s23;
	v2 =	vnsel vm1, $0x7FFFFFFF, v1;
	v3 =	vor.u32 $0x80, v1;
	v4 =	vor.u32 $0x100, v1  }
0x77: {  	s24 =	sand.u32 $0x70, s24;
	s23 =	sadd.s32 s23, s16;
	v5 =	vor.u32 $0x180, v1;
	v3 =	vnsel vm1, $0x7FFFFFFF, v3;
	v4 =	vnsel vm1, $0x7FFFFFFF, v4;
	(ifvalue) =	ssetifvalue $0x7FFFFFFF  }
0x78: {  	s23 =	sadd.s32 s24, s23;
	v6 =	vor.u32 $0x200, v1;
	v7 =	vor.u32 $0x280, v1;
	v5 =	vnsel vm1, $0x7FFFFFFF, v5;
	(ifvalue) =	ssetifvalue $0x7FFFFFFF  }
0x79: {  	v8 =	vor.u32 $0x300, v1;
	v6 =	vnsel vm1, $0x7FFFFFFF, v6;
	v7 =	vnsel vm1, $0x7FFFFFFF, v7  }
0x7a: {  	v9 =	vor.u32 $0x380, v1;
	v10 =	vadd.s32 $0x2000, v1;
	v8 =	vnsel vm1, $0x7FFFFFFF, v8  }
0x7b: {  	[tilespmem:s23], [sflag:$0x1] =	stream.indirect_vreg.gather [hbm4b:s5+s11], $0x1, v2, vm0, $0x4038;
	v2 =	vnsel vm1, $0x7FFFFFFF, v9;
	v9 =	vnsel vm1, $0x7FFFFFFF, v10;
	v10 =	vadd.s32 $0x2080, v1;
	[tilespmem:$0x1A900] =	vst v63  }
0x7c: {  	v11 =	vadd.s32 $0x2100, v1;
	v12 =	vadd.s32 $0x2180, v1;
	(ifvalue) =	ssetifvalue $0x7FFFFFFF;
	v10 =	vnsel vm1, $0x7FFFFFFF, v10  }
0x7d: {  	s24 =	sadd.s32 $0x80, s23;
	v13 =	vadd.s32 $0x2200, v1;
	v11 =	vnsel vm1, $0x7FFFFFFF, v11;
	v12 =	vnsel vm1, $0x7FFFFFFF, v12;
	(ifvalue) =	ssetifvalue $0x7FFFFFFF  }
0x7e: {  	v14 =	vadd.s32 $0x2300, v1;
	[tilespmem:s24], [sflag:$0x1] =	stream.indirect_vreg.gather [hbm4b:s5+s11], $0x1, v3, vm0, $0x4038;
	v3 =	vnsel vm1, $0x7FFFFFFF, v13;
	v13 =	vadd.s32 $0x2280, v1;
	[tilespmem:$0x1A900] =	vst v63  }
0x7f: {  	v14 =	vnsel vm1, $0x7FFFFFFF, v14;
	v1 =	vadd.s32 $0x2380, v1;
	(ifvalue) =	ssetifvalue $0x7FFFFFFF;
	v13 =	vnsel vm1, $0x7FFFFFFF, v13  }
0x80: {  	s24 =	sadd.s32 $0x100, s23;
	v1 =	vnsel vm1, $0x7FFFFFFF, v1;
	(ifvalue) =	ssetifvalue $0x7FFFFFFF  }
0x81: {  	[tilespmem:s24], [sflag:$0x1] =	stream.indirect_vreg.gather [hbm4b:s5+s11], $0x1, v4, vm0, $0x4038;
	[tilespmem:$0x1A900] =	vst v63  }
0x82: {  	(ifvalue) =	ssetifvalue $0x7FFFFFFF  }
0x83: {  	s24 =	sadd.s32 $0x180, s23;
	(ifvalue) =	ssetifvalue $0x7FFFFFFF  }
0x84: {  	[tilespmem:s24], [sflag:$0x1] =	stream.indirect_vreg.gather [hbm4b:s5+s11], $0x1, v5, vm0, $0x4038;
	[tilespmem:$0x1A900] =	vst v63  }
0x85: {  	(ifvalue) =	ssetifvalue $0x7FFFFFFF  }
0x86: {  	s24 =	sadd.s32 $0x200, s23;
	(ifvalue) =	ssetifvalue $0x7FFFFFFF  }
0x87: {  	[tilespmem:s24], [sflag:$0x1] =	stream.indirect_vreg.gather [hbm4b:s5+s11], $0x1, v6, vm0, $0x4038;
	[tilespmem:$0x1A900] =	vst v63  }
0x88: {  	(ifvalue) =	ssetifvalue $0x7FFFFFFF  }
0x89: {  	s25 =	sadd.s32 $0x280, s23;
	s24 =	sand.u32 $0x7, s22;
	(ifvalue) =	ssetifvalue $0x7FFFFFFF  }
0x8a: {  	[tilespmem:s25], [sflag:$0x1] =	stream.indirect_vreg.gather [hbm4b:s5+s11], $0x1, v7, vm0, $0x4038;
	[tilespmem:$0x1A900] =	vst v63  }
0x8b: {  	s24 =	sshll.u32 s24, $0x4;
	(ifvalue) =	ssetifvalue $0x7FFFFFFF  }
0x8c: {  	s24 =	sadd.s32 s24, s17;
	s25 =	sadd.s32 $0x300, s23;
	(ifvalue) =	ssetifvalue $0x7FFFFFFF  }
0x8d: {  	[tilespmem:s25], [sflag:$0x1] =	stream.indirect_vreg.gather [hbm4b:s5+s11], $0x1, v8, vm0, $0x4038;
	[tilespmem:$0x1A900] =	vst v63  }
0x8e: {  	s24 =	sor.u32 $0x380, s24;
	(ifvalue) =	ssetifvalue $0x7FFFFFFF  }
0x8f: {  	s24 =	sadd.s32 s24, s16;
	(ifvalue) =	ssetifvalue $0x7FFFFFFF  }
0x90: {  	[tilespmem:s24], [sflag:$0x1] =	stream.indirect_vreg.gather [hbm4b:s5+s11], $0x1, v2, vm0, $0x4038;
	[tilespmem:$0x1A900] =	vst v63  }
0x91: {  	(ifvalue) =	ssetifvalue $0x7FFFFFFF  }
0x92: {  	s24 =	sadd.s32 $0x6400, s23;
	(ifvalue) =	ssetifvalue $0x7FFFFFFF  }
0x93: {  	[tilespmem:s24], [sflag:$0x1] =	stream.indirect_vreg.gather [hbm4b:s5+s11], $0x1, v9, vm0, $0x4038;
	[tilespmem:$0x1A900] =	vst v63  }
0x94: {  	(ifvalue) =	ssetifvalue $0x7FFFFFFF  }
0x95: {  	s25 =	sadd.s32 $0x6500, s23;
	s24 =	sadd.s32 $0x6480, s23;
	(ifvalue) =	ssetifvalue $0x7FFFFFFF  }
0x96: {  	[tilespmem:s24], [sflag:$0x1] =	stream.indirect_vreg.gather [hbm4b:s5+s11], $0x1, v10, vm0, $0x4038;
	[tilespmem:$0x1A900] =	vst v63  }
0x97: {  	(ifvalue) =	ssetifvalue $0x7FFFFFFF  }
0x98: {  	(ifvalue) =	ssetifvalue $0x7FFFFFFF  }
0x99: {  	[tilespmem:s25], [sflag:$0x1] =	stream.indirect_vreg.gather [hbm4b:s5+s11], $0x1, v11, vm0, $0x4038;
	[tilespmem:$0x1A900] =	vst v63  }
0x9a: {  	(ifvalue) =	ssetifvalue $0x7FFFFFFF  }
0x9b: {  	s24 =	sadd.s32 $0x6580, s23;
	s25 =	sadd.s32 $0x6600, s23;
	(ifvalue) =	ssetifvalue $0x7FFFFFFF  }
0x9c: {  	[tilespmem:s24], [sflag:$0x1] =	stream.indirect_vreg.gather [hbm4b:s5+s11], $0x1, v12, vm0, $0x4038;
	[tilespmem:$0x1A900] =	vst v63  }
0x9d: {  	(ifvalue) =	ssetifvalue $0x7FFFFFFF  }
0x9e: {  	s24 =	sadd.s32 $0x6680, s23;
	(ifvalue) =	ssetifvalue $0x7FFFFFFF  }
0x9f: {  	[tilespmem:s25], [sflag:$0x1] =	stream.indirect_vreg.gather [hbm4b:s5+s11], $0x1, v3, vm0, $0x4038;
	[tilespmem:$0x1A900] =	vst v63  }
0xa0: {  	(ifvalue) =	ssetifvalue $0x7FFFFFFF  }
.Ltmp3:
0xa1: {  	s25 =	sadd.s32 $0x6700, s23;
	(ifvalue) =	ssetifvalue $0x7FFFFFFF;
	(pc) =	sbr.rel @p1 .LBB2_3-.Ltmp3, $4  }
0xa2: {  	[tilespmem:s24], [sflag:$0x1] =	stream.indirect_vreg.gather [hbm4b:s5+s11], $0x1, v13, vm0, $0x4038;
	[tilespmem:$0x1A900] =	vst v63  }
0xa3: {  	s20 =	sadd.s32 $0xFFFFFFF0, s20;
	s19 =	sadd.s32 $0x10, s19;
	(ifvalue) =	ssetifvalue $0x7FFFFFFF  }
0xa4: {  	s21 =	sadd.s32 $0x80, s21;
	s23 =	sadd.s32 $0x6780, s23;
	(ifvalue) =	ssetifvalue $0x7FFFFFFF  }
0xa5: {  	[tilespmem:s25], [sflag:$0x1] =	stream.indirect_vreg.gather [hbm4b:s5+s11], $0x1, v14, vm0, $0x4038;
	[tilespmem:$0x1A900] =	vst v63  }
.Ltmp4:
0xa6: {  	_ = 	snop;
	(pc) =	sbr.rel .LBB2_4-.Ltmp4, $1  }
0xa7: {  	_ =	sdelay $0x3  }
.LBB2_6:
0xa8: {  	_ =	sfence.sel $0x180000  }
0xa9: {  	s2 =	simm.s32 $0x2;
	[bflag:$0x0] =	sbarrier.arrive $0xFFFF  }
0xaa: {  	s30 =	simm.s32 $0x3;
	[sflag:s2] =	ssyncpa.u1 $0x1  }
0xab: {  	s31 =	simm.s32 $0x1;
	[sflag:s30] =	ssyncpa.u1 $0x1  }
0xac: {  	[sflag:s31] =	ssyncpa.u1 $0x1  }
0xad: {  	p0 =	sne.s32 s0, $0x0;
	_ =	strace $0x90000056  }
0xae: {  	s0 =	sadd.s32 @!p0 $0x100000, s1;
	[bflag:$0x2] =	sbarrier.arrive $0xFFFF  }
0xaf: {  	[sflag:s0] =	ssyncadd.tile.s32 @!p0 $0x1;
	_ =	shalt  }
.Lfunc_end2:
_tile_overlayer_lowered:
.L_overlay_start_2:
0xb0: {  	(tag) =	ssettag $0x2  }
0xb1: {  	s0 =	rddreg [dreg:$0x0];
	s2 =	stileid.u32  }
0xb2: {  	s1 =	rddreg [dreg:$0x1];
	p0 =	sne.s32 s2, $0x0  }
0xb3: {  	s3 =	rddreg [dreg:$0x2];
	[bflag:$0x3] =	sbarrier.arrive $0xFFFF;
	s2 =	simm.s32 @!p0 $0x1C01  }
0xb4: {  	[timem:s3], [sflag:s2] =	dma.local @!p0 [hbm:s0], s1  }
0xb5: {  	s0 =	simm.s32 @!p0 $0x1  }
0xb6: {  	_ =	swait.ge @!p0 [sflag:s0], s1  }
0xb7: {  	s1 =	ssub.s32 @!p0 $0x0, s1;
	[sflag:s0] =	ssyncset.done @!p0 $0x0  }
0xb8: {  	[sflag:s0] =	ssyncadd.s32 @!p0 s1  }
0xb9: {  	[bflag:$0x3] =	sbarrier.arrive $0xFFFF  }
0xba: {  	_ =	shalt  }

// kernel: gather_offload_async_start.3
scs
__scs_entry_jumppad:
0x0: {  	(pc) =	sbr.rel $0x88, $3  }
0x1: {  	(tag) =	ssettag $0x0;
	lr =	simm.s32 $0x1  }
0x2: {  	[smem:$0x3F8D] =	sst lr;
	_ =	strace $0xD0000000  }
0x3: {  	_ = 	snop  }
0x4: {  	_ = 	snop  }
0x5: {  	_ = 	snop  }
0x6: {  	_ = 	snop  }
0x7: {  	_ = 	snop  }
__scs_overlays_trampoline_lowered:
0x8: {  	[smem:$0x3F9C] =	sst s0  }
0x9: {  	[smem:$0x3F9D] =	sst s1  }
0xa: {  	[smem:$0x3F9E] =	sst s2  }
0xb: {  	[smem:$0x3F9F] =	sst s3  }
0xc: {  	[smem:$0x3FA0] =	sst s4  }
0xd: {  	[smem:$0x3FA1] =	sst s5  }
0xe: {  	[smem:$0x3FA2] =	sst s6  }
0xf: {  	[smem:$0x3FA3] =	sst s7  }
0x10: {  	[smem:$0x3FA4] =	sst s8  }
0x11: {  	[smem:$0x3FA5] =	sst s9;
	s0 =	simm.s32 @!p0 $0x0  }
0x12: {  	s1 =	sld [smem:$0x3F8B];
	s0 =	simm.s32 @p0 $0x1  }
0x13: {  	[smem:$0x3FA6] =	sst s0;
	s0 =	simm.s32 @!p1 $0x0  }
0x14: {  	s2 =	sld [smem:$0x3F8A];
	s0 =	simm.s32 @p1 $0x1  }
0x15: {  	[smem:$0x3FA7] =	sst s0;
	s0 =	simm.s32 @!p2 $0x0  }
0x16: {  	s3 =	sld [smem:$0x3FDB];
	s0 =	simm.s32 @p2 $0x1  }
0x17: {  	s4 =	simm.s32 $0x1BF5;
	[smem:$0x3FA9] =	sst s0  }
0x18: {  	s0 =	sld [smem:$0x3F8C];
	_ =	swait.ge [sflag:s4], $0x0  }
0x19: {  	s7 =	sld [smem:$0x3F8D]  }
0x1a: {  	s8 =	sadd.s32 $0xFFFFE003, lr  }
0x1b: {  	s9 =	sadd.s32 $0xFFFFFEF7, lr;
	s5 =	simm.s32 $0xFFFFFFFF;
	p2 =	slt.u32 s8, $0xFFFFF086  }
0x1c: {  	p1 =	slt.u32 s9, $0xF7A;
	s5 =	simm.s32 @!p2 $0x0  }
0x1d: {  	s5 =	simm.s32 @p1 $0x1;
	p0 =	seq.s32 s7, s2  }
0x1e: {  	s7 =	smul.u32 @!p0 $0xF7A, s2;
	p2 =	seq.s32 @!p0 s5, $0x0  }
0x1f: {  	s9 =	smul.u32 $0xF7A, s1;
	s8 =	simm.s32 @!p0 $0x1BF5;
	p2 =	por !p2, p0  }
0x20: {  	[sflag:s8] =	ssyncset.s32 @!p0 $0xFFFFF086;
	s6 =	sadd.s32 @!p0 s3, s7;
	s7 =	simm.s32 @!p0 $0x108  }
0x21: {  	s3 =	sadd.s32 s3, s9;
	s6 =	sadd.s32 @!p0 $0x88, s6;
	s7 =	simm.s32 @p2 $0x1082  }
0x22: {  	[simem:s7], [sflag:s8] =	dma.local @!p0 [hbm:s6], $0xF7A  }
0x23: {  	s9 =	sor.u32 $0xD0000000, s2;
	s6 =	simm.s32 $0x108;
	_ =	swait.ge @!p0 [sflag:s8], $0x0  }
0x24: {  	s3 =	sadd.s32 $0x88, s3;
	s6 =	simm.s32 @!p1 $0x1082;
	[sflag:s4] =	ssyncset.s32 $0xFFFFF086  }
0x25: {  	[simem:s6], [sflag:s4] =	dma.local [hbm:s3], $0xF7A  }
0x26: {  	[smem:$0x3F8D] =	sst s1;
	(tag) =	ssettag s2;
	_ =	strace s9  }
0x27: {  	s1 =	sld [smem:$0x3F9D]  }
0x28: {  	s2 =	sld [smem:$0x3F9E]  }
0x29: {  	s4 =	sld [smem:$0x3FA0]  }
0x2a: {  	p0 =	seq.s32 s5, $0x0;
	s5 =	sld [smem:$0x3FA1]  }
0x2b: {  	s6 =	sld [smem:$0x3FA2]  }
0x2c: {  	s7 =	sld [smem:$0x3FA3]  }
0x2d: {  	s3 =	simm.s32 $0x108;
	s8 =	sld [smem:$0x3FA4]  }
0x2e: {  	s3 =	simm.s32 @!p0 $0x1082;
	s9 =	sld [smem:$0x3FA5]  }
0x2f: {  	lr =	sadd.s32 s0, s3;
	s0 =	sld [smem:$0x3F9C]  }
0x30: {  	s3 =	sld [smem:$0x3F9F]  }
0x31: {  	[smem:$0x3FA8] =	sst s10  }
0x32: {  	s10 =	sld [smem:$0x3FA6];
	_ =	sdelay $0x3  }
0x33: {  	p0 =	seq.s32 s10, $0x1;
	s10 =	sld [smem:$0x3FA8];
	_ =	sdelay $0x3  }
0x34: {  	[smem:$0x3FA8] =	sst s10  }
0x35: {  	s10 =	sld [smem:$0x3FA7];
	_ =	sdelay $0x3  }
0x36: {  	p1 =	seq.s32 s10, $0x1;
	s10 =	sld [smem:$0x3FA8];
	_ =	sdelay $0x3  }
0x37: {  	[smem:$0x3FA8] =	sst s10  }
0x38: {  	s10 =	sld [smem:$0x3FA9]  }
0x39: {  	_ = 	snop;
	(pc) =	sbr.ind lr, $3  }
0x3a: {  	_ = 	snop  }
0x3b: {  	_ = 	snop  }
0x3c: {  	p2 =	seq.s32 s10, $0x1;
	s10 =	sld [smem:$0x3FA8]  }
0x3d: {  	_ =	shalt  }
0x3e: {  	_ =	shalt  }
0x3f: {  	_ =	shalt  }
0x40: {  	_ =	shalt  }
0x41: {  	_ =	shalt  }
0x42: {  	_ =	shalt  }
0x43: {  	_ =	shalt  }
0x44: {  	_ =	shalt  }
0x45: {  	_ =	shalt  }
0x46: {  	_ =	shalt  }
0x47: {  	_ =	shalt  }
0x48: {  	_ =	shalt  }
0x49: {  	_ =	shalt  }
0x4a: {  	_ =	shalt  }
0x4b: {  	_ =	shalt  }
0x4c: {  	_ =	shalt  }
0x4d: {  	_ =	shalt  }
0x4e: {  	_ =	shalt  }
0x4f: {  	_ =	shalt  }
0x50: {  	_ =	shalt  }
0x51: {  	_ =	shalt  }
0x52: {  	_ =	shalt  }
0x53: {  	_ =	shalt  }
0x54: {  	_ =	shalt  }
0x55: {  	_ =	shalt  }
0x56: {  	_ =	shalt  }
0x57: {  	_ =	shalt  }
0x58: {  	_ =	shalt  }
0x59: {  	_ =	shalt  }
0x5a: {  	_ =	shalt  }
0x5b: {  	_ =	shalt  }
0x5c: {  	_ =	shalt  }
0x5d: {  	_ =	shalt  }
0x5e: {  	_ =	shalt  }
0x5f: {  	_ =	shalt  }
0x60: {  	_ =	shalt  }
0x61: {  	_ =	shalt  }
0x62: {  	_ =	shalt  }
0x63: {  	_ =	shalt  }
0x64: {  	_ =	shalt  }
0x65: {  	_ =	shalt  }
0x66: {  	_ =	shalt  }
0x67: {  	_ =	shalt  }
0x68: {  	_ =	shalt  }
0x69: {  	_ =	shalt  }
0x6a: {  	_ =	shalt  }
0x6b: {  	_ =	shalt  }
0x6c: {  	_ =	shalt  }
0x6d: {  	_ =	shalt  }
0x6e: {  	_ =	shalt  }
0x6f: {  	_ =	shalt  }
0x70: {  	_ =	shalt  }
0x71: {  	_ =	shalt  }
0x72: {  	_ =	shalt  }
0x73: {  	_ =	shalt  }
0x74: {  	_ =	shalt  }
0x75: {  	_ =	shalt  }
0x76: {  	_ =	shalt  }
0x77: {  	_ =	shalt  }
0x78: {  	_ =	shalt  }
0x79: {  	_ =	shalt  }
0x7a: {  	_ =	shalt  }
0x7b: {  	_ =	shalt  }
0x7c: {  	_ =	shalt  }
0x7d: {  	_ =	shalt  }
0x7e: {  	_ =	shalt  }
0x7f: {  	_ =	shalt  }
0x80: {  	_ =	shalt  }
0x81: {  	_ =	shalt  }
0x82: {  	_ =	shalt  }
0x83: {  	_ =	shalt  }
0x84: {  	_ =	shalt  }
0x85: {  	_ =	shalt  }
0x86: {  	_ =	shalt  }
0x87: {  	_ =	shalt  }
.Lfunc_end0:
.L_simem_size_0:
called_computation.5_lowered:
.L_overlay_start_0:
0x88: {  	s2 =	sld [smem:$0x3FD9]  }
0x89: {  	s3 =	sld [smem:$0x3FFE];
	_ =	sdelay $0x1  }
0x8a: {  	s1 =	srdreg.scid  }
0x8b: {  	s0 =	sand.u32 $0x1, s1  }
0x8c: {  	s17 =	sshll.u32 s0, $0xA;
	s2 =	sadd.s32 s3, s2  }
0x8d: {  	s2 =	sadd.s32 s2, s17  }
0x8e: {  	[smem:$0x3FB4] =	sst s2  }
0x8f: {  	_ = 	snop  }
0x90: {  	s2 =	sld [smem:$0x3FD0];
	(tm) =	ssettm $0x1  }
0x91: {  	s18 =	sld [smem:$0x3FFB];
	_ =	sdelay $0x3  }
0x92: {  	_ =	strace s18  }
0x93: {  	s3 =	sld [smem:$0x3FFC];
	_ =	sdelay $0x3  }
0x94: {  	_ =	strace s3  }
0x95: {  	s3 =	sld [smem:$0x3FFD];
	_ =	sdelay $0x3  }
0x96: {  	_ =	strace s3  }
0x97: {  	_ =	strace $0x8FFFFFFF  }
0x98: {  	s19 =	sld [smem:$0x3FDB];
	_ =	sdelay $0x1  }
0x99: {  	s4 =	simm.s32 $_scs_section_size  }
0x9a: {  	s5 =	simm.s32 $_size__tile_overlayer_lowered;
	s6 =	simm.s32 $_tile_overlayer_lowered  }
0x9b: {  	s22 =	simm.s32 $0x1BFF;
	s21 =	sshll.u32 s6, $0x1;
	s3 =	sadd.s32 s4, s19  }
0x9c: {  	s7 =	simm.s32 $0x0;
	s20 =	sshll.u32 s5, $0x1;
	s5 =	sadd.s32 s21, s3  }
0x9d: {  	[timem:s7], [sflag:s22] =	dma.local [hbm:s5], s20  }
0x9e: {  	_ =	swait.ge [sflag:s22], s20  }
0x9f: {  	s4 =	ssub.s32 $0x0, s20;
	[sflag:s22] =	ssyncset.done $0x0  }
0xa0: {  	[sflag:s22] =	ssyncadd.s32 s4;
	_ =	sdelay $0x1  }
0xa1: {  	s23 =	simm.s32 $0x1B8B  }
0xa2: {  	_ =	swait.ge [sflag:s23], $0x1  }
0xa3: {  	[sflag:s23] =	ssyncset.done $0x0  }
0xa4: {  	s25 =	simm.s32 $0x1B8E;
	s24 =	sld [smem:$0x3FFE];
	[sflag:s23] =	ssyncadd.s32 $0xFFFFFFFF  }
0xa5: {  	s26 =	simm.s32 $execute0_lowered;
	[smem:$0x3FD2] =	sst s25  }
0xa6: {  	s5 =	sshll.u32 s26, $0x1;
	_ =	strace $0x80000058;
	[dreg:$0x1] =	wrdreg $0xFFFFFFFF  }
0xa7: {  	s28 =	simm.s32 $_size_execute0_lowered;
	s3 =	sadd.s32 s3, s5;
	[dreg:$0x0] =	wrdreg $0x0  }
0xa8: {  	s5 =	sshll.u32 s28, $0x1;
	[dreg:$0x2] =	wrdreg s3  }
0xa9: {  	[dreg:$0x3] =	wrdreg s5  }
0xaa: {  	[dreg:$0x4] =	wrdreg $0xC0  }
0xab: {  	_ =	task [dreg:s7], $0x5FFFF  }
0xac: {  	[dreg:$0x1] =	wrdreg $0xFFFFFFFF  }
0xad: {  	[dreg:$0x0] =	wrdreg $0x60  }
0xae: {  	[dreg:$0x2] =	wrdreg s24  }
0xaf: {  	[dreg:$0x3] =	wrdreg s2  }
0xb0: {  	[dreg:$0x4] =	wrdreg $0x9  }
0xb1: {  	_ =	task.clear_ibuf [dreg:s7], $0x5FFFF;
	_ =	strace $0x90000058  }
0xb2: {  	s29 =	simm.s32 $0x9;
	_ =	strace $0x8000005A  }
0xb3: {  	_ =	swait.ge [sflag:s29], $0x1  }
0xb4: {  	[sflag:s29] =	ssyncadd.s32 $0xFFFFFFFF  }
0xb5: {  	_ =	strace $0x9000005A  }
0xb6: {  	_ =	sfence  }
0xb7: {  	s30 =	sld [smem:$0x0];
	_ =	sdelay $0x2  }
0xb8: {  	s31 =	sshll.u32 s1, $0xD;
	s1 =	sshrl.u32 s1, $0x2  }
0xb9: {  	s3 =	sand.u32 $0x4000, s31;
	s1 =	sadd.s32 s1, s30  }
0xba: {  	s0 =	sor.u32 s3, s0;
	s1 =	sshll.u32 s1, $0x11  }
0xbb: {  	s0 =	sor.u32 s1, s0  }
0xbc: {  	s0 =	sadd.s32 $0x8F2B, s0  }
0xbd: {  	[sflag:s0] =	ssyncadd.remote.s32 $0x1  }
0xbe: {  	_ =	sfence.sel $0xFFFF  }
0xbf: {  	[dreg:$0x0] =	wrdreg $0xFFFFFFFF;
	(pc) =	sbr.abs _section_cstart, $3  }
0xc0: {  	[dreg:$0x1] =	wrdreg $0xFFFFFFFF  }
0xc1: {  	_ =	task.clear_ibuf [dreg:s7], $0x2FFFF;
	_ =	strace $0x9FFFFFFF  }
0xc2: {  	(tm) =	ssettm $0x7FFFFFFF  }
0xc3: {  	_ =	shalt  }
tec
execute0_lowered:
.L_overlay_start_1:
0x0: {  	(tag) =	ssettag $0x1  }
0x1: {  	s8 =	rddreg [dreg:$0x0]  }
0x2: {  	s2 =	rddreg [dreg:$0x1]  }
0x3: {  	s0 =	rddreg [dreg:$0x2];
	s1 =	stileid.u32  }
0x4: {  	s3 =	srdreg.scid;
	_ =	strace $0x80000059;
	s4 =	simm.s32 $0x1  }
0x5: {  	s7 =	simm.s32 $0x1;
	s9 =	simm.s32 $0x1;
	s10 =	simm.s32 $0x3  }
0x6: {  	s13 =	simm.s32 $0x0;
	s5 =	sand.u32 $0x1, s3;
	s6 =	sshll.u32 s1, $0x1  }
0x7: {  	s12 =	simm.s32 $0x0;
	s3 =	sadd.s32 $0xA51000, s8;
	s5 =	sor.u32 s6, s5  }
.Ltmp0:
0x8: {  	[sflag:s4] =	ssyncpa.u1 $0x0;
	p0 =	slt.u32 s5, $0x9;
	(pc) =	sbr.rel .LBB2_1-.Ltmp0, $4  }
0x9: {  	s6 =	simm.s32 $0x2;
	s7 =	simm.s32 @!p0 $0x0;
	p0 =	sne.s32 s5, $0x8  }
0xa: {  	[sflag:s6] =	ssyncpa.u1 $0x0;
	s5 =	smul.u32 $0x1F40, s5;
	s9 =	simm.s32 @!p0 $0x0  }
0xb: {  	s8 =	sadd.s32 $0x51000, s8;
	[sflag:s10] =	ssyncpa.u1 $0x0;
	s7 =	sadd.s32 s9, s7  }
0xc: {  	vm0 =	vmmov $0xffff;
	s10 =	simm.s32 $0x0;
	s11 =	smov.u32 s5;
	s9 =	sadd.s32 $0x1, s7  }
.LBB2_4:
0xd: {  	v5 =	vshrl.u32 v1, $0xD;
	v6 =	vshll.u32 v1, $0x7  }
0xe: {  	vm1 =	veq.s32 v1, $0x80000000;
	v58 =	vand.u32 $0x3F, v5;
	v59 =	vand.u32 $0xFFF80, v6  }
0xf: {  	v1 =	vsel vm1, $0xFFFFFFFF, v58;
	v5 =	vsel vm1, $0xFFFFFF80, v59  }
0x10: {  	v3 =	vor.u32 v4, v3;
	v60 =	vand.u32 $0xFFFFFC00, v5;
	v61 =	vand.u32 $0xFFFFFC00, v1  }
0x11: {  	v2 =	vor.u32 v2, v3;
	v63 =	vand.u32 $0x380, v5;
	v62 =	vadd.s32 v61, v60  }
0x12: {  	v1 =	vand.u32 $0x7F, v1;
	v3 =	vor.u32 v63, v62  }
0x13: {  	v1 =	vor.u32 v1, v3  }
0x14: {  	[tilespmem:s17], [sflag:$0x1] =	stream.indirect_vreg.gather [hbm4b:s3+s10], $0x1, v0, vm0, $0x4038;
	[tilespmem:$0x7D00] =	vst v63  }
0x15: {  	(ifvalue) =	ssetifvalue $0x7FFFFFFF  }
0x16: {  	[tilespmem:s15], [sflag:$0x1] =	stream.indirect_vreg.gather [hbm4b:s3+s10], $0x1, v2, vm0, $0x4038;
	[tilespmem:$0x7D00] =	vst v63  }
0x17: {  	s29 =	sadd.s32 $0x10, s15;
	(ifvalue) =	ssetifvalue $0x7FFFFFFF  }
0x18: {  	[tilespmem:s29], [sflag:$0x1] =	stream.indirect_vreg.gather [hbm4b:s3+s10], $0x1, v1, vm0, $0x4038;
	[tilespmem:$0x7D00] =	vst v63  }
0x19: {  	_ =	swait.ge [sflag:s4], $0x1F40  }
0x1a: {  	s30 =	sshrl.u32 s13, $0x3;
	[sflag:s4] =	ssyncset.done $0x0  }
0x1b: {  	s31 =	sand.u32 $0x7, s13;
	s15 =	sadd.s32 s8, s30;
	[sflag:s4] =	ssyncadd.s32 $0xFFFFE0C0  }
0x1c: {  	[hbm4b:s15+s31] =	stream.linear.scatter [tilespmem:s14], [sflag:$0x3], $0x1F40, $0x38;
	[tilespmem:$0x7D00] =	vst v63  }
.LBB2_5:
0x1d: {  	s15 =	sadd.s32 $0x3E800, s11  }
0x1e: {  	p1 =	sgt.s32 s15, $0x4E1FF  }
0x1f: {  	s15 =	smov.u32 @p1 s5;
	p1 =	sne.s32 s12, s9  }
.Ltmp1:
0x20: {  	p0 =	slt.u32 s12, $0x2;
	(pc) =	sbr.rel @!p1 .LBB2_6-.Ltmp1, $4  }
0x21: {  	s14 =	simm.s32 @!p0 $0x3  }
0x22: {  	_ =	swait.ge @!p0 [sflag:s14], $0x1F40  }
0x23: {  	s16 =	sadd.s32 $0x1, s12;
	s13 =	smov.u32 s11;
	[sflag:s14] =	ssyncset.done @!p0 $0x0  }
0x24: {  	s12 =	smov.u32 s16;
	s11 =	smov.u32 s15;
	[sflag:s14] =	ssyncadd.s32 @!p0 $0xFFFFE0C0  }
.LBB2_1:
0x25: {  	p0 =	sge.u32 s12, s7  }
0x26: {  	s14 =	sxor.u32 @!p0 $0x1, s12  }
0x27: {  	s14 =	smul.u32 @!p0 $0x7D00, s14  }
0x28: {  	s31 =	sadd.s32 $0xFFFFFFFF, s12;
	s15 =	sshrl.u32 @!p0 s11, $0x3  }
0x29: {  	s16 =	sand.u32 @!p0 $0x7, s11;
	s15 =	sadd.s32 @!p0 s2, s15;
	s14 =	sshra.s32 @!p0 s14, $0x2  }
0x2a: {  	[tilespmem:s14], [sflag:$0x2] =	stream.linear.gather @!p0 [hbm4b:s15+s16], $0x1F40, $0x38;
	[tilespmem:$0x7D00] =	vst v63  }
0x2b: {  	p0 =	sge.u32 s31, s7  }
.Ltmp2:
0x2c: {  	_ = 	snop;
	(pc) =	sbr.rel @p0 .LBB2_5-.Ltmp2, $1  }
0x2d: {  	_ =	sdelay $0x3  }
0x2e: {  	s14 =	sand.u32 $0x1, s12  }
0x2f: {  	_ =	swait.ge [sflag:s6], $0x1F40;
	p0 =	seq.s32 s14, $0x1;
	s14 =	simm.s32 $0x1F40  }
0x30: {  	[sflag:s6] =	ssyncset.done $0x0;
	s14 =	simm.s32 @!p0 $0x0  }
0x31: {  	[sflag:s6] =	ssyncadd.s32 $0xFFFFE0C0;
	(ifvalue) =	ssetifvalue $0x7FFFFFFF;
	v0 =	vld.msk [tilespmem:s14+$0x0 ss:$0x1], $0xffff;
	_ =	sdelay $0x4  }
0x32: {  	s15 =	sadd.s32 $0x10, s14;
	v2 =	vshrl.u32 v0, $0xD;
	v3 =	vshll.u32 v0, $0x7  }
0x33: {  	v1 =	vld.msk [tilespmem:s15+$0x0 ss:$0x1], $0xffff;
	vm1 =	veq.s32 v0, $0x80000000;
	v0 =	vand.u32 $0x3F, v2;
	v2 =	vand.u32 $0xFFF80, v3  }
0x34: {  	v0 =	vsel vm1, $0xFFFFFFFF, v0;
	v2 =	vsel vm1, $0xFFFFFF80, v2  }
0x35: {  	v3 =	vand.u32 $0xFFFFFC00, v2;
	v4 =	vand.u32 $0xFFFFFC00, v0  }
0x36: {  	v2 =	vand.u32 $0x380, v2;
	v3 =	vadd.s32 v4, v3  }
0x37: {  	v0 =	vand.u32 $0x7F, v0;
	v2 =	vor.u32 v2, v3  }
0x38: {  	v5 =	vshll.u32 v1, $0x7;
	v4 =	vshrl.u32 v1, $0xD;
	v0 =	vor.u32 v0, v2  }
0x39: {  	vm1 =	veq.s32 v1, $0x80000000;
	v1 =	vand.u32 $0x3F, v4;
	v4 =	vand.u32 $0xFFF80, v5  }
0x3a: {  	s14 =	sadd.s32 $0x3E80, s14;
	s15 =	sadd.s32 $0x10, s15;
	v3 =	vsel vm1, $0xFFFFFFFF, v1;
	v4 =	vsel vm1, $0xFFFFFF80, v4  }
0x3b: {  	s16 =	simm.s32 $0x20;
	s17 =	smov.u32 s14;
	v1 =	vld.msk [tilespmem:s15+$0x0 ss:$0x1], $0xffff;
	v5 =	vand.u32 $0xFFFFFC00, v4;
	v6 =	vand.u32 $0xFFFFFC00, v3  }
0x3c: {  	s18 =	sadd.s32 $0x10, s15;
	(ifvalue) =	ssetifvalue $0x7FFFFFFF;
	s15 =	sadd.s32 $0x10, s14;
	v2 =	vand.u32 $0x7F, v3;
	v4 =	vand.u32 $0x380, v4;
	v3 =	vadd.s32 v6, v5  }
.LBB2_3:
0x3d: {  	[tilespmem:s17], [sflag:$0x1] =	stream.indirect_vreg.gather [hbm4b:s3+s10], $0x1, v0, vm0, $0x4038;
	[tilespmem:$0x7D00] =	vst v63  }
0x3e: {  	s16 =	sadd.s32 $0x10, s16  }
0x3f: {  	v3 =	vor.u32 v4, v3;
	p0 =	slt.u32 s16, $0x1F30  }
.Ltmp3:
0x40: {  	v4 =	vshrl.u32 v1, $0xD;
	v5 =	vshll.u32 v1, $0x7;
	s17 =	smov.u32 s15;
	v0 =	vor.u32 v2, v3;
	v2 =	vmovc v1;
	v1 =	vld.msk [tilespmem:s18+$0x0 ss:$0x1], $0xffff;
	(pc) =	sbr.rel @p0 .LBB2_3-.Ltmp3, $4  }
0x41: {  	v3 =	vand.u32 $0xFFF80, v5;
	vm1 =	veq.s32 v2, $0x80000000;
	v2 =	vand.u32 $0x3F, v4  }
0x42: {  	v4 =	vsel vm1, $0xFFFFFFFF, v2;
	v5 =	vsel vm1, $0xFFFFFF80, v3  }
0x43: {  	v2 =	vand.u32 $0x7F, v4;
	v3 =	vand.u32 $0xFFFFFC00, v5;
	v4 =	vand.u32 $0xFFFFFC00, v4  }
0x44: {  	s15 =	sadd.s32 $0x10, s15;
	s18 =	sadd.s32 $0x10, s18;
	v3 =	vadd.s32 v4, v3;
	v4 =	vand.u32 $0x380, v5;
	(ifvalue) =	ssetifvalue $0x7FFFFFFF  }
.Ltmp4:
0x45: {  	_ = 	snop;
	(pc) =	sbr.rel .LBB2_4-.Ltmp4, $1  }
0x46: {  	_ =	sdelay $0x3  }
.LBB2_6:
0x47: {  	_ =	sfence.sel $0x180000  }
0x48: {  	s2 =	simm.s32 $0x2;
	[bflag:$0x0] =	sbarrier.arrive $0xFFFF  }
0x49: {  	s30 =	simm.s32 $0x3;
	[sflag:s2] =	ssyncpa.u1 $0x1  }
0x4a: {  	s31 =	simm.s32 $0x1;
	[sflag:s30] =	ssyncpa.u1 $0x1  }
0x4b: {  	[sflag:s31] =	ssyncpa.u1 $0x1  }
0x4c: {  	p0 =	sne.s32 s1, $0x0;
	_ =	strace $0x90000059  }
0x4d: {  	s0 =	sadd.s32 @!p0 $0x100000, s0;
	[bflag:$0x2] =	sbarrier.arrive $0xFFFF  }
0x4e: {  	[sflag:s0] =	ssyncadd.tile.s32 @!p0 $0x1;
	_ =	shalt  }
.Lfunc_end2:
_tile_overlayer_lowered:
.L_overlay_start_2:
0x4f: {  	(tag) =	ssettag $0x2  }
0x50: {  	s0 =	rddreg [dreg:$0x0];
	s2 =	stileid.u32  }
0x51: {  	s1 =	rddreg [dreg:$0x1];
	p0 =	sne.s32 s2, $0x0  }
0x52: {  	s3 =	rddreg [dreg:$0x2];
	[bflag:$0x3] =	sbarrier.arrive $0xFFFF;
	s2 =	simm.s32 @!p0 $0x1C01  }
0x53: {  	[timem:s3], [sflag:s2] =	dma.local @!p0 [hbm:s0], s1  }
0x54: {  	s0 =	simm.s32 @!p0 $0x1  }
0x55: {  	_ =	swait.ge @!p0 [sflag:s0], s1  }
0x56: {  	s1 =	ssub.s32 @!p0 $0x0, s1;
	[sflag:s0] =	ssyncset.done @!p0 $0x0  }
0x57: {  	[sflag:s0] =	ssyncadd.s32 @!p0 s1  }
0x58: {  	[bflag:$0x3] =	sbarrier.arrive $0xFFFF  }
0x59: {  	_ =	shalt  }

// kernel: gather_offload_async_start
scs
__scs_entry_jumppad:
0x0: {  	(pc) =	sbr.rel $0x88, $3  }
0x1: {  	(tag) =	ssettag $0x0;
	lr =	simm.s32 $0x1  }
0x2: {  	[smem:$0x3F8D] =	sst lr;
	_ =	strace $0xD0000000  }
0x3: {  	_ = 	snop  }
0x4: {  	_ = 	snop  }
0x5: {  	_ = 	snop  }
0x6: {  	_ = 	snop  }
0x7: {  	_ = 	snop  }
__scs_overlays_trampoline_lowered:
0x8: {  	[smem:$0x3F9C] =	sst s0  }
0x9: {  	[smem:$0x3F9D] =	sst s1  }
0xa: {  	[smem:$0x3F9E] =	sst s2  }
0xb: {  	[smem:$0x3F9F] =	sst s3  }
0xc: {  	[smem:$0x3FA0] =	sst s4  }
0xd: {  	[smem:$0x3FA1] =	sst s5  }
0xe: {  	[smem:$0x3FA2] =	sst s6  }
0xf: {  	[smem:$0x3FA3] =	sst s7  }
0x10: {  	[smem:$0x3FA4] =	sst s8  }
0x11: {  	[smem:$0x3FA5] =	sst s9;
	s0 =	simm.s32 @!p0 $0x0  }
0x12: {  	s1 =	sld [smem:$0x3F8B];
	s0 =	simm.s32 @p0 $0x1  }
0x13: {  	[smem:$0x3FA6] =	sst s0;
	s0 =	simm.s32 @!p1 $0x0  }
0x14: {  	s2 =	sld [smem:$0x3F8A];
	s0 =	simm.s32 @p1 $0x1  }
0x15: {  	[smem:$0x3FA7] =	sst s0;
	s0 =	simm.s32 @!p2 $0x0  }
0x16: {  	s3 =	sld [smem:$0x3FDB];
	s0 =	simm.s32 @p2 $0x1  }
0x17: {  	s4 =	simm.s32 $0x1BF5;
	[smem:$0x3FA9] =	sst s0  }
0x18: {  	s0 =	sld [smem:$0x3F8C];
	_ =	swait.ge [sflag:s4], $0x0  }
0x19: {  	s7 =	sld [smem:$0x3F8D]  }
0x1a: {  	s8 =	sadd.s32 $0xFFFFE003, lr  }
0x1b: {  	s9 =	sadd.s32 $0xFFFFFEF7, lr;
	s5 =	simm.s32 $0xFFFFFFFF;
	p2 =	slt.u32 s8, $0xFFFFF086  }
0x1c: {  	p1 =	slt.u32 s9, $0xF7A;
	s5 =	simm.s32 @!p2 $0x0  }
0x1d: {  	s5 =	simm.s32 @p1 $0x1;
	p0 =	seq.s32 s7, s2  }
0x1e: {  	s7 =	smul.u32 @!p0 $0xF7A, s2;
	p2 =	seq.s32 @!p0 s5, $0x0  }
0x1f: {  	s9 =	smul.u32 $0xF7A, s1;
	s8 =	simm.s32 @!p0 $0x1BF5;
	p2 =	por !p2, p0  }
0x20: {  	[sflag:s8] =	ssyncset.s32 @!p0 $0xFFFFF086;
	s6 =	sadd.s32 @!p0 s3, s7;
	s7 =	simm.s32 @!p0 $0x108  }
0x21: {  	s3 =	sadd.s32 s3, s9;
	s6 =	sadd.s32 @!p0 $0x88, s6;
	s7 =	simm.s32 @p2 $0x1082  }
0x22: {  	[simem:s7], [sflag:s8] =	dma.local @!p0 [hbm:s6], $0xF7A  }
0x23: {  	s9 =	sor.u32 $0xD0000000, s2;
	s6 =	simm.s32 $0x108;
	_ =	swait.ge @!p0 [sflag:s8], $0x0  }
0x24: {  	s3 =	sadd.s32 $0x88, s3;
	s6 =	simm.s32 @!p1 $0x1082;
	[sflag:s4] =	ssyncset.s32 $0xFFFFF086  }
0x25: {  	[simem:s6], [sflag:s4] =	dma.local [hbm:s3], $0xF7A  }
0x26: {  	[smem:$0x3F8D] =	sst s1;
	(tag) =	ssettag s2;
	_ =	strace s9  }
0x27: {  	s1 =	sld [smem:$0x3F9D]  }
0x28: {  	s2 =	sld [smem:$0x3F9E]  }
0x29: {  	s4 =	sld [smem:$0x3FA0]  }
0x2a: {  	p0 =	seq.s32 s5, $0x0;
	s5 =	sld [smem:$0x3FA1]  }
0x2b: {  	s6 =	sld [smem:$0x3FA2]  }
0x2c: {  	s7 =	sld [smem:$0x3FA3]  }
0x2d: {  	s3 =	simm.s32 $0x108;
	s8 =	sld [smem:$0x3FA4]  }
0x2e: {  	s3 =	simm.s32 @!p0 $0x1082;
	s9 =	sld [smem:$0x3FA5]  }
0x2f: {  	lr =	sadd.s32 s0, s3;
	s0 =	sld [smem:$0x3F9C]  }
0x30: {  	s3 =	sld [smem:$0x3F9F]  }
0x31: {  	[smem:$0x3FA8] =	sst s10  }
0x32: {  	s10 =	sld [smem:$0x3FA6];
	_ =	sdelay $0x3  }
0x33: {  	p0 =	seq.s32 s10, $0x1;
	s10 =	sld [smem:$0x3FA8];
	_ =	sdelay $0x3  }
0x34: {  	[smem:$0x3FA8] =	sst s10  }
0x35: {  	s10 =	sld [smem:$0x3FA7];
	_ =	sdelay $0x3  }
0x36: {  	p1 =	seq.s32 s10, $0x1;
	s10 =	sld [smem:$0x3FA8];
	_ =	sdelay $0x3  }
0x37: {  	[smem:$0x3FA8] =	sst s10  }
0x38: {  	s10 =	sld [smem:$0x3FA9]  }
0x39: {  	_ = 	snop;
	(pc) =	sbr.ind lr, $3  }
0x3a: {  	_ = 	snop  }
0x3b: {  	_ = 	snop  }
0x3c: {  	p2 =	seq.s32 s10, $0x1;
	s10 =	sld [smem:$0x3FA8]  }
0x3d: {  	_ =	shalt  }
0x3e: {  	_ =	shalt  }
0x3f: {  	_ =	shalt  }
0x40: {  	_ =	shalt  }
0x41: {  	_ =	shalt  }
0x42: {  	_ =	shalt  }
0x43: {  	_ =	shalt  }
0x44: {  	_ =	shalt  }
0x45: {  	_ =	shalt  }
0x46: {  	_ =	shalt  }
0x47: {  	_ =	shalt  }
0x48: {  	_ =	shalt  }
0x49: {  	_ =	shalt  }
0x4a: {  	_ =	shalt  }
0x4b: {  	_ =	shalt  }
0x4c: {  	_ =	shalt  }
0x4d: {  	_ =	shalt  }
0x4e: {  	_ =	shalt  }
0x4f: {  	_ =	shalt  }
0x50: {  	_ =	shalt  }
0x51: {  	_ =	shalt  }
0x52: {  	_ =	shalt  }
0x53: {  	_ =	shalt  }
0x54: {  	_ =	shalt  }
0x55: {  	_ =	shalt  }
0x56: {  	_ =	shalt  }
0x57: {  	_ =	shalt  }
0x58: {  	_ =	shalt  }
0x59: {  	_ =	shalt  }
0x5a: {  	_ =	shalt  }
0x5b: {  	_ =	shalt  }
0x5c: {  	_ =	shalt  }
0x5d: {  	_ =	shalt  }
0x5e: {  	_ =	shalt  }
0x5f: {  	_ =	shalt  }
0x60: {  	_ =	shalt  }
0x61: {  	_ =	shalt  }
0x62: {  	_ =	shalt  }
0x63: {  	_ =	shalt  }
0x64: {  	_ =	shalt  }
0x65: {  	_ =	shalt  }
0x66: {  	_ =	shalt  }
0x67: {  	_ =	shalt  }
0x68: {  	_ =	shalt  }
0x69: {  	_ =	shalt  }
0x6a: {  	_ =	shalt  }
0x6b: {  	_ =	shalt  }
0x6c: {  	_ =	shalt  }
0x6d: {  	_ =	shalt  }
0x6e: {  	_ =	shalt  }
0x6f: {  	_ =	shalt  }
0x70: {  	_ =	shalt  }
0x71: {  	_ =	shalt  }
0x72: {  	_ =	shalt  }
0x73: {  	_ =	shalt  }
0x74: {  	_ =	shalt  }
0x75: {  	_ =	shalt  }
0x76: {  	_ =	shalt  }
0x77: {  	_ =	shalt  }
0x78: {  	_ =	shalt  }
0x79: {  	_ =	shalt  }
0x7a: {  	_ =	shalt  }
0x7b: {  	_ =	shalt  }
0x7c: {  	_ =	shalt  }
0x7d: {  	_ =	shalt  }
0x7e: {  	_ =	shalt  }
0x7f: {  	_ =	shalt  }
0x80: {  	_ =	shalt  }
0x81: {  	_ =	shalt  }
0x82: {  	_ =	shalt  }
0x83: {  	_ =	shalt  }
0x84: {  	_ =	shalt  }
0x85: {  	_ =	shalt  }
0x86: {  	_ =	shalt  }
0x87: {  	_ =	shalt  }
.Lfunc_end0:
.L_simem_size_0:
called_computation.2_lowered:
.L_overlay_start_0:
0x88: {  	s2 =	sld [smem:$0x3FD9]  }
0x89: {  	s3 =	sld [smem:$0x3FFE];
	_ =	sdelay $0x1  }
0x8a: {  	s1 =	srdreg.scid  }
0x8b: {  	s0 =	sand.u32 $0x1, s1  }
0x8c: {  	s17 =	sshll.u32 s0, $0xA;
	s2 =	sadd.s32 s3, s2  }
0x8d: {  	s2 =	sadd.s32 s2, s17  }
0x8e: {  	[smem:$0x3FB4] =	sst s2  }
0x8f: {  	_ = 	snop  }
0x90: {  	s2 =	sld [smem:$0x3FD0];
	(tm) =	ssettm $0x1  }
0x91: {  	s18 =	sld [smem:$0x3FFB];
	_ =	sdelay $0x3  }
0x92: {  	_ =	strace s18  }
0x93: {  	s3 =	sld [smem:$0x3FFC];
	_ =	sdelay $0x3  }
0x94: {  	_ =	strace s3  }
0x95: {  	s3 =	sld [smem:$0x3FFD];
	_ =	sdelay $0x3  }
0x96: {  	_ =	strace s3  }
0x97: {  	_ =	strace $0x8FFFFFFF  }
0x98: {  	s19 =	sld [smem:$0x3FDB];
	_ =	sdelay $0x1  }
0x99: {  	s4 =	simm.s32 $_scs_section_size  }
0x9a: {  	s5 =	simm.s32 $_size__tile_overlayer_lowered;
	s6 =	simm.s32 $_tile_overlayer_lowered  }
0x9b: {  	s22 =	simm.s32 $0x1BFF;
	s21 =	sshll.u32 s6, $0x1;
	s3 =	sadd.s32 s4, s19  }
0x9c: {  	s7 =	simm.s32 $0x0;
	s20 =	sshll.u32 s5, $0x1;
	s5 =	sadd.s32 s21, s3  }
0x9d: {  	[timem:s7], [sflag:s22] =	dma.local [hbm:s5], s20  }
0x9e: {  	_ =	swait.ge [sflag:s22], s20  }
0x9f: {  	s4 =	ssub.s32 $0x0, s20;
	[sflag:s22] =	ssyncset.done $0x0  }
0xa0: {  	[sflag:s22] =	ssyncadd.s32 s4;
	_ =	sdelay $0x1  }
0xa1: {  	s23 =	simm.s32 $0x1B8B  }
0xa2: {  	_ =	swait.ge [sflag:s23], $0x1  }
0xa3: {  	[sflag:s23] =	ssyncset.done $0x0  }
0xa4: {  	s25 =	simm.s32 $0x1B8E;
	s24 =	sld [smem:$0x3FFE];
	[sflag:s23] =	ssyncadd.s32 $0xFFFFFFFF  }
0xa5: {  	s26 =	simm.s32 $execute0_lowered;
	[smem:$0x3FD2] =	sst s25  }
0xa6: {  	s5 =	sshll.u32 s26, $0x1;
	_ =	strace $0x8000004C;
	[dreg:$0x1] =	wrdreg $0xFFFFFFFF  }
0xa7: {  	s28 =	simm.s32 $_size_execute0_lowered;
	s3 =	sadd.s32 s3, s5;
	[dreg:$0x0] =	wrdreg $0x0  }
0xa8: {  	s5 =	sshll.u32 s28, $0x1;
	[dreg:$0x2] =	wrdreg s3  }
0xa9: {  	[dreg:$0x3] =	wrdreg s5  }
0xaa: {  	[dreg:$0x4] =	wrdreg $0xC0  }
0xab: {  	_ =	task [dreg:s7], $0x5FFFF  }
0xac: {  	[dreg:$0x1] =	wrdreg $0xFFFFFFFF  }
0xad: {  	[dreg:$0x0] =	wrdreg $0x60  }
0xae: {  	[dreg:$0x2] =	wrdreg s24  }
0xaf: {  	[dreg:$0x3] =	wrdreg s2  }
0xb0: {  	[dreg:$0x4] =	wrdreg $0x9  }
0xb1: {  	_ =	task.clear_ibuf [dreg:s7], $0x5FFFF;
	_ =	strace $0x9000004C  }
0xb2: {  	s29 =	simm.s32 $0x9;
	_ =	strace $0x8000004E  }
0xb3: {  	_ =	swait.ge [sflag:s29], $0x1  }
0xb4: {  	[sflag:s29] =	ssyncadd.s32 $0xFFFFFFFF  }
0xb5: {  	_ =	strace $0x9000004E  }
0xb6: {  	_ =	sfence  }
0xb7: {  	s30 =	sld [smem:$0x0];
	_ =	sdelay $0x2  }
0xb8: {  	s31 =	sshll.u32 s1, $0xD;
	s1 =	sshrl.u32 s1, $0x2  }
0xb9: {  	s3 =	sand.u32 $0x4000, s31;
	s1 =	sadd.s32 s1, s30  }
0xba: {  	s0 =	sor.u32 s3, s0;
	s1 =	sshll.u32 s1, $0x11  }
0xbb: {  	s0 =	sor.u32 s1, s0  }
0xbc: {  	s0 =	sadd.s32 $0x8F2B, s0  }
0xbd: {  	[sflag:s0] =	ssyncadd.remote.s32 $0x1  }
0xbe: {  	_ =	sfence.sel $0xFFFF  }
0xbf: {  	[dreg:$0x0] =	wrdreg $0xFFFFFFFF;
	(pc) =	sbr.abs _section_cstart, $3  }
0xc0: {  	[dreg:$0x1] =	wrdreg $0xFFFFFFFF  }
0xc1: {  	_ =	task.clear_ibuf [dreg:s7], $0x2FFFF;
	_ =	strace $0x9FFFFFFF  }
0xc2: {  	(tm) =	ssettm $0x7FFFFFFF  }
0xc3: {  	_ =	shalt  }
tec
execute0_lowered:
.L_overlay_start_1:
0x0: {  	(tag) =	ssettag $0x1  }
0x1: {  	s8 =	rddreg [dreg:$0x0]  }
0x2: {  	s2 =	rddreg [dreg:$0x1]  }
0x3: {  	s0 =	rddreg [dreg:$0x2];
	s1 =	stileid.u32  }
0x4: {  	s3 =	srdreg.scid;
	_ =	strace $0x8000004D;
	s4 =	simm.s32 $0x1  }
0x5: {  	s7 =	simm.s32 $0x1;
	s9 =	simm.s32 $0x1;
	s10 =	simm.s32 $0x3  }
0x6: {  	s13 =	simm.s32 $0x0;
	s5 =	sand.u32 $0x1, s3;
	s6 =	sshll.u32 s1, $0x1  }
0x7: {  	s12 =	simm.s32 $0x0;
	s3 =	sadd.s32 $0xA51000, s8;
	s5 =	sor.u32 s6, s5  }
.Ltmp0:
0x8: {  	[sflag:s4] =	ssyncpa.u1 $0x0;
	p0 =	slt.u32 s5, $0x13;
	(pc) =	sbr.rel .LBB2_1-.Ltmp0, $4  }
0x9: {  	s6 =	simm.s32 $0x2;
	s7 =	simm.s32 @!p0 $0x0;
	p0 =	sne.s32 s5, $0x12  }
0xa: {  	[sflag:s6] =	ssyncpa.u1 $0x0;
	s5 =	smul.u32 $0x1900, s5;
	s9 =	simm.s32 @!p0 $0x0  }
0xb: {  	s8 =	sadd.s32 $0xB14600, s8;
	[sflag:s10] =	ssyncpa.u1 $0x0;
	s7 =	sadd.s32 s9, s7  }
0xc: {  	vm0 =	vmmov $0xffff;
	v0 =	vlaneseq.u32;
	s10 =	simm.s32 $0x0;
	s11 =	smov.u32 s5;
	s9 =	sadd.s32 $0x1, s7  }
.LBB2_4:
0xd: {  	_ =	sdelay $0x3  }
0xe: {  	[tilespmem:s22], [sflag:$0x1] =	stream.indirect_vreg.gather [hbm4b:s3+s10], $0x1, v1, vm0, $0x4038;
	[tilespmem:$0xFA00] =	vst v63  }
0xf: {  	s15 =	sadd.s32 s19, s15  }
0x10: {  	v1 =	vld.msk [tilespmem:s15+$0x0 ss:$0x1], $0xffff;
	_ =	sdelay $0x4  }
0x11: {  	v2 =	vshrl.u32 v1, $0xD  }
0x12: {  	vm1 =	veq.s32 v1, $0x80000000;
	v2 =	vand.u32 $0xFF, v2  }
0x13: {  	p0 =	sgt.s32 s18, $0x0;
	v1 =	vshll.u32 v1, $0xA;
	v2 =	vsel vm1, $0xFFFFFFFF, v2  }
0x14: {  	s18 =	simm.s32 @!p0 $0x0;
	v1 =	vand.u32 $0x7FFC00, v1;
	v3 =	vshll.u32 v2, $0x2  }
0x15: {  	s25 =	smin.u32 s18, $0x10;
	v1 =	vsel vm1, $0xFFFFFC00, v1;
	v3 =	vand.u32 $0xFFFFFE00, v3  }
0x16: {  	v2 =	vand.u32 $0x7F, v2;
	v1 =	vadd.s32 v1, v3;
	v3 =	vmov s25  }
0x17: {  	v1 =	vor.u32 v2, v1;
	vm1 =	vgt.u32 v3, v0  }
0x18: {  	v2 =	vnsel vm1, $0x7FFFFFFF, v1;
	_ =	sdelay $0x1  }
0x19: {  	s26 =	sand.u32 $0x7E00, s16;
	v3 =	vor.u32 $0x80, v1  }
0x1a: {  	s28 =	sand.u32 $0x70, s17;
	(ifvalue) =	ssetifvalue $0x7FFFFFFF;
	s15 =	sadd.s32 s26, s14;
	v3 =	vnsel vm1, $0x7FFFFFFF, v3  }
0x1b: {  	s15 =	sadd.s32 s28, s15;
	(ifvalue) =	ssetifvalue $0x7FFFFFFF  }
0x1c: {  	v4 =	vor.u32 $0x100, v1;
	[tilespmem:s15], [sflag:$0x1] =	stream.indirect_vreg.gather [hbm4b:s3+s10], $0x1, v2, vm0, $0x4038;
	[tilespmem:$0xFA00] =	vst v63  }
0x1d: {  	(ifvalue) =	ssetifvalue $0x7FFFFFFF;
	v2 =	vnsel vm1, $0x7FFFFFFF, v4  }
0x1e: {  	s16 =	sadd.s32 $0x80, s15;
	(ifvalue) =	ssetifvalue $0x7FFFFFFF  }
0x1f: {  	v1 =	vor.u32 $0x180, v1;
	[tilespmem:s16], [sflag:$0x1] =	stream.indirect_vreg.gather [hbm4b:s3+s10], $0x1, v3, vm0, $0x4038;
	[tilespmem:$0xFA00] =	vst v63  }
0x20: {  	v1 =	vnsel vm1, $0x7FFFFFFF, v1;
	(ifvalue) =	ssetifvalue $0x7FFFFFFF  }
0x21: {  	s29 =	sadd.s32 $0x100, s15;
	(ifvalue) =	ssetifvalue $0x7FFFFFFF  }
0x22: {  	[tilespmem:s29], [sflag:$0x1] =	stream.indirect_vreg.gather [hbm4b:s3+s10], $0x1, v2, vm0, $0x4038;
	[tilespmem:$0xFA00] =	vst v63  }
0x23: {  	(ifvalue) =	ssetifvalue $0x7FFFFFFF  }
0x24: {  	s30 =	sshll.u32 s13, $0x2;
	s15 =	sadd.s32 $0x180, s15;
	(ifvalue) =	ssetifvalue $0x7FFFFFFF  }
0x25: {  	[tilespmem:s15], [sflag:$0x1] =	stream.indirect_vreg.gather [hbm4b:s3+s10], $0x1, v1, vm0, $0x4038;
	[tilespmem:$0xFA00] =	vst v63  }
0x26: {  	s31 =	sand.u32 $0x78, s13;
	s15 =	sand.u32 $0xFFFFFE00, s30  }
0x27: {  	_ =	swait.ge [sflag:s4], $0x6400;
	s13 =	sor.u32 s31, s15  }
0x28: {  	[sflag:s4] =	ssyncset.done $0x0;
	s13 =	sshrl.u32 s13, $0x3  }
0x29: {  	[sflag:s4] =	ssyncadd.s32 $0xFFFF9C00;
	s13 =	sadd.s32 s8, s13  }
0x2a: {  	[hbm:s13] =	stream.linear.scatter [tilespmem:s14], [sflag:$0x3], $0x6400, $0x38;
	[tilespmem:$0xFA00] =	vst v63  }
.LBB2_5:
0x2b: {  	s15 =	sadd.s32 $0x32000, s11  }
0x2c: {  	p1 =	sgt.s32 s15, $0x4E1FF  }
0x2d: {  	s15 =	smov.u32 @p1 s5;
	p1 =	sne.s32 s12, s9  }
.Ltmp1:
0x2e: {  	p0 =	slt.u32 s12, $0x2;
	(pc) =	sbr.rel @!p1 .LBB2_6-.Ltmp1, $4  }
0x2f: {  	s14 =	simm.s32 @!p0 $0x3  }
0x30: {  	_ =	swait.ge @!p0 [sflag:s14], $0x6400  }
0x31: {  	s16 =	sadd.s32 $0x1, s12;
	s13 =	smov.u32 s11;
	[sflag:s14] =	ssyncset.done @!p0 $0x0  }
0x32: {  	s12 =	smov.u32 s16;
	s11 =	smov.u32 s15;
	[sflag:s14] =	ssyncadd.s32 @!p0 $0xFFFF9C00  }
.LBB2_1:
0x33: {  	p0 =	sge.u32 s12, s7  }
0x34: {  	s14 =	sxor.u32 @!p0 $0x1, s12  }
0x35: {  	s14 =	smul.u32 @!p0 $0x6400, s14  }
0x36: {  	s31 =	sadd.s32 $0xFFFFFFFF, s12;
	s15 =	sshrl.u32 @!p0 s11, $0x3  }
0x37: {  	s16 =	sand.u32 @!p0 $0x7, s11;
	s15 =	sadd.s32 @!p0 s2, s15;
	s14 =	sshra.s32 @!p0 s14, $0x2  }
0x38: {  	[tilespmem:s14], [sflag:$0x2] =	stream.linear.gather @!p0 [hbm4b:s15+s16], $0x1900, $0x38;
	[tilespmem:$0xFA00] =	vst v63  }
0x39: {  	p0 =	sge.u32 s31, s7  }
.Ltmp2:
0x3a: {  	_ = 	snop;
	(pc) =	sbr.rel @p0 .LBB2_5-.Ltmp2, $1  }
0x3b: {  	_ =	sdelay $0x3  }
0x3c: {  	s14 =	sand.u32 $0x1, s12  }
0x3d: {  	p0 =	seq.s32 s14, $0x1;
	s14 =	simm.s32 $0x6400  }
0x3e: {  	_ =	swait.ge [sflag:s6], $0x1900;
	s14 =	simm.s32 @!p0 $0x0  }
0x3f: {  	[sflag:s6] =	ssyncset.done $0x0;
	s15 =	sshrl.u32 s14, $0x2  }
0x40: {  	[sflag:s6] =	ssyncadd.s32 $0xFFFFE700;
	s16 =	sadd.s32 $0x0, s15  }
0x41: {  	v1 =	vld.msk [tilespmem:s16+$0x0 ss:$0x1], $0xffff;
	_ =	sdelay $0x3  }
0x42: {  	s17 =	ssub.s32 $0x4E200, s13  }
0x43: {  	p0 =	slt.s32 s17, $0x1900;
	v2 =	vshrl.u32 v1, $0xD  }
0x44: {  	s17 =	simm.s32 @!p0 $0x1900;
	vm1 =	veq.s32 v1, $0x80000000;
	v2 =	vand.u32 $0xFF, v2  }
0x45: {  	p0 =	sgt.s32 s17, $0x0;
	s16 =	smov.u32 s17;
	v1 =	vshll.u32 v1, $0xA;
	v2 =	vsel vm1, $0xFFFFFFFF, v2  }
0x46: {  	s16 =	simm.s32 @!p0 $0x0;
	v1 =	vand.u32 $0x7FFC00, v1;
	v3 =	vshll.u32 v2, $0x2  }
0x47: {  	s16 =	smin.u32 s16, $0x10;
	v1 =	vsel vm1, $0xFFFFFC00, v1;
	v3 =	vand.u32 $0xFFFFFE00, v3  }
0x48: {  	v2 =	vand.u32 $0x7F, v2;
	v1 =	vadd.s32 v1, v3;
	v3 =	vmov s16  }
0x49: {  	v1 =	vor.u32 v2, v1;
	vm1 =	vgt.u32 v3, v0  }
0x4a: {  	v2 =	vnsel vm1, $0x7FFFFFFF, v1  }
0x4b: {  	s31 =	simm.s32 $0x0  }
0x4c: {  	s18 =	sand.u32 $0x7E00, s31;
	s14 =	sadd.s32 $0x3200, s14;
	v3 =	vor.u32 $0x80, v1  }
0x4d: {  	s18 =	sadd.s32 s18, s14;
	(ifvalue) =	ssetifvalue $0x7FFFFFFF;
	s16 =	sand.u32 $0x70, s31;
	v3 =	vnsel vm1, $0x7FFFFFFF, v3  }
0x4e: {  	(ifvalue) =	ssetifvalue $0x7FFFFFFF;
	s20 =	sadd.s32 s16, s18  }
0x4f: {  	v4 =	vor.u32 $0x100, v1;
	[tilespmem:s20], [sflag:$0x1] =	stream.indirect_vreg.gather [hbm4b:s3+s10], $0x1, v2, vm0, $0x4038;
	[tilespmem:$0xFA00] =	vst v63  }
0x50: {  	(ifvalue) =	ssetifvalue $0x7FFFFFFF;
	v2 =	vnsel vm1, $0x7FFFFFFF, v4  }
0x51: {  	s16 =	sadd.s32 $0x80, s20;
	(ifvalue) =	ssetifvalue $0x7FFFFFFF  }
0x52: {  	v1 =	vor.u32 $0x180, v1;
	[tilespmem:s16], [sflag:$0x1] =	stream.indirect_vreg.gather [hbm4b:s3+s10], $0x1, v3, vm0, $0x4038;
	[tilespmem:$0xFA00] =	vst v63  }
0x53: {  	s19 =	simm.s32 $0x10;
	v1 =	vnsel vm1, $0x7FFFFFFF, v1;
	(ifvalue) =	ssetifvalue $0x7FFFFFFF  }
0x54: {  	s21 =	simm.s32 $0x80;
	s18 =	sadd.s32 $0x100, s20;
	(ifvalue) =	ssetifvalue $0x7FFFFFFF  }
0x55: {  	[tilespmem:s18], [sflag:$0x1] =	stream.indirect_vreg.gather [hbm4b:s3+s10], $0x1, v2, vm0, $0x4038;
	[tilespmem:$0xFA00] =	vst v63  }
0x56: {  	s22 =	sadd.s32 $0x180, s20;
	s16 =	simm.s32 $0x40;
	(ifvalue) =	ssetifvalue $0x7FFFFFFF  }
0x57: {  	s18 =	sadd.s32 $0xFFFFFFF0, s17;
	s17 =	simm.s32 $0x10;
	(ifvalue) =	ssetifvalue $0x7FFFFFFF  }
.LBB2_3:
0x58: {  	[tilespmem:s22], [sflag:$0x1] =	stream.indirect_vreg.gather [hbm4b:s3+s10], $0x1, v1, vm0, $0x4038;
	[tilespmem:$0xFA00] =	vst v63  }
0x59: {  	s22 =	smov.u32 s21  }
0x5a: {  	s20 =	sadd.s32 $0x40, s21;
	s23 =	sadd.s32 s19, s15;
	s19 =	sshra.s32 s22, $0x2  }
0x5b: {  	p0 =	sne.s32 s21, $0x63C0;
	v1 =	vld.msk [tilespmem:s23+$0x0 ss:$0x1], $0xffff  }
0x5c: {  	(ifvalue) =	ssetifvalue $0x7FFFFFFF;
	_ =	sdelay $0x4  }
0x5d: {  	v2 =	vshrl.u32 v1, $0xD;
	v3 =	vshll.u32 v1, $0xA  }
0x5e: {  	vm1 =	veq.s32 v1, $0x80000000;
	v1 =	vand.u32 $0xFF, v2;
	v2 =	vand.u32 $0x7FFC00, v3  }
0x5f: {  	p1 =	sgt.s32 s18, $0x0;
	s21 =	smov.u32 s18;
	v1 =	vsel vm1, $0xFFFFFFFF, v1;
	v2 =	vsel vm1, $0xFFFFFC00, v2  }
0x60: {  	s21 =	simm.s32 @!p1 $0x0;
	v3 =	vshll.u32 v1, $0x2  }
0x61: {  	s21 =	smin.u32 s21, $0x10;
	v3 =	vand.u32 $0xFFFFFE00, v3  }
0x62: {  	v1 =	vand.u32 $0x7F, v1;
	v2 =	vadd.s32 v2, v3;
	v3 =	vmov s21  }
0x63: {  	v1 =	vor.u32 v1, v2;
	vm1 =	vgt.u32 v3, v0  }
0x64: {  	v2 =	vnsel vm1, $0x7FFFFFFF, v1;
	v3 =	vor.u32 $0x80, v1;
	v4 =	vor.u32 $0x100, v1  }
0x65: {  	v1 =	vor.u32 $0x180, v1  }
0x66: {  	s21 =	sand.u32 $0x7E00, s16;
	s16 =	smov.u32 s22  }
0x67: {  	s22 =	sand.u32 $0x70, s17;
	s21 =	sadd.s32 s21, s14;
	v3 =	vnsel vm1, $0x7FFFFFFF, v3  }
0x68: {  	s21 =	sadd.s32 s22, s21;
	(ifvalue) =	ssetifvalue $0x7FFFFFFF  }
0x69: {  	[tilespmem:s21], [sflag:$0x1] =	stream.indirect_vreg.gather [hbm4b:s3+s10], $0x1, v2, vm0, $0x4038;
	[tilespmem:$0xFA00] =	vst v63  }
0x6a: {  	v2 =	vnsel vm1, $0x7FFFFFFF, v4;
	(ifvalue) =	ssetifvalue $0x7FFFFFFF  }
0x6b: {  	s22 =	sadd.s32 $0x80, s21;
	(ifvalue) =	ssetifvalue $0x7FFFFFFF  }
0x6c: {  	[tilespmem:s22], [sflag:$0x1] =	stream.indirect_vreg.gather [hbm4b:s3+s10], $0x1, v3, vm0, $0x4038;
	[tilespmem:$0xFA00] =	vst v63  }
.Ltmp3:
0x6d: {  	v1 =	vnsel vm1, $0x7FFFFFFF, v1;
	(ifvalue) =	ssetifvalue $0x7FFFFFFF;
	(pc) =	sbr.rel @p0 .LBB2_3-.Ltmp3, $4  }
0x6e: {  	s22 =	sadd.s32 $0x100, s21;
	(ifvalue) =	ssetifvalue $0x7FFFFFFF  }
0x6f: {  	[tilespmem:s22], [sflag:$0x1] =	stream.indirect_vreg.gather [hbm4b:s3+s10], $0x1, v2, vm0, $0x4038;
	[tilespmem:$0xFA00] =	vst v63  }
0x70: {  	s18 =	sadd.s32 $0xFFFFFFF0, s18;
	s17 =	sadd.s32 $0x10, s17;
	(ifvalue) =	ssetifvalue $0x7FFFFFFF  }
0x71: {  	s22 =	sadd.s32 $0x180, s21;
	s21 =	smov.u32 s20;
	(ifvalue) =	ssetifvalue $0x7FFFFFFF  }
.Ltmp4:
0x72: {  	_ = 	snop;
	(pc) =	sbr.rel .LBB2_4-.Ltmp4, $1  }
0x73: {  	_ =	sdelay $0x3  }
.LBB2_6:
0x74: {  	_ =	sfence.sel $0x180000  }
0x75: {  	s2 =	simm.s32 $0x2;
	[bflag:$0x0] =	sbarrier.arrive $0xFFFF  }
0x76: {  	s30 =	simm.s32 $0x3;
	[sflag:s2] =	ssyncpa.u1 $0x1  }
0x77: {  	s31 =	simm.s32 $0x1;
	[sflag:s30] =	ssyncpa.u1 $0x1  }
0x78: {  	[sflag:s31] =	ssyncpa.u1 $0x1  }
0x79: {  	p0 =	sne.s32 s1, $0x0;
	_ =	strace $0x9000004D  }
0x7a: {  	s0 =	sadd.s32 @!p0 $0x100000, s0;
	[bflag:$0x2] =	sbarrier.arrive $0xFFFF  }
0x7b: {  	[sflag:s0] =	ssyncadd.tile.s32 @!p0 $0x1;
	_ =	shalt  }
.Lfunc_end2:
_tile_overlayer_lowered:
.L_overlay_start_2:
0x7c: {  	(tag) =	ssettag $0x2  }
0x7d: {  	s0 =	rddreg [dreg:$0x0];
	s2 =	stileid.u32  }
0x7e: {  	s1 =	rddreg [dreg:$0x1];
	p0 =	sne.s32 s2, $0x0  }
0x7f: {  	s3 =	rddreg [dreg:$0x2];
	[bflag:$0x3] =	sbarrier.arrive $0xFFFF;
	s2 =	simm.s32 @!p0 $0x1C01  }
0x80: {  	[timem:s3], [sflag:s2] =	dma.local @!p0 [hbm:s0], s1  }
0x81: {  	s0 =	simm.s32 @!p0 $0x1  }
0x82: {  	_ =	swait.ge @!p0 [sflag:s0], s1  }
0x83: {  	s1 =	ssub.s32 @!p0 $0x0, s1;
	[sflag:s0] =	ssyncset.done @!p0 $0x0  }
0x84: {  	[sflag:s0] =	ssyncadd.s32 @!p0 s1  }
0x85: {  	[bflag:$0x3] =	sbarrier.arrive $0xFFFF  }
0x86: {  	_ =	shalt  }

// kernel: kernel.4.cloned.1.call-start
scs
__scs_entry_jumppad:
0x0: {  	(pc) =	sbr.rel $0x88, $3  }
0x1: {  	(tag) =	ssettag $0x0;
	lr =	simm.s32 $0x1  }
0x2: {  	[smem:$0x3F8D] =	sst lr;
	_ =	strace $0xD0000000  }
0x3: {  	_ = 	snop  }
0x4: {  	_ = 	snop  }
0x5: {  	_ = 	snop  }
0x6: {  	_ = 	snop  }
0x7: {  	_ = 	snop  }
__scs_overlays_trampoline_lowered:
0x8: {  	[smem:$0x3F9C] =	sst s0  }
0x9: {  	[smem:$0x3F9D] =	sst s1  }
0xa: {  	[smem:$0x3F9E] =	sst s2  }
0xb: {  	[smem:$0x3F9F] =	sst s3  }
0xc: {  	[smem:$0x3FA0] =	sst s4  }
0xd: {  	[smem:$0x3FA1] =	sst s5  }
0xe: {  	[smem:$0x3FA2] =	sst s6  }
0xf: {  	[smem:$0x3FA3] =	sst s7  }
0x10: {  	[smem:$0x3FA4] =	sst s8  }
0x11: {  	[smem:$0x3FA5] =	sst s9;
	s0 =	simm.s32 @!p0 $0x0  }
0x12: {  	s1 =	sld [smem:$0x3F8B];
	s0 =	simm.s32 @p0 $0x1  }
0x13: {  	[smem:$0x3FA6] =	sst s0;
	s0 =	simm.s32 @!p1 $0x0  }
0x14: {  	s2 =	sld [smem:$0x3F8A];
	s0 =	simm.s32 @p1 $0x1  }
0x15: {  	[smem:$0x3FA7] =	sst s0;
	s0 =	simm.s32 @!p2 $0x0  }
0x16: {  	s3 =	sld [smem:$0x3FDB];
	s0 =	simm.s32 @p2 $0x1  }
0x17: {  	s4 =	simm.s32 $0x1BF5;
	[smem:$0x3FA9] =	sst s0  }
0x18: {  	s0 =	sld [smem:$0x3F8C];
	_ =	swait.ge [sflag:s4], $0x0  }
0x19: {  	s7 =	sld [smem:$0x3F8D]  }
0x1a: {  	s8 =	sadd.s32 $0xFFFFE003, lr  }
0x1b: {  	s9 =	sadd.s32 $0xFFFFFEF7, lr;
	s5 =	simm.s32 $0xFFFFFFFF;
	p2 =	slt.u32 s8, $0xFFFFF086  }
0x1c: {  	p1 =	slt.u32 s9, $0xF7A;
	s5 =	simm.s32 @!p2 $0x0  }
0x1d: {  	s5 =	simm.s32 @p1 $0x1;
	p0 =	seq.s32 s7, s2  }
0x1e: {  	s7 =	smul.u32 @!p0 $0xF7A, s2;
	p2 =	seq.s32 @!p0 s5, $0x0  }
0x1f: {  	s9 =	smul.u32 $0xF7A, s1;
	s8 =	simm.s32 @!p0 $0x1BF5;
	p2 =	por !p2, p0  }
0x20: {  	[sflag:s8] =	ssyncset.s32 @!p0 $0xFFFFF086;
	s6 =	sadd.s32 @!p0 s3, s7;
	s7 =	simm.s32 @!p0 $0x108  }
0x21: {  	s3 =	sadd.s32 s3, s9;
	s6 =	sadd.s32 @!p0 $0x88, s6;
	s7 =	simm.s32 @p2 $0x1082  }
0x22: {  	[simem:s7], [sflag:s8] =	dma.local @!p0 [hbm:s6], $0xF7A  }
0x23: {  	s9 =	sor.u32 $0xD0000000, s2;
	s6 =	simm.s32 $0x108;
	_ =	swait.ge @!p0 [sflag:s8], $0x0  }
0x24: {  	s3 =	sadd.s32 $0x88, s3;
	s6 =	simm.s32 @!p1 $0x1082;
	[sflag:s4] =	ssyncset.s32 $0xFFFFF086  }
0x25: {  	[simem:s6], [sflag:s4] =	dma.local [hbm:s3], $0xF7A  }
0x26: {  	[smem:$0x3F8D] =	sst s1;
	(tag) =	ssettag s2;
	_ =	strace s9  }
0x27: {  	s1 =	sld [smem:$0x3F9D]  }
0x28: {  	s2 =	sld [smem:$0x3F9E]  }
0x29: {  	s4 =	sld [smem:$0x3FA0]  }
0x2a: {  	p0 =	seq.s32 s5, $0x0;
	s5 =	sld [smem:$0x3FA1]  }
0x2b: {  	s6 =	sld [smem:$0x3FA2]  }
0x2c: {  	s7 =	sld [smem:$0x3FA3]  }
0x2d: {  	s3 =	simm.s32 $0x108;
	s8 =	sld [smem:$0x3FA4]  }
0x2e: {  	s3 =	simm.s32 @!p0 $0x1082;
	s9 =	sld [smem:$0x3FA5]  }
0x2f: {  	lr =	sadd.s32 s0, s3;
	s0 =	sld [smem:$0x3F9C]  }
0x30: {  	s3 =	sld [smem:$0x3F9F]  }
0x31: {  	[smem:$0x3FA8] =	sst s10  }
0x32: {  	s10 =	sld [smem:$0x3FA6];
	_ =	sdelay $0x3  }
0x33: {  	p0 =	seq.s32 s10, $0x1;
	s10 =	sld [smem:$0x3FA8];
	_ =	sdelay $0x3  }
0x34: {  	[smem:$0x3FA8] =	sst s10  }
0x35: {  	s10 =	sld [smem:$0x3FA7];
	_ =	sdelay $0x3  }
0x36: {  	p1 =	seq.s32 s10, $0x1;
	s10 =	sld [smem:$0x3FA8];
	_ =	sdelay $0x3  }
0x37: {  	[smem:$0x3FA8] =	sst s10  }
0x38: {  	s10 =	sld [smem:$0x3FA9]  }
0x39: {  	_ = 	snop;
	(pc) =	sbr.ind lr, $3  }
0x3a: {  	_ = 	snop  }
0x3b: {  	_ = 	snop  }
0x3c: {  	p2 =	seq.s32 s10, $0x1;
	s10 =	sld [smem:$0x3FA8]  }
0x3d: {  	_ =	shalt  }
0x3e: {  	_ =	shalt  }
0x3f: {  	_ =	shalt  }
0x40: {  	_ =	shalt  }
0x41: {  	_ =	shalt  }
0x42: {  	_ =	shalt  }
0x43: {  	_ =	shalt  }
0x44: {  	_ =	shalt  }
0x45: {  	_ =	shalt  }
0x46: {  	_ =	shalt  }
0x47: {  	_ =	shalt  }
0x48: {  	_ =	shalt  }
0x49: {  	_ =	shalt  }
0x4a: {  	_ =	shalt  }
0x4b: {  	_ =	shalt  }
0x4c: {  	_ =	shalt  }
0x4d: {  	_ =	shalt  }
0x4e: {  	_ =	shalt  }
0x4f: {  	_ =	shalt  }
0x50: {  	_ =	shalt  }
0x51: {  	_ =	shalt  }
0x52: {  	_ =	shalt  }
0x53: {  	_ =	shalt  }
0x54: {  	_ =	shalt  }
0x55: {  	_ =	shalt  }
0x56: {  	_ =	shalt  }
0x57: {  	_ =	shalt  }
0x58: {  	_ =	shalt  }
0x59: {  	_ =	shalt  }
0x5a: {  	_ =	shalt  }
0x5b: {  	_ =	shalt  }
0x5c: {  	_ =	shalt  }
0x5d: {  	_ =	shalt  }
0x5e: {  	_ =	shalt  }
0x5f: {  	_ =	shalt  }
0x60: {  	_ =	shalt  }
0x61: {  	_ =	shalt  }
0x62: {  	_ =	shalt  }
0x63: {  	_ =	shalt  }
0x64: {  	_ =	shalt  }
0x65: {  	_ =	shalt  }
0x66: {  	_ =	shalt  }
0x67: {  	_ =	shalt  }
0x68: {  	_ =	shalt  }
0x69: {  	_ =	shalt  }
0x6a: {  	_ =	shalt  }
0x6b: {  	_ =	shalt  }
0x6c: {  	_ =	shalt  }
0x6d: {  	_ =	shalt  }
0x6e: {  	_ =	shalt  }
0x6f: {  	_ =	shalt  }
0x70: {  	_ =	shalt  }
0x71: {  	_ =	shalt  }
0x72: {  	_ =	shalt  }
0x73: {  	_ =	shalt  }
0x74: {  	_ =	shalt  }
0x75: {  	_ =	shalt  }
0x76: {  	_ =	shalt  }
0x77: {  	_ =	shalt  }
0x78: {  	_ =	shalt  }
0x79: {  	_ =	shalt  }
0x7a: {  	_ =	shalt  }
0x7b: {  	_ =	shalt  }
0x7c: {  	_ =	shalt  }
0x7d: {  	_ =	shalt  }
0x7e: {  	_ =	shalt  }
0x7f: {  	_ =	shalt  }
0x80: {  	_ =	shalt  }
0x81: {  	_ =	shalt  }
0x82: {  	_ =	shalt  }
0x83: {  	_ =	shalt  }
0x84: {  	_ =	shalt  }
0x85: {  	_ =	shalt  }
0x86: {  	_ =	shalt  }
0x87: {  	_ =	shalt  }
.Lfunc_end0:
.L_simem_size_0:
called_computation.6_lowered:
.L_overlay_start_0:
0x88: {  	s2 =	sld [smem:$0x3FD9]  }
0x89: {  	s3 =	sld [smem:$0x3FFE];
	_ =	sdelay $0x1  }
0x8a: {  	s1 =	srdreg.scid  }
0x8b: {  	s0 =	sand.u32 $0x1, s1  }
0x8c: {  	s16 =	sshll.u32 s0, $0xA;
	s2 =	sadd.s32 s3, s2  }
0x8d: {  	s2 =	sadd.s32 s2, s16  }
0x8e: {  	[smem:$0x3FB4] =	sst s2  }
0x8f: {  	_ = 	snop  }
0x90: {  	(tm) =	ssettm $0x1  }
0x91: {  	s17 =	sld [smem:$0x3FFB];
	_ =	sdelay $0x3  }
0x92: {  	_ =	strace s17  }
0x93: {  	s2 =	sld [smem:$0x3FFC];
	_ =	sdelay $0x3  }
0x94: {  	_ =	strace s2  }
0x95: {  	s2 =	sld [smem:$0x3FFD];
	_ =	sdelay $0x3  }
0x96: {  	_ =	strace s2  }
0x97: {  	_ =	strace $0x8FFFFFFF  }
0x98: {  	s18 =	sld [smem:$0x3FDB];
	_ =	sdelay $0x1  }
0x99: {  	s19 =	simm.s32 $_scs_section_size  }
0x9a: {  	s4 =	simm.s32 $_size__tile_overlayer_lowered;
	s5 =	simm.s32 $_tile_overlayer_lowered  }
0x9b: {  	s22 =	simm.s32 $0x1BFF;
	s21 =	sshll.u32 s5, $0x1;
	s2 =	sadd.s32 s19, s18  }
0x9c: {  	s6 =	simm.s32 $0x0;
	s20 =	sshll.u32 s4, $0x1;
	s4 =	sadd.s32 s21, s2  }
0x9d: {  	[timem:s6], [sflag:s22] =	dma.local [hbm:s4], s20  }
0x9e: {  	_ =	swait.ge [sflag:s22], s20  }
0x9f: {  	s3 =	ssub.s32 $0x0, s20;
	[sflag:s22] =	ssyncset.done $0x0  }
0xa0: {  	[sflag:s22] =	ssyncadd.s32 s3;
	_ =	sdelay $0x1  }
0xa1: {  	s23 =	simm.s32 $0x1B8B  }
0xa2: {  	_ =	swait.ge [sflag:s23], $0x1  }
0xa3: {  	[sflag:s23] =	ssyncset.done $0x0  }
0xa4: {  	s25 =	simm.s32 $0x1B8E;
	s24 =	sld [smem:$0x3FFE];
	[sflag:s23] =	ssyncadd.s32 $0xFFFFFFFF  }
0xa5: {  	s26 =	simm.s32 $execute0_lowered;
	[smem:$0x3FD2] =	sst s25  }
0xa6: {  	s4 =	sshll.u32 s26, $0x1;
	_ =	strace $0x80000046;
	[dreg:$0x1] =	wrdreg $0xFFFFFFFF  }
0xa7: {  	s28 =	simm.s32 $_size_execute0_lowered;
	s2 =	sadd.s32 s2, s4;
	[dreg:$0x0] =	wrdreg $0x0  }
0xa8: {  	s4 =	sshll.u32 s28, $0x1;
	[dreg:$0x2] =	wrdreg s2  }
0xa9: {  	[dreg:$0x3] =	wrdreg s4  }
0xaa: {  	[dreg:$0x4] =	wrdreg $0xC0  }
0xab: {  	_ =	task [dreg:s6], $0x5FFFF  }
0xac: {  	[dreg:$0x1] =	wrdreg $0xFFFFFFFF  }
0xad: {  	[dreg:$0x0] =	wrdreg $0x60  }
0xae: {  	[dreg:$0x2] =	wrdreg s24  }
0xaf: {  	[dreg:$0x3] =	wrdreg $0x9  }
0xb0: {  	_ =	task.clear_ibuf [dreg:s6], $0x4FFFF;
	_ =	strace $0x90000046  }
0xb1: {  	s29 =	simm.s32 $0x9;
	_ =	strace $0x80000048  }
0xb2: {  	_ =	swait.ge [sflag:s29], $0x1  }
0xb3: {  	[sflag:s29] =	ssyncadd.s32 $0xFFFFFFFF  }
0xb4: {  	_ =	strace $0x90000048  }
0xb5: {  	_ =	sfence  }
0xb6: {  	s30 =	sld [smem:$0x0];
	_ =	sdelay $0x2  }
0xb7: {  	s31 =	sshll.u32 s1, $0xD;
	s1 =	sshrl.u32 s1, $0x2  }
0xb8: {  	s3 =	sand.u32 $0x4000, s31;
	s1 =	sadd.s32 s1, s30  }
0xb9: {  	s0 =	sor.u32 s3, s0;
	s1 =	sshll.u32 s1, $0x11  }
0xba: {  	s0 =	sor.u32 s1, s0  }
0xbb: {  	s0 =	sadd.s32 $0x8F2B, s0  }
0xbc: {  	[sflag:s0] =	ssyncadd.remote.s32 $0x1  }
0xbd: {  	_ =	sfence.sel $0xFFFF  }
0xbe: {  	[dreg:$0x0] =	wrdreg $0xFFFFFFFF;
	(pc) =	sbr.abs _section_cstart, $3  }
0xbf: {  	[dreg:$0x1] =	wrdreg $0xFFFFFFFF  }
0xc0: {  	_ =	task.clear_ibuf [dreg:s6], $0x2FFFF;
	_ =	strace $0x9FFFFFFF  }
0xc1: {  	(tm) =	ssettm $0x7FFFFFFF  }
tec
execute0_lowered:
.L_overlay_start_1:
0x0: {  	(tag) =	ssettag $0x1  }
0x1: {  	s4 =	rddreg [dreg:$0x0]  }
0x2: {  	s0 =	rddreg [dreg:$0x1];
	s2 =	simm.s32 $0x0;
	s3 =	srdreg.scid  }
0x3: {  	s1 =	stileid.u32;
	s11 =	simm.s32 $0x0;
	[smem:$0x7FF] =	sst s2  }
0x4: {  	s5 =	sand.u32 $0x1, s3;
	s6 =	sshll.u32 s1, $0x8;
	s3 =	sadd.s32 $0x61E00, s4  }
0x5: {  	s8 =	sshll.u32 s1, $0xC;
	p0 =	slt.u32 s1, $0x4;
	_ =	strace $0x80000047  }
0x6: {  	s7 =	sshll.u32 s5, $0x7;
	s29 =	ssub.s32 $0x2, s5;
	s30 =	sadd.s32 s8, s4  }
0x7: {  	s31 =	sshll.u32 s5, $0xB;
	s6 =	sor.u32 s7, s6;
	s9 =	sshrl.u32 s29, $0x1  }
0x8: {  	s8 =	simm.s32 $0x2;
	s6 =	sshrl.u32 s6, $0x3;
	s7 =	ssub.s32 s29, s9  }
0x9: {  	s9 =	simm.s32 $0x80;
	s10 =	sadd.s32 s6, s4;
	s4 =	simm.s32 $0x9D  }
0xa: {  	s5 =	smax.u32 s7, $0x1;
	s6 =	sadd.s32 s31, s30;
	s4 =	simm.s32 @!p0 $0x9C  }
0xb: {  	s6 =	sadd.s32 $0x89000, s6;
	s7 =	sadd.s32 $0x4E400, s10;
	s10 =	simm.s32 $0x1  }
.LBB2_1:
0xc: {  	[tilespmem:s2], [sflag:$0x2] =	stream.linear.gather [hbm4b:s7+s2], $0x80, $0x38;
	[tilespmem:$0x4080] =	vst v63  }
0xd: {  	_ =	swait.ge [sflag:s8], $0x80  }
0xe: {  	[sflag:s8] =	ssyncset.done $0x0  }
0xf: {  	[sflag:s8] =	ssyncadd.s32 $0xFFFFFF80  }
0x10: {  	[tilespmem:s9], [sflag:$0x1] =	stream.indirect.gather [hbm4b:s3+s9], $0x80, s2, s9, $0xb8;
	[tilespmem:$0x4080] =	vst v63  }
0x11: {  	p0 =	sne.s32 s4, $0x1;
	_ =	swait.ge [sflag:s10], $0x4000  }
.Ltmp0:
0x12: {  	[sflag:s10] =	ssyncset.done $0x0;
	(pc) =	sbr.rel @!p0 .LBB2_3-.Ltmp0, $4  }
0x13: {  	[sflag:s10] =	ssyncadd.s32 $0xFFFFC000  }
0x14: {  	[hbm4b:s6+s2] =	stream.linear.scatter [tilespmem:s9], [sflag:$0x2], $0x4000, $0x38;
	[tilespmem:$0x4080] =	vst v63  }
0x15: {  	s12 =	sadd.s32 $0xFFFFFFFF, s4;
	_ =	swait.ge [sflag:s8], $0x4000  }
0x16: {  	s13 =	smov.u32 s6;
	s14 =	smov.u32 s7;
	[sflag:s8] =	ssyncset.done $0x0  }
.LBB2_2:
0x17: {  	[sflag:s8] =	ssyncadd.s32 $0xFFFFC000;
	s13 =	sadd.s32 $0x10000, s13;
	s14 =	sadd.s32 $0x200, s14  }
0x18: {  	[tilespmem:s2], [sflag:$0x2] =	stream.linear.gather [hbm4b:s14+s2], $0x80, $0x38;
	[tilespmem:$0x4080] =	vst v63  }
0x19: {  	p0 =	sne.s32 s12, $0x1;
	s12 =	sadd.s32 $0xFFFFFFFF, s12;
	_ =	swait.ge [sflag:s8], $0x80  }
0x1a: {  	[sflag:s8] =	ssyncset.done $0x0  }
0x1b: {  	[sflag:s8] =	ssyncadd.s32 $0xFFFFFF80  }
0x1c: {  	[tilespmem:s9], [sflag:$0x1] =	stream.indirect.gather [hbm4b:s3+s9], $0x80, s2, s9, $0xb8;
	[tilespmem:$0x4080] =	vst v63  }
0x1d: {  	_ =	swait.ge [sflag:s10], $0x4000  }
.Ltmp1:
0x1e: {  	[sflag:s10] =	ssyncset.done $0x0;
	(pc) =	sbr.rel @p0 .LBB2_2-.Ltmp1, $4  }
0x1f: {  	[sflag:s10] =	ssyncadd.s32 $0xFFFFC000  }
0x20: {  	[hbm4b:s13+s2] =	stream.linear.scatter [tilespmem:s9], [sflag:$0x2], $0x4000, $0x38;
	[tilespmem:$0x4080] =	vst v63  }
0x21: {  	_ =	swait.ge [sflag:s8], $0x4000  }
0x22: {  	[sflag:s8] =	ssyncset.done $0x0  }
.LBB2_3:
0x23: {  	s11 =	sadd.s32 $0x1, s11  }
0x24: {  	p0 =	sne.s32 s11, s5  }
.Ltmp2:
0x25: {  	_ = 	snop;
	(pc) =	sbr.rel @p0 .LBB2_1-.Ltmp2, $2  }
0x26: {  	_ =	sdelay $0x2  }
0x27: {  	[sflag:s8] =	ssyncadd.s32 $0xFFFFC000  }
0x28: {  	_ =	sfence.sel $0x180000  }
0x29: {  	[bflag:$0x0] =	sbarrier.arrive $0xFFFF  }
0x2a: {  	p0 =	sne.s32 s1, $0x0;
	_ =	strace $0x90000047  }
0x2b: {  	s0 =	sadd.s32 @!p0 $0x100000, s0;
	[bflag:$0x2] =	sbarrier.arrive $0xFFFF  }
0x2c: {  	[sflag:s0] =	ssyncadd.tile.s32 @!p0 $0x1;
	_ =	shalt  }
.Lfunc_end2:
_tile_overlayer_lowered:
.L_overlay_start_2:
0x2d: {  	(tag) =	ssettag $0x2  }
0x2e: {  	s0 =	rddreg [dreg:$0x0];
	s2 =	stileid.u32  }
0x2f: {  	s1 =	rddreg [dreg:$0x1];
	p0 =	sne.s32 s2, $0x0  }
0x30: {  	s3 =	rddreg [dreg:$0x2];
	[bflag:$0x3] =	sbarrier.arrive $0xFFFF;
	s2 =	simm.s32 @!p0 $0x1C02  }
0x31: {  	[timem:s3], [sflag:s2] =	dma.local @!p0 [hbm:s0], s1  }
0x32: {  	s0 =	simm.s32 @!p0 $0x2  }
0x33: {  	_ =	swait.ge @!p0 [sflag:s0], s1  }
0x34: {  	s1 =	ssub.s32 @!p0 $0x0, s1;
	[sflag:s0] =	ssyncset.done @!p0 $0x0  }
0x35: {  	[sflag:s0] =	ssyncadd.s32 @!p0 s1  }
0x36: {  	[bflag:$0x3] =	sbarrier.arrive $0xFFFF  }
0x37: {  	_ =	shalt  }

// kernel: sparse-core-data-format-call.1.cloned.1.call-start
scs
called_computation.1_lowered:
.L_overlay_start_0:
0x0: {  	s1 =	sld [smem:$0x3FD9]  }
0x1: {  	s2 =	sld [smem:$0x3FFE];
	_ =	sdelay $0x1  }
0x2: {  	s3 =	srdreg.scid  }
0x3: {  	s0 =	sand.u32 $0x1, s3  }
0x4: {  	s17 =	sshll.u32 s0, $0xA;
	s1 =	sadd.s32 s2, s1  }
0x5: {  	s1 =	sadd.s32 s1, s17  }
0x6: {  	[smem:$0x3FB4] =	sst s1  }
0x7: {  	_ = 	snop  }
0x8: {  	(tm) =	ssettm $0x1  }
0x9: {  	s18 =	sld [smem:$0x3FFB];
	_ =	sdelay $0x3  }
0xa: {  	_ =	strace s18  }
0xb: {  	s1 =	sld [smem:$0x3FFC];
	_ =	sdelay $0x3  }
0xc: {  	_ =	strace s1  }
0xd: {  	s1 =	sld [smem:$0x3FFD];
	_ =	sdelay $0x3  }
0xe: {  	_ =	strace s1  }
0xf: {  	_ =	strace $0x8FFFFFFF  }
0x10: {  	s19 =	sld [smem:$0x3FDB];
	_ =	sdelay $0x1  }
0x11: {  	s20 =	simm.s32 $_scs_section_size  }
0x12: {  	s4 =	simm.s32 $_size__tile_overlayer_lowered;
	s5 =	simm.s32 $_tile_overlayer_lowered  }
0x13: {  	s23 =	simm.s32 $0x1BFF;
	s22 =	sshll.u32 s5, $0x1;
	s1 =	sadd.s32 s20, s19  }
0x14: {  	s6 =	simm.s32 $0x0;
	s21 =	sshll.u32 s4, $0x1;
	s4 =	sadd.s32 s22, s1  }
0x15: {  	[timem:s6], [sflag:s23] =	dma.local [hbm:s4], s21  }
0x16: {  	_ =	swait.ge [sflag:s23], s21  }
0x17: {  	s2 =	ssub.s32 $0x0, s21;
	[sflag:s23] =	ssyncset.done $0x0  }
0x18: {  	[sflag:s23] =	ssyncadd.s32 s2;
	_ =	sdelay $0x1  }
0x19: {  	s24 =	simm.s32 $0x1B8B  }
0x1a: {  	_ =	swait.ge [sflag:s24], $0x1  }
0x1b: {  	[sflag:s24] =	ssyncset.done $0x0  }
0x1c: {  	s26 =	simm.s32 $0x1B8E;
	s25 =	sld [smem:$0x3FFE];
	[sflag:s24] =	ssyncadd.s32 $0xFFFFFFFF  }
0x1d: {  	s27 =	simm.s32 $execute0_lowered;
	[smem:$0x3FD2] =	sst s26  }
0x1e: {  	s4 =	sshll.u32 s27, $0x1;
	_ =	strace $0x80000049;
	[dreg:$0x1] =	wrdreg $0xFFFFFFFF  }
0x1f: {  	s28 =	simm.s32 $_size_execute0_lowered;
	s1 =	sadd.s32 s1, s4;
	[dreg:$0x0] =	wrdreg $0x0  }
0x20: {  	s4 =	sshll.u32 s28, $0x1;
	[dreg:$0x2] =	wrdreg s1  }
0x21: {  	[dreg:$0x3] =	wrdreg s4  }
0x22: {  	[dreg:$0x4] =	wrdreg $0xC0  }
0x23: {  	_ =	task [dreg:s6], $0x5FFFF  }
0x24: {  	[dreg:$0x1] =	wrdreg $0xFFFFFFFF  }
0x25: {  	[dreg:$0x0] =	wrdreg $0x60  }
0x26: {  	[dreg:$0x2] =	wrdreg s25  }
0x27: {  	[dreg:$0x3] =	wrdreg $0x9  }
0x28: {  	_ =	task.clear_ibuf [dreg:s6], $0x4FFFF;
	_ =	strace $0x90000049  }
0x29: {  	s29 =	simm.s32 $0x9;
	_ =	strace $0x8000004B  }
0x2a: {  	_ =	swait.ge [sflag:s29], $0x1  }
0x2b: {  	[sflag:s29] =	ssyncadd.s32 $0xFFFFFFFF  }
0x2c: {  	_ =	strace $0x9000004B  }
0x2d: {  	_ =	sfence  }
0x2e: {  	s30 =	sld [smem:$0x0];
	_ =	sdelay $0x2  }
0x2f: {  	s31 =	sshll.u32 s3, $0xD;
	s3 =	sshrl.u32 s3, $0x2  }
0x30: {  	s2 =	sand.u32 $0x4000, s31;
	s1 =	sadd.s32 s3, s30  }
0x31: {  	s0 =	sor.u32 s2, s0;
	s1 =	sshll.u32 s1, $0x11  }
0x32: {  	s0 =	sor.u32 s1, s0  }
0x33: {  	s0 =	sadd.s32 $0x8F2B, s0  }
0x34: {  	[sflag:s0] =	ssyncadd.remote.s32 $0x1  }
0x35: {  	_ =	sfence.sel $0xFFFF  }
0x36: {  	[dreg:$0x0] =	wrdreg $0xFFFFFFFF;
	(pc) =	sbr.abs _section_cstart, $3  }
0x37: {  	[dreg:$0x1] =	wrdreg $0xFFFFFFFF  }
0x38: {  	_ =	task.clear_ibuf [dreg:s6], $0x2FFFF;
	_ =	strace $0x9FFFFFFF  }
0x39: {  	(tm) =	ssettm $0x7FFFFFFF  }
tec
execute0_lowered:
.L_overlay_start_1:
0x0: {  	(tag) =	ssettag $0x1  }
0x1: {  	s0 =	srdreg.scid  }
0x2: {  	s0 =	sshll.u32 s0, $0x4  }
0x3: {  	s1 =	stileid.u32;
	s0 =	sand.u32 $0x10, s0  }
0x4: {  	s0 =	sor.u32 s1, s0  }
0x5: {  	s29 =	rddreg [dreg:$0x0];
	s10 =	sshll.u32 s0, $0x7  }
0x6: {  	_ =	strace $0x8000004A;
	s2 =	simm.s32 $0x1;
	s0 =	ssub.s32 $0x2700, s10  }
0x7: {  	s30 =	simm.s32 $0x2;
	s15 =	simm.s32 $0x0;
	s0 =	sshrl.u32 s0, $0xC  }
0x8: {  	s14 =	simm.s32 $0x0;
	s3 =	sadd.s32 $0x51000, s29;
	s0 =	smul.u32 $0x28, s0  }
.Ltmp0:
0x9: {  	[dreg:$0x3] =	wrdreg s3;
	s1 =	sadd.s32 $0x658000, s29;
	(pc) =	sbr.rel .LBB1_1-.Ltmp0, $4  }
0xa: {  	s9 =	simm.s32 $0x0;
	s11 =	simm.s32 $0x0;
	[dreg:$0x4] =	wrdreg s1  }
0xb: {  	s12 =	simm.s32 $0x0;
	[dreg:$0x2] =	wrdreg s10;
	s31 =	sadd.s32 $0x28, s0  }
0xc: {  	[sflag:s2] =	ssyncpa.u1 $0x0;
	s8 =	sadd.s32 $0x29, s0;
	[dreg:$0x5] =	wrdreg s31  }
0xd: {  	s13 =	simm.s32 $0x0;
	[sflag:s30] =	ssyncpa.u1 $0x0;
	[dreg:$0x6] =	wrdreg s8  }
.LBB1_12:
0xe: {  	s9 =	rddreg [dreg:$0x7]  }
0xf: {  	s1 =	sshll.u32 s11, $0x3;
	s3 =	sand.u32 $0x7F, s11;
	s5 =	rddreg [dreg:$0xb]  }
0x10: {  	p1 =	sgt.s32 s11, $0x1380;
	s4 =	smov.u32 s11;
	s26 =	rddreg [dreg:$0xa]  }
0x11: {  	s30 =	rddreg [dreg:$0x4];
	s31 =	simm.s32 $0xA000;
	s0 =	sshrl.u32 s9, $0x3  }
0x12: {  	s8 =	rddreg [dreg:$0x6];
	s2 =	sshll.u32 s9, $0x7;
	s0 =	smul.u32 $0xA000, s0  }
0x13: {  	s1 =	sand.u32 $0xFFFFFC00, s1;
	p0 =	sgt.s32 s9, $0x2690;
	s2 =	sand.u32 $0x380, s2  }
0x14: {  	s4 =	simm.s32 @!p1 $0x1380;
	s24 =	sor.u32 s3, s2;
	s0 =	sadd.s32 s1, s0  }
0x15: {  	s4 =	sadd.s32 s26, s4;
	s1 =	sor.u32 s0, s24;
	s0 =	smulhi.u32 $0xCCCCCCCD, s0  }
0x16: {  	s3 =	smov.u32 s9;
	s7 =	sadd.s32 $0xFFFFEC80, s4;
	s25 =	smulhi.u32 $0xCCCCCCCD, s1  }
0x17: {  	s4 =	ssub.s32 $0x1400, s4;
	s3 =	simm.s32 @!p0 $0x2690;
	s0 =	sshrl.u32 s0, $0xC  }
0x18: {  	s3 =	sadd.s32 s5, s3;
	s2 =	sshrl.u32 s25, $0xC;
	s27 =	smulhi.u32 $0x68DB9, s0  }
0x19: {  	p1 =	sgt.s32 s7, $0x7F;
	s6 =	sadd.s32 $0xFFFFD970, s3;
	s2 =	smul.u32 $0x1400, s2  }
0x1a: {  	s3 =	ssub.s32 $0x2710, s3;
	p0 =	sgt.s32 s6, $0x7F;
	s5 =	smul.u32 $0x2710, s27  }
0x1b: {  	s14 =	rddreg [dreg:$0x8];
	s4 =	simm.s32 @p1 $0x0;
	s3 =	simm.s32 @p0 $0x0  }
0x1c: {  	s28 =	smul.u32 s4, s3;
	s1 =	ssub.s32 s1, s2;
	s0 =	ssub.s32 s0, s5  }
0x1d: {  	s29 =	sshrl.u32 s1, $0x3;
	s1 =	sand.u32 $0x7, s1;
	s0 =	smul.u32 $0x280, s0  }
0x1e: {  	s15 =	rddreg [dreg:$0x9];
	s3 =	sadd.s32 s30, s29;
	s1 =	sshll.u32 s1, $0x12  }
0x1f: {  	s2 =	sand.u32 $0x3FFFFFFF, s28;
	s1 =	sor.u32 $0x400, s1;
	s0 =	sadd.s32 s0, s3  }
0x20: {  	[hbm4b:s0+s1] =	stream.strided.scatter [tilespmem:s18], [sflag:$0x2], s2, s31, s1, $0x20;
	[tilespmem:$0x10100] =	vst v63  }
.LBB1_13:
0x21: {  	p0 =	slt.u32 s13, $0x2  }
0x22: {  	s1 =	smov.u32 s15;
	s2 =	smov.u32 s14;
	p1 =	sgt.s32 @!p0 s15, $0x2690  }
0x23: {  	s0 =	sshra.s32 @!p0 s15, $0x1F;
	p2 =	sgt.s32 @!p0 s14, $0x1380;
	s3 =	sshra.s32 @!p0 s14, $0x1F  }
0x24: {  	p1 =	por !p1, p0;
	s0 =	sand.u32 @!p0 s0, s15;
	p2 =	por !p2, p0  }
0x25: {  	s3 =	sand.u32 @!p0 s3, s14;
	s1 =	simm.s32 @p1 $0x2690;
	s2 =	simm.s32 @p2 $0x1380  }
0x26: {  	s0 =	ssub.s32 @!p0 s1, s0;
	s1 =	ssub.s32 @!p0 s2, s3  }
0x27: {  	s2 =	sadd.s32 @!p0 $0xFFFFD970, s0;
	s3 =	sadd.s32 @!p0 $0xFFFFEC80, s1  }
0x28: {  	s0 =	ssub.s32 @!p0 $0x2710, s0;
	p1 =	sgt.s32 @!p0 s2, $0x7F;
	p2 =	sgt.s32 @!p0 s3, $0x7F  }
0x29: {  	s1 =	ssub.s32 @!p0 $0x1400, s1;
	p1 =	por !p1, p0;
	p2 =	por !p2, p0  }
0x2a: {  	s0 =	simm.s32 @!p1 $0x0;
	s1 =	simm.s32 @!p2 $0x0  }
0x2b: {  	s0 =	smul.u32 @!p0 s1, s0  }
0x2c: {  	s4 =	smov.u32 s12  }
0x2d: {  	s2 =	simm.s32 @!p0 $0x2;
	s1 =	sadd.s32 $0x1000, s10;
	s0 =	sand.u32 @!p0 $0x3FFFFFFF, s0  }
0x2e: {  	s3 =	sadd.s32 $0x80, s12;
	p1 =	sgt.s32 s1, $0x270F;
	_ =	swait.ge @!p0 [sflag:s2], s0  }
0x2f: {  	s4 =	smov.u32 @p1 s3;
	s3 =	rddreg [dreg:$0x2]  }
0x30: {  	s1 =	smov.u32 @p1 s3;
	p1 =	sgt.s32 s4, $0x1387  }
0x31: {  	s4 =	simm.s32 @p1 $0x0;
	p1 =	sne.s32 s13, s8  }
.Ltmp1:
0x32: {  	_ = 	snop;
	(pc) =	sbr.rel @!p1 .LBB1_14-.Ltmp1, $4  }
0x33: {  	s15 =	smov.u32 s9  }
0x34: {  	s14 =	smov.u32 s11;
	s0 =	ssub.s32 @!p0 $0x0, s0;
	[sflag:s2] =	ssyncset.done @!p0 $0x0  }
0x35: {  	s9 =	smov.u32 s10;
	s11 =	smov.u32 s12;
	[sflag:s2] =	ssyncadd.s32 @!p0 s0  }
0x36: {  	s13 =	sadd.s32 $0x1, s13;
	s10 =	smov.u32 s1;
	s12 =	smov.u32 s4  }
.LBB1_1:
0x37: {  	s0 =	rddreg [dreg:$0x5]  }
0x38: {  	s3 =	smov.u32 s12;
	s5 =	smov.u32 s10;
	p0 =	sge.u32 s13, s0  }
0x39: {  	s0 =	sshrl.u32 @!p0 s12, $0x3;
	s1 =	sshll.u32 @!p0 s10, $0x3;
	s2 =	sshll.u32 @!p0 s12, $0x7  }
0x3a: {  	p1 =	sgt.s32 @!p0 s12, $0x1308;
	s4 =	sshra.s32 @!p0 s12, $0x1F;
	s6 =	sshra.s32 @!p0 s10, $0x1F  }
0x3b: {  	s0 =	smul.u32 @!p0 $0x13C00, s0;
	s1 =	sand.u32 @!p0 $0xFFFFFC00, s1;
	p1 =	por !p1, p0  }
0x3c: {  	s4 =	sand.u32 @!p0 s4, s12;
	s6 =	sand.u32 @!p0 s6, s10;
	s3 =	simm.s32 @p1 $0x1308  }
0x3d: {  	p1 =	sgt.s32 @!p0 s10, $0x2700;
	s0 =	sadd.s32 @!p0 s0, s1;
	s1 =	sand.u32 @!p0 $0x380, s2  }
0x3e: {  	s2 =	sand.u32 @!p0 $0x7F, s10;
	p1 =	por !p1, p0;
	s0 =	sor.u32 @!p0 s1, s0  }
0x3f: {  	s3 =	ssub.s32 @!p0 s3, s4;
	s5 =	simm.s32 @p1 $0x2700;
	s1 =	sor.u32 @!p0 s2, s0  }
0x40: {  	s0 =	smulhi.u32 @!p0 $0xCF6474A9, s0;
	s4 =	ssub.s32 @!p0 s5, s6;
	s6 =	sadd.s32 @!p0 $0xFFFFECF8, s3  }
0x41: {  	s3 =	ssub.s32 @!p0 $0x1388, s3;
	s2 =	smulhi.u32 @!p0 $0xCF6474A9, s1;
	s7 =	sadd.s32 @!p0 $0xFFFFD900, s4  }
0x42: {  	p1 =	sgt.s32 @!p0 s6, $0x7F;
	s4 =	ssub.s32 @!p0 $0x2780, s4;
	s0 =	sshrl.u32 @!p0 s0, $0xD  }
0x43: {  	p2 =	sgt.s32 @!p0 s7, $0x7F;
	s2 =	sshrl.u32 @!p0 s2, $0xD;
	s5 =	smulhi.u32 @!p0 $0xD1B72, s0  }
0x44: {  	p1 =	por !p1, p0;
	p2 =	por !p2, p0;
	s2 =	smul.u32 @!p0 $0x2780, s2  }
0x45: {  	s3 =	simm.s32 @!p1 $0x0;
	s4 =	simm.s32 @!p2 $0x0  }
0x46: {  	s5 =	smul.u32 @!p0 $0x1388, s5;
	s1 =	ssub.s32 @!p0 s1, s2;
	s2 =	sxor.u32 @!p0 $0xFFFFFFFF, s13  }
0x47: {  	s3 =	smul.u32 @!p0 s3, s4;
	s2 =	sshll.u32 @!p0 s2, $0xE  }
0x48: {  	s0 =	ssub.s32 @!p0 s0, s5;
	s4 =	sshrl.u32 @!p0 s1, $0x3;
	s1 =	sand.u32 @!p0 $0x7, s1  }
0x49: {  	s3 =	sand.u32 @!p0 $0x3FFFFFFF, s3;
	s5 =	rddreg [dreg:$0x3];
	s0 =	smul.u32 @!p0 $0x4F0, s0  }
0x4a: {  	s2 =	sand.u32 @!p0 $0x4000, s2;
	s4 =	sadd.s32 @!p0 s5, s4;
	s1 =	sshll.u32 @!p0 s1, $0x12  }
0x4b: {  	s1 =	sor.u32 @!p0 $0x400, s1;
	s0 =	sadd.s32 @!p0 s0, s4;
	s4 =	simm.s32 @!p0 $0x13C00  }
0x4c: {  	[tilespmem:s2], [sflag:$0x1] =	stream.strided.gather @!p0 [hbm4b:s0+s1], s3, s4, s1, $0x38;
	[tilespmem:$0x10100] =	vst v63  }
0x4d: {  	p0 =	seq.s32 s13, $0x0  }
0x4e: {  	p1 =	sge.u32 @!p0 s13, s8  }
0x4f: {  	p0 =	por p0, p1  }
.Ltmp2:
0x50: {  	_ = 	snop;
	(pc) =	sbr.rel @p0 .LBB1_13-.Ltmp2, $1  }
0x51: {  	_ =	sdelay $0x3  }
0x52: {  	s0 =	ssub.s32 $0x0, s11;
	s1 =	sshra.s32 s11, $0x1F;
	p0 =	sgt.s32 s11, $0x1308  }
0x53: {  	s2 =	smov.u32 s11;
	s25 =	ssub.s32 $0x0, s9;
	s26 =	sshra.s32 s9, $0x1F  }
0x54: {  	s3 =	smov.u32 s9;
	s2 =	simm.s32 @!p0 $0x1308;
	p0 =	sgt.s32 s9, $0x2700  }
0x55: {  	s4 =	sand.u32 s0, s1;
	s1 =	sand.u32 s25, s26;
	s3 =	simm.s32 @!p0 $0x2700  }
0x56: {  	s2 =	sadd.s32 s4, s2;
	[dreg:$0xb] =	wrdreg s1;
	s1 =	sadd.s32 s1, s3  }
0x57: {  	s27 =	sadd.s32 $0xFFFFECF8, s2;
	s2 =	ssub.s32 $0x1388, s2;
	s28 =	sadd.s32 $0xFFFFD900, s1  }
0x58: {  	p0 =	sgt.s32 s27, $0x7F;
	s0 =	ssub.s32 $0x2780, s1;
	p1 =	sgt.s32 s28, $0x7F  }
0x59: {  	s2 =	simm.s32 @p0 $0x0;
	s0 =	simm.s32 @p1 $0x0  }
0x5a: {  	s29 =	smul.u32 s2, s0;
	s2 =	sadd.s32 $0x80, s11  }
0x5b: {  	p0 =	slt.s32 s2, $0x1388  }
0x5c: {  	s2 =	simm.s32 @!p0 $0x1388  }
0x5d: {  	[dreg:$0x9] =	wrdreg s15;
	s19 =	ssub.s32 s2, s11  }
0x5e: {  	[dreg:$0x8] =	wrdreg s14;
	p0 =	slt.s32 s19, $0x1  }
.Ltmp3:
0x5f: {  	[dreg:$0x7] =	wrdreg s9;
	s30 =	simm.s32 $0x1;
	(pc) =	sbr.rel @p0 .LBB1_12-.Ltmp3, $4  }
0x60: {  	[dreg:$0xa] =	wrdreg s4;
	s0 =	sand.u32 $0x1, s13;
	s1 =	sand.u32 $0x3FFFFFFF, s29  }
0x61: {  	s31 =	smul.u32 $0x4080, s0;
	_ =	swait.ge [sflag:s30], s1  }
0x62: {  	s1 =	ssub.s32 $0x0, s1;
	[sflag:s30] =	ssyncset.done $0x0  }
0x63: {  	s18 =	sor.u32 $0x8000, s31;
	[sflag:s30] =	ssyncadd.s32 s1  }
0x64: {  	s2 =	rddreg [dreg:$0x7]  }
0x65: {  	s1 =	sadd.s32 $0x80, s2  }
0x66: {  	p0 =	slt.s32 s1, $0x2710  }
.Ltmp4:
0x67: {  	s1 =	simm.s32 @!p0 $0x2710;
	(pc) =	sbr.rel .LBB1_4-.Ltmp4, $4  }
0x68: {  	s22 =	sshll.u32 s0, $0xE;
	s1 =	ssub.s32 s1, s2  }
0x69: {  	s24 =	simm.s32 $0x0;
	s25 =	simm.s32 $0x400;
	s1 =	sadd.s32 $0xF, s1  }
0x6a: {  	s20 =	sand.u32 $0xFFFFFFF0, s1;
	s21 =	sand.u32 $0xFFFFFF00, s1;
	s31 =	sshll.u32 s1, $0x3  }
0x6b: {  	p0 =	slt.s32 s1, $0x100;
	s23 =	sand.u32 $0xFFFFF800, s31;
	p1 =	sge.s32 s21, s20  }
.LBB1_11:
0x6c: {  	s24 =	sadd.s32 $0x1, s24  }
0x6d: {  	p2 =	sne.s32 s24, s19  }
.Ltmp5:
0x6e: {  	_ = 	snop;
	(pc) =	sbr.rel @!p2 .LBB1_12-.Ltmp5, $2  }
0x6f: {  	_ =	sdelay $0x2  }
0x70: {  	s25 =	sadd.s32 $0x80, s25  }
.LBB1_4:
.Ltmp6:
0x71: {  	(pc) =	sbr.rel @p0 .LBB1_8-.Ltmp6, $2  }
0x72: {  	_ =	sdelay $0x2  }
0x73: {  	s26 =	sshll.u32 s24, $0x7;
	s27 =	sand.u32 $0x7F, s24  }
0x74: {  	s0 =	sshll.u32 s24, $0x3  }
0x75: {  	s5 =	sand.u32 $0x380, s26;
	s2 =	sshrl.u32 s0, $0x7  }
0x76: {  	s3 =	sadd.s32 $0x800, s0;
	s6 =	sadd.s32 $0x1000, s0;
	s17 =	sadd.s32 s5, s22  }
0x77: {  	s16 =	sadd.s32 $0x1800, s0;
	s7 =	sadd.s32 $0x2800, s0;
	s14 =	sadd.s32 $0x3000, s0  }
0x78: {  	s0 =	sadd.s32 $0x3800, s0;
	s1 =	sand.u32 $0x78, s2;
	s3 =	sshrl.u32 s3, $0x7  }
0x79: {  	s15 =	sshrl.u32 s6, $0x7;
	s6 =	sshrl.u32 s16, $0x7;
	s8 =	sshrl.u32 s7, $0x7  }
0x7a: {  	s16 =	sshrl.u32 s0, $0x7;
	s4 =	smul.u32 $0x204, s1;
	s3 =	sand.u32 $0x78, s3  }
0x7b: {  	s7 =	sadd.s32 $0x20, s2;
	v0 =	vmov s17;
	s17 =	sand.u32 $0x3C00, s25;
	s3 =	smul.u32 $0x204, s3  }
0x7c: {  	s5 =	sand.u32 $0x78, s15;
	s1 =	sxor.u32 $0x40, s1;
	s15 =	sshrl.u32 s14, $0x7  }
0x7d: {  	s5 =	smul.u32 $0x204, s5;
	s4 =	sshrl.u32 s4, $0x2;
	s3 =	sshrl.u32 s3, $0x2  }
0x7e: {  	s1 =	smul.u32 $0x204, s1;
	s4 =	sadd.s32 s4, s18;
	s3 =	sadd.s32 s3, s18  }
0x7f: {  	s28 =	sadd.s32 s27, s4;
	s4 =	sand.u32 $0x78, s6;
	s6 =	sshrl.u32 s5, $0x2  }
0x80: {  	s29 =	sadd.s32 s27, s3;
	s3 =	smul.u32 $0x204, s4;
	s4 =	sadd.s32 s6, s18  }
0x81: {  	s14 =	sand.u32 $0x78, s7;
	s30 =	sadd.s32 s27, s4;
	s4 =	sand.u32 $0x78, s8  }
0x82: {  	s7 =	sadd.s32 $0x30, s2;
	s1 =	sshrl.u32 s1, $0x2;
	s4 =	smul.u32 $0x204, s4  }
0x83: {  	s9 =	sadd.s32 s1, s18;
	s5 =	sand.u32 $0x78, s16;
	s3 =	sshrl.u32 s3, $0x2  }
0x84: {  	s31 =	sadd.s32 s27, s9;
	s3 =	sadd.s32 s3, s18;
	s4 =	sshrl.u32 s4, $0x2  }
0x85: {  	s1 =	sadd.s32 s27, s3;
	s3 =	sand.u32 $0x78, s15;
	s4 =	sadd.s32 s4, s18  }
0x86: {  	s6 =	sadd.s32 $0x10, s2;
	s3 =	smul.u32 $0x204, s3;
	s0 =	sadd.s32 s27, s4  }
0x87: {  	s4 =	smul.u32 $0x204, s5;
	s5 =	sand.u32 $0x78, s6;
	s6 =	sand.u32 $0x78, s7  }
0x88: {  	s7 =	sadd.s32 $0x50, s2;
	s3 =	sshrl.u32 s3, $0x2;
	s5 =	smul.u32 $0x204, s5  }
0x89: {  	s6 =	smul.u32 $0x204, s6;
	s7 =	sand.u32 $0x78, s7;
	s3 =	sadd.s32 s3, s18  }
0x8a: {  	s9 =	sshrl.u32 s4, $0x2;
	s4 =	smul.u32 $0x204, s14;
	s14 =	sadd.s32 $0x60, s2  }
0x8b: {  	s7 =	smul.u32 $0x204, s7;
	s2 =	sadd.s32 $0x70, s2;
	s8 =	sadd.s32 s27, s3  }
0x8c: {  	s3 =	sadd.s32 s9, s18;
	s15 =	sshrl.u32 s5, $0x2;
	s14 =	sand.u32 $0x78, s14  }
0x8d: {  	s6 =	sshrl.u32 s6, $0x2;
	s2 =	sand.u32 $0x78, s2;
	s5 =	sadd.s32 s27, s3  }
0x8e: {  	v1 =	vld.idx.msk [tilespmem:v0+s17+$0x0 ss:$0x1], $0xffff;
	s16 =	sadd.s32 s15, s18;
	s4 =	sshrl.u32 s4, $0x2;
	s14 =	smul.u32 $0x204, s14  }
0x8f: {  	s2 =	smul.u32 $0x204, s2;
	s7 =	sshrl.u32 s7, $0x2;
	s4 =	sadd.s32 s4, s18  }
0x90: {  	s15 =	sadd.s32 s6, s18;
	s7 =	sadd.s32 s7, s18;
	s3 =	sadd.s32 s27, s4  }
0x91: {  	s4 =	sadd.s32 s27, s15;
	s14 =	sshrl.u32 s14, $0x2;
	s2 =	sshrl.u32 s2, $0x2  }
0x92: {  	s15 =	sadd.s32 $0xFFFFFC00, s25;
	s14 =	sadd.s32 s14, s18;
	s9 =	sadd.s32 s2, s18  }
0x93: {  	[tilespmem:s28+$0x0 ss:$0x81] =	vst.msk $0xffff, v1;
	v1 =	vld.idx.msk [tilespmem:v0+s17+$0x20 ss:$0x1], $0xffff;
	s2 =	sadd.s32 s27, s7;
	s7 =	sadd.s32 s27, s14;
	s14 =	sand.u32 $0x3C00, s15  }
0x94: {  	v2 =	vld.idx.msk [tilespmem:v0+s14+$0x70 ss:$0x1], $0xffff  }
0x95: {  	v3 =	vld.idx.msk [tilespmem:v0+s14+$0x0 ss:$0x1], $0xffff  }
0x96: {  	v4 =	vld.idx.msk [tilespmem:v0+s14+$0x10 ss:$0x1], $0xffff  }
0x97: {  	v5 =	vld.idx.msk [tilespmem:v0+s14+$0x20 ss:$0x1], $0xffff  }
0x98: {  	v6 =	vld.idx.msk [tilespmem:v0+s14+$0x30 ss:$0x1], $0xffff  }
0x99: {  	v7 =	vld.idx.msk [tilespmem:v0+s14+$0x40 ss:$0x1], $0xffff;
	[tilespmem:s5+$0x0 ss:$0x81] =	vst.msk $0xffff, v2  }
0x9a: {  	v8 =	vld.idx.msk [tilespmem:v0+s14+$0x50 ss:$0x1], $0xffff;
	[tilespmem:s28+$0x0 ss:$0x81] =	vst.msk $0xffff, v3  }
0x9b: {  	p2 =	sgt.s32 s21, $0x100;
	v9 =	vld.idx.msk [tilespmem:v0+s14+$0x60 ss:$0x1], $0xffff;
	[tilespmem:s29+$0x0 ss:$0x81] =	vst.msk $0xffff, v4  }
.Ltmp7:
0x9c: {  	v4 =	vld.idx.msk [tilespmem:v0+s17+$0x10 ss:$0x1], $0xffff;
	[tilespmem:s30+$0x0 ss:$0x81] =	vst.msk $0xffff, v5;
	(pc) =	sbr.rel @!p2 .LBB1_7-.Ltmp7, $4  }
0x9d: {  	[tilespmem:s1+$0x0 ss:$0x81] =	vst.msk $0xffff, v6;
	v2 =	vld.idx.msk [tilespmem:v0+s17+$0x30 ss:$0x1], $0xffff  }
0x9e: {  	[tilespmem:s31+$0x0 ss:$0x81] =	vst.msk $0xffff, v7;
	v3 =	vld.idx.msk [tilespmem:v0+s17+$0x40 ss:$0x1], $0xffff  }
0x9f: {  	s6 =	sadd.s32 s27, s16;
	[tilespmem:s0+$0x0 ss:$0x81] =	vst.msk $0xffff, v8;
	v5 =	vld.idx.msk [tilespmem:v0+s17+$0x50 ss:$0x1], $0xffff  }
0xa0: {  	s16 =	sadd.s32 s27, s9;
	s15 =	sadd.s32 $0x800, s25;
	s14 =	simm.s32 $0x100;
	[tilespmem:s8+$0x0 ss:$0x81] =	vst.msk $0xffff, v9;
	v6 =	vld.idx.msk [tilespmem:v0+s17+$0x60 ss:$0x1], $0xffff  }
.LBB1_6:
0xa1: {  	s9 =	sadd.s32 $0xFFFFFC00, s15;
	s14 =	sadd.s32 $0x100, s14;
	[tilespmem:s6+$0x0 ss:$0x81] =	vst.msk $0xffff, v4;
	v4 =	vld.idx.msk [tilespmem:v0+s17+$0x70 ss:$0x1], $0xffff;
	s17 =	sand.u32 $0x3C00, s15  }
0xa2: {  	s9 =	sand.u32 $0x3C00, s9;
	v7 =	vld.idx.msk [tilespmem:v0+s17+$0x0 ss:$0x1], $0xffff;
	p2 =	slt.s32 s14, s21;
	[tilespmem:s3+$0x0 ss:$0x81] =	vst.msk $0xffff, v1  }
0xa3: {  	v1 =	vld.idx.msk [tilespmem:v0+s9+$0x70 ss:$0x1], $0xffff;
	[tilespmem:s4+$0x0 ss:$0x81] =	vst.msk $0xffff, v2  }
0xa4: {  	v2 =	vld.idx.msk [tilespmem:v0+s9+$0x0 ss:$0x1], $0xffff;
	[tilespmem:s31+$0x0 ss:$0x81] =	vst.msk $0xffff, v3  }
0xa5: {  	v3 =	vld.idx.msk [tilespmem:v0+s9+$0x10 ss:$0x1], $0xffff;
	[tilespmem:s2+$0x0 ss:$0x81] =	vst.msk $0xffff, v5  }
0xa6: {  	v5 =	vld.idx.msk [tilespmem:v0+s9+$0x20 ss:$0x1], $0xffff;
	[tilespmem:s7+$0x0 ss:$0x81] =	vst.msk $0xffff, v6  }
0xa7: {  	v6 =	vld.idx.msk [tilespmem:v0+s9+$0x30 ss:$0x1], $0xffff;
	[tilespmem:s16+$0x0 ss:$0x81] =	vst.msk $0xffff, v4  }
0xa8: {  	v8 =	vld.idx.msk [tilespmem:v0+s9+$0x40 ss:$0x1], $0xffff;
	[tilespmem:s28+$0x0 ss:$0x81] =	vst.msk $0xffff, v7  }
0xa9: {  	v7 =	vld.idx.msk [tilespmem:v0+s9+$0x50 ss:$0x1], $0xffff;
	[tilespmem:s5+$0x0 ss:$0x81] =	vst.msk $0xffff, v1  }
0xaa: {  	[tilespmem:s28+$0x0 ss:$0x81] =	vst.msk $0xffff, v2;
	v9 =	vld.idx.msk [tilespmem:v0+s9+$0x60 ss:$0x1], $0xffff  }
0xab: {  	[tilespmem:s29+$0x0 ss:$0x81] =	vst.msk $0xffff, v3;
	v4 =	vld.idx.msk [tilespmem:v0+s17+$0x10 ss:$0x1], $0xffff  }
.Ltmp8:
0xac: {  	[tilespmem:s30+$0x0 ss:$0x81] =	vst.msk $0xffff, v5;
	v1 =	vld.idx.msk [tilespmem:v0+s17+$0x20 ss:$0x1], $0xffff;
	(pc) =	sbr.rel @p2 .LBB1_6-.Ltmp8, $4  }
0xad: {  	[tilespmem:s1+$0x0 ss:$0x81] =	vst.msk $0xffff, v6;
	v2 =	vld.idx.msk [tilespmem:v0+s17+$0x30 ss:$0x1], $0xffff  }
0xae: {  	[tilespmem:s31+$0x0 ss:$0x81] =	vst.msk $0xffff, v8;
	v3 =	vld.idx.msk [tilespmem:v0+s17+$0x40 ss:$0x1], $0xffff  }
0xaf: {  	[tilespmem:s0+$0x0 ss:$0x81] =	vst.msk $0xffff, v7;
	v5 =	vld.idx.msk [tilespmem:v0+s17+$0x50 ss:$0x1], $0xffff  }
0xb0: {  	s15 =	sadd.s32 $0x800, s15;
	[tilespmem:s8+$0x0 ss:$0x81] =	vst.msk $0xffff, v9;
	v6 =	vld.idx.msk [tilespmem:v0+s17+$0x60 ss:$0x1], $0xffff  }
.LBB1_7:
0xb1: {  	_ =	sdelay $0x2  }
0xb2: {  	[tilespmem:s6+$0x0 ss:$0x81] =	vst.msk $0xffff, v4  }
0xb3: {  	v0 =	vld.idx.msk [tilespmem:v0+s17+$0x70 ss:$0x1], $0xffff;
	[tilespmem:s3+$0x0 ss:$0x81] =	vst.msk $0xffff, v1  }
0xb4: {  	[tilespmem:s4+$0x0 ss:$0x81] =	vst.msk $0xffff, v2  }
0xb5: {  	[tilespmem:s31+$0x0 ss:$0x81] =	vst.msk $0xffff, v3  }
0xb6: {  	[tilespmem:s2+$0x0 ss:$0x81] =	vst.msk $0xffff, v5  }
0xb7: {  	[tilespmem:s7+$0x0 ss:$0x81] =	vst.msk $0xffff, v6  }
0xb8: {  	[tilespmem:s16+$0x0 ss:$0x81] =	vst.msk $0xffff, v0  }
.LBB1_8:
.Ltmp9:
0xb9: {  	(pc) =	sbr.rel @p1 .LBB1_11-.Ltmp9, $1  }
0xba: {  	_ =	sdelay $0x3  }
0xbb: {  	s1 =	sand.u32 $0x380, s26;
	s0 =	sshrl.u32 s24, $0x4;
	s2 =	sadd.s32 s27, s18  }
0xbc: {  	s3 =	smov.u32 s23;
	s4 =	smov.u32 s21;
	s1 =	sadd.s32 s1, s22  }
.LBB1_10:
0xbd: {  	s5 =	sand.u32 $0x3C00, s3  }
0xbe: {  	s5 =	sadd.s32 s26, s5  }
0xbf: {  	s5 =	sand.u32 $0x3C00, s5  }
0xc0: {  	s6 =	sand.u32 $0x70, s4;
	s30 =	sadd.s32 s4, s0;
	s5 =	sadd.s32 s5, s1  }
0xc1: {  	s4 =	sadd.s32 $0x10, s4;
	s31 =	sand.u32 $0x78, s30;
	s5 =	sadd.s32 s6, s5  }
0xc2: {  	p2 =	slt.s32 s4, s20;
	v0 =	vld [tilespmem:s5+$0x0];
	s5 =	smul.u32 $0x204, s31  }
.Ltmp10:
0xc3: {  	_ = 	snop;
	(pc) =	sbr.rel @p2 .LBB1_10-.Ltmp10, $4  }
0xc4: {  	_ = 	snop  }
0xc5: {  	s5 =	sshrl.u32 s5, $0x2  }
0xc6: {  	s5 =	sadd.s32 s5, s2  }
0xc7: {  	s3 =	sadd.s32 $0x80, s3;
	[tilespmem:s5+$0x0 ss:$0x81] =	vst.msk $0xffff, v0  }
.Ltmp11:
0xc8: {  	_ = 	snop;
	(pc) =	sbr.rel .LBB1_11-.Ltmp11, $1  }
0xc9: {  	_ =	sdelay $0x3  }
.LBB1_14:
0xca: {  	_ =	sfence.sel $0x180000  }
0xcb: {  	s0 =	simm.s32 $0x1;
	[bflag:$0x0] =	sbarrier.arrive $0xFFFF  }
0xcc: {  	s30 =	simm.s32 $0x2;
	[sflag:s0] =	ssyncpa.u1 $0x1  }
0xcd: {  	[sflag:s30] =	ssyncpa.u1 $0x1  }
0xce: {  	_ =	strace $0x9000004A  }
0xcf: {  	s31 =	stileid.u32;
	[bflag:$0x2] =	sbarrier.arrive $0xFFFF  }
0xd0: {  	p0 =	sne.s32 s31, $0x0;
	s0 =	rddreg [dreg:$0x1]  }
0xd1: {  	s0 =	sadd.s32 @!p0 $0x100000, s0  }
0xd2: {  	[sflag:s0] =	ssyncadd.tile.s32 @!p0 $0x1;
	_ =	shalt  }
.Lfunc_end1:
_tile_overlayer_lowered:
.L_overlay_start_2:
0xd3: {  	(tag) =	ssettag $0x2  }
0xd4: {  	s0 =	rddreg [dreg:$0x0];
	s2 =	stileid.u32  }
0xd5: {  	s1 =	rddreg [dreg:$0x1];
	p0 =	sne.s32 s2, $0x0  }
0xd6: {  	s3 =	rddreg [dreg:$0x2];
	[bflag:$0x3] =	sbarrier.arrive $0xFFFF;
	s2 =	simm.s32 @!p0 $0x1C01  }
0xd7: {  	[timem:s3], [sflag:s2] =	dma.local @!p0 [hbm:s0], s1  }
0xd8: {  	s0 =	simm.s32 @!p0 $0x1  }
0xd9: {  	_ =	swait.ge @!p0 [sflag:s0], s1  }
0xda: {  	s1 =	ssub.s32 @!p0 $0x0, s1;
	[sflag:s0] =	ssyncset.done @!p0 $0x0  }
0xdb: {  	[sflag:s0] =	ssyncadd.s32 @!p0 s1  }
0xdc: {  	[bflag:$0x3] =	sbarrier.arrive $0xFFFF  }
0xdd: {  	_ =	shalt  }

// kernel: sparse-core-data-format-call.cloned.1.call-start
scs
called_computation_lowered:
.L_overlay_start_0:
0x0: {  	s2 =	sld [smem:$0x3FD9]  }
0x1: {  	s3 =	sld [smem:$0x3FFE];
	_ =	sdelay $0x1  }
0x2: {  	s1 =	srdreg.scid  }
0x3: {  	s0 =	sand.u32 $0x1, s1  }
0x4: {  	s18 =	sshll.u32 s0, $0xA;
	s2 =	sadd.s32 s3, s2  }
0x5: {  	s2 =	sadd.s32 s2, s18  }
0x6: {  	[smem:$0x3FB4] =	sst s2  }
0x7: {  	_ = 	snop  }
0x8: {  	(tm) =	ssettm $0x1  }
0x9: {  	s19 =	sld [smem:$0x3FFB];
	_ =	sdelay $0x3  }
0xa: {  	_ =	strace s19  }
0xb: {  	s2 =	sld [smem:$0x3FFC];
	_ =	sdelay $0x3  }
0xc: {  	_ =	strace s2  }
0xd: {  	s2 =	sld [smem:$0x3FFD];
	_ =	sdelay $0x3  }
0xe: {  	_ =	strace s2  }
0xf: {  	_ =	strace $0x8FFFFFFF  }
0x10: {  	s20 =	sld [smem:$0x3FDB];
	_ =	sdelay $0x1  }
0x11: {  	s21 =	simm.s32 $_scs_section_size  }
0x12: {  	s4 =	simm.s32 $_size__tile_overlayer_lowered;
	s5 =	simm.s32 $_tile_overlayer_lowered  }
0x13: {  	s6 =	simm.s32 $0x1BFF;
	s22 =	sshll.u32 s5, $0x1;
	s3 =	sadd.s32 s21, s20  }
0x14: {  	s23 =	simm.s32 $0x0;
	s4 =	sshll.u32 s4, $0x1;
	s5 =	sadd.s32 s22, s3  }
0x15: {  	[timem:s23], [sflag:s6] =	dma.local [hbm:s5], s4  }
0x16: {  	_ =	swait.ge [sflag:s6], s4  }
0x17: {  	s4 =	ssub.s32 $0x0, s4;
	[sflag:s6] =	ssyncset.done $0x0  }
0x18: {  	[sflag:s6] =	ssyncadd.s32 s4;
	_ =	sdelay $0x1  }
0x19: {  	s24 =	simm.s32 $0x1B8B  }
0x1a: {  	_ =	swait.ge [sflag:s24], $0x1  }
0x1b: {  	[sflag:s24] =	ssyncset.done $0x0  }
0x1c: {  	[sflag:s24] =	ssyncadd.s32 $0xFFFFFFFF  }
0x1d: {  	s4 =	sld [smem:$0x0]  }
0x1e: {  	s5 =	sand.u32 $0xFFFFFFFE, s1  }
0x1f: {  	p0 =	sne.s32 s1, s5  }
0x20: {  	s5 =	sshll.u32 @p0 s5, $0xE  }
0x21: {  	s5 =	sadd.s32 @p0 $0x11B8D, s5;
	s6 =	sshll.u32 @p0 s4, $0x11  }
0x22: {  	s5 =	sor.u32 @p0 s6, s5  }
0x23: {  	[sflag:s5] =	ssyncadd.remote.s32 @p0 $0x1;
	_ =	sdelay $0x1  }
0x24: {  	s5 =	simm.s32 @p0 $0x1B8D  }
0x25: {  	_ =	swait.eq @p0 [sflag:s5], $0x1  }
0x26: {  	[sflag:s5] =	ssyncadd.s32 @p0 $0xFFFFFFFF  }
0x27: {  	s6 =	sshll.u32 @!p0 s1, $0xE  }
0x28: {  	s6 =	sor.u32 @!p0 $0x4000, s6;
	s5 =	simm.s32 @!p0 $0x1B8D  }
0x29: {  	s4 =	sshll.u32 @!p0 s4, $0x11;
	s6 =	sadd.s32 @!p0 $0x11B8D, s6;
	_ =	swait.eq @!p0 [sflag:s5], $0x1  }
0x2a: {  	s4 =	sor.u32 @!p0 s4, s6;
	[sflag:s5] =	ssyncadd.s32 @!p0 $0xFFFFFFFF  }
0x2b: {  	s26 =	simm.s32 $0x1B8E;
	s25 =	sld [smem:$0x3FFE];
	[sflag:s4] =	ssyncadd.remote.s32 @!p0 $0x1  }
0x2c: {  	s27 =	simm.s32 $execute0_lowered;
	[smem:$0x3FD2] =	sst s26  }
0x2d: {  	s5 =	sshll.u32 s27, $0x1;
	_ =	strace $0x80000052;
	[dreg:$0x1] =	wrdreg $0xFFFFFFFF  }
0x2e: {  	s28 =	simm.s32 $_size_execute0_lowered;
	s3 =	sadd.s32 s3, s5;
	[dreg:$0x0] =	wrdreg $0x0  }
0x2f: {  	s5 =	sshll.u32 s28, $0x1;
	[dreg:$0x2] =	wrdreg s3  }
0x30: {  	[dreg:$0x3] =	wrdreg s5  }
0x31: {  	[dreg:$0x4] =	wrdreg $0xC0  }
0x32: {  	_ =	task [dreg:s23], $0x5FFFF  }
0x33: {  	[dreg:$0x1] =	wrdreg $0xFFFFFFFF  }
0x34: {  	[dreg:$0x0] =	wrdreg $0x60  }
0x35: {  	[dreg:$0x2] =	wrdreg s25  }
0x36: {  	[dreg:$0x3] =	wrdreg $0x9  }
0x37: {  	_ =	task.clear_ibuf [dreg:s23], $0x4FFFF;
	_ =	strace $0x90000052  }
0x38: {  	s29 =	simm.s32 $0x9;
	_ =	strace $0x80000054  }
0x39: {  	_ =	swait.ge [sflag:s29], $0x1  }
0x3a: {  	[sflag:s29] =	ssyncadd.s32 $0xFFFFFFFF  }
0x3b: {  	_ =	strace $0x90000054  }
0x3c: {  	_ =	sfence  }
0x3d: {  	s30 =	sld [smem:$0x0];
	_ =	sdelay $0x2  }
0x3e: {  	s31 =	sshll.u32 s1, $0xD;
	s1 =	sshrl.u32 s1, $0x2  }
0x3f: {  	s4 =	sand.u32 $0x4000, s31;
	s1 =	sadd.s32 s1, s30  }
0x40: {  	s0 =	sor.u32 s4, s0;
	s1 =	sshll.u32 s1, $0x11  }
0x41: {  	s0 =	sor.u32 s1, s0  }
0x42: {  	s0 =	sadd.s32 $0x8F2B, s0  }
0x43: {  	[sflag:s0] =	ssyncadd.remote.s32 $0x1  }
0x44: {  	_ =	sfence.sel $0xFFFF  }
0x45: {  	[dreg:$0x0] =	wrdreg $0xFFFFFFFF;
	(pc) =	sbr.abs _section_cstart, $3  }
0x46: {  	[dreg:$0x1] =	wrdreg $0xFFFFFFFF  }
0x47: {  	_ =	task.clear_ibuf [dreg:s23], $0x2FFFF;
	_ =	strace $0x9FFFFFFF  }
0x48: {  	(tm) =	ssettm $0x7FFFFFFF  }
0x49: {  	_ =	shalt  }
tec
execute0_lowered:
.L_overlay_start_1:
0x0: {  	(tag) =	ssettag $0x1  }
0x1: {  	s0 =	stileid.u32  }
0x2: {  	s1 =	srdreg.scid;
	s7 =	rddreg [dreg:$0x0]  }
0x3: {  	s8 =	simm.s32 $0x2;
	s17 =	simm.s32 $0x0;
	s2 =	sshll.u32 s0, $0x7  }
0x4: {  	s9 =	simm.s32 $0x4000;
	s3 =	sshll.u32 s1, $0x4;
	s1 =	sand.u32 $0x380, s2  }
0x5: {  	s19 =	simm.s32 $0x0;
	s30 =	sand.u32 $0x10, s3;
	s4 =	ssub.s32 $0x400, s1  }
0x6: {  	s18 =	simm.s32 $0x0;
	s2 =	sor.u32 s0, s30;
	s5 =	sand.u32 $0x380, s4  }
0x7: {  	s3 =	sshrl.u32 s2, $0x3;
	s2 =	simm.s32 $0x1;
	p0 =	sne.s32 s5, $0x0  }
0x8: {  	s4 =	sshrl.u32 s4, $0xA;
	s31 =	ssub.s32 $0xD, s3;
	s2 =	simm.s32 @!p0 $0x0  }
0x9: {  	s10 =	simm.s32 $0x0;
	s5 =	sshrl.u32 s31, $0x2;
	s4 =	sadd.s32 s2, s4  }
0xa: {  	s11 =	simm.s32 $0x0;
	s12 =	simm.s32 $0x0;
	s6 =	smul.u32 s4, s5  }
.Ltmp0:
0xb: {  	s13 =	simm.s32 $0x0;
	s16 =	simm.s32 $0x0;
	(pc) =	sbr.rel .LBB1_1-.Ltmp0, $4  }
0xc: {  	s15 =	smov.u32 s1;
	s14 =	smov.u32 s3;
	s2 =	rddreg [dreg:$0x1]  }
0xd: {  	_ =	strace $0x80000053;
	s5 =	simm.s32 $0x1;
	s6 =	smul.u32 $0x28, s6  }
0xe: {  	p0 =	por $0x0, $0x0;
	s4 =	sadd.s32 $0x51000, s7;
	[sflag:s5] =	ssyncpa.u1 $0x0  }
0xf: {  	s7 =	sadd.s32 $0xB00E00, s7;
	[sflag:s8] =	ssyncpa.u1 $0x0;
	s8 =	sor.u32 $0x1, s6  }
.LBB1_4:
0x10: {  	s24 =	sshra.s32 s24, $0x2;
	p1 =	sgt.s32 s10, $0x1308;
	s25 =	smov.u32 s11  }
0x11: {  	s26 =	sshra.s32 s11, $0x1F;
	s27 =	sand.u32 $0x78, s12;
	s28 =	sshra.s32 s12, $0x1F  }
0x12: {  	s31 =	sshra.s32 s10, $0x1F;
	s23 =	sadd.s32 s24, s23;
	s24 =	smov.u32 s10  }
0x13: {  	s30 =	sshll.u32 s11, $0xA;
	s24 =	simm.s32 @!p1 $0x1308;
	p1 =	sgt.s32 s11, $0xF  }
0x14: {  	s26 =	sand.u32 s26, s11;
	s28 =	sand.u32 s28, s12;
	s25 =	simm.s32 @!p1 $0xF  }
0x15: {  	v5 =	vld [tilespmem:s21+$0xFFFFFFD0];
	p1 =	sgt.s32 s12, $0x380;
	s25 =	ssub.s32 s25, s26;
	s26 =	smov.u32 s12  }
0x16: {  	[tilespmem:s22+$0x2040 ss:$0x81] =	vst.msk $0xffff, v4;
	v58 =	vld [tilespmem:s21+$0xFFFFFFE0];
	s29 =	sadd.s32 $0xFFFFFFF1, s25;
	s26 =	simm.s32 @!p1 $0x380;
	s25 =	ssub.s32 $0x10, s25  }
0x17: {  	[tilespmem:s22+$0x2850 ss:$0x81] =	vst.msk $0xffff, v3;
	v59 =	vld [tilespmem:s21+$0xFFFFFFF0];
	p1 =	sgt.s32 s29, $0x0;
	s26 =	ssub.s32 s26, s28;
	s29 =	sand.u32 s31, s10  }
0x18: {  	[tilespmem:s22+$0x3060 ss:$0x81] =	vst.msk $0xffff, v2;
	v60 =	vld [tilespmem:s21+$0x0];
	s28 =	sand.u32 $0x2000, s30;
	s30 =	sshll.u32 s12, $0x3;
	s24 =	ssub.s32 s24, s29  }
0x19: {  	[tilespmem:s22+$0x0 ss:$0x81] =	vst.msk $0xffff, v1;
	v61 =	vld [tilespmem:s21+$0x10];
	s25 =	simm.s32 @p1 $0x0;
	s31 =	sadd.s32 $0xFFFFFC80, s26;
	s26 =	ssub.s32 $0x400, s26  }
0x1a: {  	v62 =	vld [tilespmem:s21+$0x20];
	[tilespmem:s23+$0x3870 ss:$0x81] =	vst.msk $0xffff, v0;
	s22 =	sand.u32 $0x3C00, s30;
	p1 =	sgt.s32 s31, $0x7F;
	s29 =	sadd.s32 $0xFFFFECF8, s24  }
0x1b: {  	v63 =	vld [tilespmem:s21+$0xFFFFFFC0];
	[tilespmem:s23+$0x810 ss:$0x81] =	vst.msk $0xffff, v5;
	s31 =	sshll.u32 s11, $0x7;
	s24 =	ssub.s32 $0x1388, s24;
	s21 =	sadd.s32 s22, s28  }
0x1c: {  	[tilespmem:s23+$0x1020 ss:$0x81] =	vst.msk $0xffff, v58;
	s28 =	sand.u32 $0x7, s12;
	s26 =	simm.s32 @p1 $0x0;
	p1 =	sgt.s32 s29, $0x7F  }
0x1d: {  	[tilespmem:s23+$0x1830 ss:$0x81] =	vst.msk $0xffff, v59;
	s21 =	sshrl.u32 s21, $0x3;
	s25 =	smul.u32 s26, s25;
	s26 =	sand.u32 $0x380, s31  }
0x1e: {  	[tilespmem:s23+$0x2040 ss:$0x81] =	vst.msk $0xffff, v60;
	s24 =	simm.s32 @p1 $0x0;
	s22 =	sor.u32 s27, s26;
	s27 =	sshll.u32 s10, $0xB  }
0x1f: {  	[tilespmem:s23+$0x2850 ss:$0x81] =	vst.msk $0xffff, v61;
	s24 =	smul.u32 s24, s25;
	s22 =	sshrl.u32 s22, $0x3;
	s25 =	sadd.s32 s7, s27  }
0x20: {  	[tilespmem:s23+$0x3060 ss:$0x81] =	vst.msk $0xffff, v62;
	s29 =	sshll.u32 s28, $0x12;
	s21 =	sand.u32 $0x780, s21;
	s22 =	sadd.s32 s22, s25  }
0x21: {  	[tilespmem:s23+$0x0 ss:$0x81] =	vst.msk $0xffff, v63;
	s31 =	sor.u32 $0x80, s29;
	s30 =	sand.u32 $0x3FFFFFFF, s24;
	s21 =	sadd.s32 s21, s22  }
0x22: {  	[hbm4b:s21+s31] =	stream.strided.scatter [tilespmem:s20], [sflag:$0x2], s30, s9, s31, $0x20;
	[tilespmem:$0x10100] =	vst v63  }
.LBB1_5:
0x23: {  	p1 =	slt.u32 s16, $0x2;
	s21 =	smov.u32 s19  }
0x24: {  	p2 =	sgt.s32 @!p1 s17, $0x1308;
	s20 =	sshra.s32 @!p1 s17, $0x1F;
	p3 =	sgt.s32 @!p1 s19, $0xF  }
0x25: {  	s22 =	sshra.s32 @!p1 s19, $0x1F;
	p2 =	por !p2, p1;
	s20 =	sand.u32 @!p1 s20, s17  }
0x26: {  	p3 =	por !p3, p1;
	s19 =	sand.u32 @!p1 s22, s19;
	s22 =	sshra.s32 @!p1 s18, $0x1F  }
0x27: {  	s21 =	simm.s32 @p3 $0xF;
	p3 =	sgt.s32 @!p1 s18, $0x380;
	s17 =	simm.s32 @p2 $0x1308  }
0x28: {  	s19 =	ssub.s32 @!p1 s21, s19;
	p3 =	por !p3, p1;
	s21 =	smov.u32 s18  }
0x29: {  	s18 =	sand.u32 @!p1 s22, s18;
	s17 =	ssub.s32 @!p1 s17, s20;
	s21 =	simm.s32 @p3 $0x380  }
0x2a: {  	s20 =	sadd.s32 @!p1 $0xFFFFFFF1, s19;
	s19 =	ssub.s32 @!p1 $0x10, s19;
	s18 =	ssub.s32 @!p1 s21, s18  }
0x2b: {  	s21 =	sadd.s32 @!p1 $0xFFFFECF8, s17;
	p2 =	sgt.s32 @!p1 s20, $0x0;
	s20 =	sadd.s32 @!p1 $0xFFFFFC80, s18  }
0x2c: {  	s17 =	ssub.s32 @!p1 $0x1388, s17;
	p2 =	por !p2, p1;
	p3 =	sgt.s32 @!p1 s20, $0x7F  }
0x2d: {  	s18 =	ssub.s32 @!p1 $0x400, s18;
	s19 =	simm.s32 @!p2 $0x0;
	p2 =	por !p3, p1  }
0x2e: {  	s20 =	sadd.s32 $0x80, s13;
	p3 =	sgt.s32 @!p1 s21, $0x7F;
	s18 =	simm.s32 @!p2 $0x0  }
0x2f: {  	s21 =	smov.u32 s14;
	p2 =	por !p3, p1;
	s18 =	smul.u32 @!p1 s18, s19  }
0x30: {  	s17 =	simm.s32 @!p2 $0x0;
	p2 =	sgt.s32 s20, $0x1387;
	s19 =	sadd.s32 $0x4, s14  }
0x31: {  	s22 =	smov.u32 s15;
	s21 =	smov.u32 @p2 s19  }
0x32: {  	s17 =	smul.u32 @!p1 s17, s18;
	p3 =	sgt.s32 s21, $0x9;
	s18 =	sadd.s32 $0x400, s15  }
0x33: {  	p0 =	por !p0, !p0;
	s23 =	simm.s32 @!p1 $0x2;
	s22 =	smov.u32 @p3 s18  }
0x34: {  	s20 =	simm.s32 @p2 $0x0;
	s19 =	smov.u32 s11;
	p2 =	sgt.s32 s22, $0x3FF  }
0x35: {  	s11 =	smov.u32 s14;
	s22 =	smov.u32 @p2 s1;
	p2 =	sne.s32 s16, s8  }
.Ltmp1:
0x36: {  	s21 =	smov.u32 @p3 s3;
	s18 =	smov.u32 s12;
	(pc) =	sbr.rel @!p2 .LBB1_6-.Ltmp1, $4  }
0x37: {  	s12 =	smov.u32 s15;
	s17 =	sand.u32 @!p1 $0x3FFFFFFF, s17;
	s14 =	smov.u32 s21  }
0x38: {  	_ =	swait.ge @!p1 [sflag:s23], s17;
	s24 =	ssub.s32 @!p1 $0x0, s17;
	s17 =	smov.u32 s10  }
0x39: {  	s16 =	sadd.s32 $0x1, s16;
	s10 =	smov.u32 s13;
	[sflag:s23] =	ssyncset.done @!p1 $0x0  }
0x3a: {  	s13 =	smov.u32 s20;
	s15 =	smov.u32 s22;
	[sflag:s23] =	ssyncadd.s32 @!p1 s24  }
.LBB1_1:
0x3b: {  	p1 =	sge.u32 s16, s6  }
0x3c: {  	s20 =	sshrl.u32 @!p1 s14, $0x3  }
0x3d: {  	s21 =	sshll.u32 @!p1 s13, $0x3;
	s22 =	sshll.u32 @!p1 s14, $0x7;
	s20 =	smul.u32 @!p1 $0xA000, s20  }
0x3e: {  	s23 =	sand.u32 @!p1 $0x7F, s13;
	s21 =	sand.u32 @!p1 $0xFFFFFC00, s21;
	s22 =	sand.u32 @!p1 $0x380, s22  }
0x3f: {  	s20 =	sadd.s32 @!p1 s20, s21;
	s21 =	sor.u32 @!p1 s23, s22  }
0x40: {  	s21 =	sor.u32 @!p1 s20, s21  }
0x41: {  	s22 =	smulhi.u32 @!p1 $0xCCCCCCCD, s21  }
0x42: {  	s20 =	smulhi.u32 @!p1 $0xCCCCCCCD, s20  }
0x43: {  	s22 =	sshrl.u32 @!p1 s22, $0xC  }
0x44: {  	s31 =	sadd.s32 $0xFFFFFFFF, s16;
	s20 =	sshrl.u32 @!p1 s20, $0xC;
	s22 =	smul.u32 @!p1 $0x1400, s22  }
0x45: {  	s24 =	smul.u32 @!p1 $0x2800, s15;
	s23 =	sxor.u32 @!p1 $0xFFFFFFFF, s16;
	s20 =	sand.u32 @!p1 $0xF, s20  }
0x46: {  	s23 =	sshll.u32 @!p1 s23, $0xE;
	s20 =	smul.u32 @!p1 $0x280, s20;
	s21 =	ssub.s32 @!p1 s21, s22  }
0x47: {  	s22 =	sand.u32 @!p1 $0x4000, s23;
	s23 =	sadd.s32 @!p1 s4, s24;
	s24 =	sand.u32 @!p1 $0x7, s21  }
0x48: {  	s21 =	sshrl.u32 @!p1 s21, $0x3;
	s20 =	sadd.s32 @!p1 s20, s23;
	s23 =	sshll.u32 @!p1 s24, $0x12  }
0x49: {  	s20 =	sadd.s32 @!p1 s21, s20;
	s21 =	sor.u32 @!p1 $0x80, s23;
	s23 =	simm.s32 @!p1 $0x14000  }
0x4a: {  	[tilespmem:s22], [sflag:$0x1] =	stream.strided.gather @!p1 [hbm4b:s20+s21], $0x4000, s23, s21, $0x38;
	[tilespmem:$0x10100] =	vst v63  }
0x4b: {  	p1 =	sge.u32 s31, s6  }
.Ltmp2:
0x4c: {  	_ = 	snop;
	(pc) =	sbr.rel @p1 .LBB1_5-.Ltmp2, $1  }
0x4d: {  	_ =	sdelay $0x3  }
0x4e: {  	s20 =	simm.s32 $0x1  }
0x4f: {  	_ =	swait.ge [sflag:s5], $0x4000;
	s20 =	simm.s32 @!p0 $0x0  }
0x50: {  	[sflag:s5] =	ssyncset.done $0x0;
	s21 =	sshll.u32 s20, $0xE  }
0x51: {  	[sflag:s5] =	ssyncadd.s32 $0xFFFFC000;
	s21 =	sor.u32 $0x40, s21  }
0x52: {  	s20 =	smul.u32 $0x10200, s20;
	v0 =	vld [tilespmem:s21+$0x30]  }
0x53: {  	v1 =	vld [tilespmem:s21+$0xFFFFFFD0]  }
0x54: {  	s20 =	sshrl.u32 s20, $0x2;
	v5 =	vld [tilespmem:s21+$0xFFFFFFE0]  }
0x55: {  	v6 =	vld [tilespmem:s21+$0xFFFFFFF0];
	s23 =	sor.u32 $0x8000, s20  }
0x56: {  	s31 =	sand.u32 $0x1, s16;
	v4 =	vld [tilespmem:s21+$0x0];
	s22 =	sadd.s32 $0x0, s23  }
0x57: {  	v3 =	vld [tilespmem:s21+$0x10];
	s20 =	smul.u32 $0x10200, s31;
	[tilespmem:s22+$0x3870 ss:$0x81] =	vst.msk $0xffff, v0  }
0x58: {  	v2 =	vld [tilespmem:s21+$0x20];
	[tilespmem:s22+$0x810 ss:$0x81] =	vst.msk $0xffff, v1  }
0x59: {  	s20 =	sshrl.u32 s20, $0x2;
	v1 =	vld [tilespmem:s21+$0xFFFFFFC0];
	[tilespmem:s22+$0x1020 ss:$0x81] =	vst.msk $0xffff, v5;
	s21 =	sadd.s32 $0x80, s21  }
0x5a: {  	s24 =	simm.s32 $0x4;
	s25 =	simm.s32 $0x8;
	s20 =	sor.u32 $0x8000, s20;
	[tilespmem:s22+$0x1830 ss:$0x81] =	vst.msk $0xffff, v6;
	v0 =	vld [tilespmem:s21+$0x30]  }
.LBB1_3:
0x5b: {  	p1 =	sne.s32 s25, $0x1FC;
	v5 =	vld [tilespmem:s21+$0xFFFFFFD0];
	[tilespmem:s22+$0x2040 ss:$0x81] =	vst.msk $0xffff, v4  }
0x5c: {  	v6 =	vld [tilespmem:s21+$0xFFFFFFE0];
	[tilespmem:s22+$0x2850 ss:$0x81] =	vst.msk $0xffff, v3  }
0x5d: {  	s26 =	sshra.s32 s24, $0x2;
	s24 =	smov.u32 s25;
	v7 =	vld [tilespmem:s21+$0xFFFFFFF0];
	[tilespmem:s22+$0x3060 ss:$0x81] =	vst.msk $0xffff, v2  }
.Ltmp3:
0x5e: {  	v4 =	vld [tilespmem:s21+$0x0];
	[tilespmem:s22+$0x0 ss:$0x81] =	vst.msk $0xffff, v1;
	s22 =	sadd.s32 s26, s23;
	(pc) =	sbr.rel @p1 .LBB1_3-.Ltmp3, $4  }
0x5f: {  	v3 =	vld [tilespmem:s21+$0x10];
	[tilespmem:s22+$0x3870 ss:$0x81] =	vst.msk $0xffff, v0  }
0x60: {  	[tilespmem:s22+$0x810 ss:$0x81] =	vst.msk $0xffff, v5;
	v2 =	vld [tilespmem:s21+$0x20]  }
0x61: {  	v1 =	vld [tilespmem:s21+$0xFFFFFFC0];
	[tilespmem:s22+$0x1020 ss:$0x81] =	vst.msk $0xffff, v6;
	s21 =	sadd.s32 $0x80, s21  }
0x62: {  	s25 =	sadd.s32 $0x4, s25;
	v0 =	vld [tilespmem:s21+$0x30];
	[tilespmem:s22+$0x1830 ss:$0x81] =	vst.msk $0xffff, v7  }
.Ltmp4:
0x63: {  	_ = 	snop;
	(pc) =	sbr.rel .LBB1_4-.Ltmp4, $1  }
0x64: {  	_ =	sdelay $0x3  }
.LBB1_6:
0x65: {  	_ =	sfence.sel $0x180000  }
0x66: {  	s1 =	simm.s32 $0x1;
	[bflag:$0x0] =	sbarrier.arrive $0xFFFF  }
0x67: {  	s31 =	simm.s32 $0x2;
	[sflag:s1] =	ssyncpa.u1 $0x1  }
0x68: {  	[sflag:s31] =	ssyncpa.u1 $0x1  }
0x69: {  	p0 =	sne.s32 s0, $0x0;
	_ =	strace $0x90000053  }
0x6a: {  	s0 =	sadd.s32 @!p0 $0x100000, s2;
	[bflag:$0x2] =	sbarrier.arrive $0xFFFF  }
0x6b: {  	[sflag:s0] =	ssyncadd.tile.s32 @!p0 $0x1;
	_ =	shalt  }
.Lfunc_end1:
_tile_overlayer_lowered:
.L_overlay_start_2:
0x6c: {  	(tag) =	ssettag $0x2  }
0x6d: {  	s0 =	rddreg [dreg:$0x0];
	s2 =	stileid.u32  }
0x6e: {  	s1 =	rddreg [dreg:$0x1];
	p0 =	sne.s32 s2, $0x0  }
0x6f: {  	s3 =	rddreg [dreg:$0x2];
	[bflag:$0x3] =	sbarrier.arrive $0xFFFF;
	s2 =	simm.s32 @!p0 $0x1C01  }
0x70: {  	[timem:s3], [sflag:s2] =	dma.local @!p0 [hbm:s0], s1  }
0x71: {  	s0 =	simm.s32 @!p0 $0x1  }
0x72: {  	_ =	swait.ge @!p0 [sflag:s0], s1  }
0x73: {  	s1 =	ssub.s32 @!p0 $0x0, s1;
	[sflag:s0] =	ssyncset.done @!p0 $0x0  }
0x74: {  	[sflag:s0] =	ssyncadd.s32 @!p0 s1  }
0x75: {  	[bflag:$0x3] =	sbarrier.arrive $0xFFFF  }
0x76: {  	_ =	shalt  }

</sc_bundles>
